<compile_context>
chip_gen: v7x
topology: tpu7x:2x2x1
jax: 0.10.2.dev20260603
libtpu: 0.0.44.dev20260713+nightly
codegen_flags: <defaults>
</compile_context>

<pallas_src>
import functools

import jax
import jax.numpy as jnp
from jax import lax
from jax.experimental import pallas as pl
from jax.experimental.pallas import tpu as pltpu
from jax.experimental.pallas import tpu_sc as plsc

N = 10000
E = 160000
RAW = 119
H = 300
C = 2
B = 10

HALF = 150
HP = 160
NC = 2
NS = 16
EPT = E // NS
K = 125
NCH = EPT // K
NG = 1
GCH = NCH // NG
RPT = N // NS
BN = 1000
NB = N // BN

_f32 = jnp.float32
_bf16 = jnp.bfloat16




def _sc_body(src3, dst3, zrows, m0, m1, agg0, agg1,
             src_v, dst_v, rows0, rows1, rows2, rows3, shared,
             sem0, sem1, sem2, sem3):
  c = lax.axis_index("c")
  s = lax.axis_index("s")

  pltpu.sync_copy(zrows, shared.at[pl.ds(s * RPT, RPT)])
  plsc.subcore_barrier()

  RING = 4

  def accumulate(m_ref):
    bufs = (rows0, rows1, rows2, rows3)
    sems = (sem0, sem1, sem2, sem3)
    for g in range(NG):
      pltpu.sync_copy(src3.at[s, pl.ds(g * GCH, GCH)], src_v)
      pltpu.sync_copy(dst3.at[s, pl.ds(g * GCH, GCH)], dst_v)

      for u in range(RING - 1):
        pltpu.async_copy(m_ref.at[src_v.at[u]], bufs[u], sems[u])

      def body(jj, carry):
        for u in range(RING):
          j = jj * RING + u
          b, e = bufs[u], sems[u]
          pltpu.make_async_copy(m_ref.at[src_v.at[j]], b, e).wait()

          @pl.when(j + RING - 1 < GCH)
          def _():
            nb = bufs[(u + RING - 1) % RING]
            ne = sems[(u + RING - 1) % RING]
            pltpu.async_copy(m_ref.at[src_v.at[j + RING - 1]], nb, ne)

          pltpu.sync_copy(b, shared.at[dst_v.at[j]], add=True)
        return carry

      lax.fori_loop(0, GCH // RING, body, 0)

  @pl.when(c == 0)
  def _():
    accumulate(m0)

  @pl.when(c == 1)
  def _():
    accumulate(m1)

  plsc.subcore_barrier()

  def writeback(agg_ref):
    pltpu.sync_copy(shared.at[pl.ds(s * RPT, RPT)],
                    agg_ref.at[pl.ds(s * RPT, RPT)])

  @pl.when(c == 0)
  def _():
    writeback(agg0)

  @pl.when(c == 1)
  def _():
    writeback(agg1)


@functools.cache
def _make_scatter_gather():
  return pl.kernel(
      _sc_body,
      out_type=(
          jax.ShapeDtypeStruct((N, HP), _bf16),
          jax.ShapeDtypeStruct((N, HP), _bf16),
      ),
      mesh=plsc.VectorSubcoreMesh(core_axis_name="c", subcore_axis_name="s",
                                  num_cores=NC, num_subcores=NS),
      compiler_params=pltpu.CompilerParams(use_tc_tiling_on_sc=False),
      scratch_types=[
          pltpu.VMEM((GCH, K), jnp.int32),
          pltpu.VMEM((GCH, K), jnp.int32),
          pltpu.VMEM((K, HP), _bf16),
          pltpu.VMEM((K, HP), _bf16),
          pltpu.VMEM((K, HP), _bf16),
          pltpu.VMEM((K, HP), _bf16),
          pltpu.VMEM_SHARED((N, HP), _bf16),
          pltpu.SemaphoreType.DMA,
          pltpu.SemaphoreType.DMA,
          pltpu.SemaphoreType.DMA,
          pltpu.SemaphoreType.DMA,
      ],
  )


def _scatter_gather(src3, dst3, zrows, m0, m1):
  return _make_scatter_gather()(src3, dst3, zrows, m0, m1)




def _lift_msg_body(x, wl, bl, w0, b0, w1, b1, m0, m1):
  h = jnp.dot(x[...].astype(_bf16), wl[...],
              preferred_element_type=_f32) + bl[...]
  hb = h.astype(_bf16)
  m0[...] = jax.nn.relu(jnp.dot(hb, w0[...], preferred_element_type=_f32)
                        + b0[...]).astype(_bf16)
  m1[...] = jax.nn.relu(jnp.dot(hb, w1[...], preferred_element_type=_f32)
                        + b1[...]).astype(_bf16)


def _mid_body(a0, a1, wa, wb, bo, w0, b0, w1, b1, m0, m1):
  h = jax.nn.relu(jnp.dot(a0[...], wa[...], preferred_element_type=_f32)
                  + jnp.dot(a1[...], wb[...], preferred_element_type=_f32)
                  + bo[...])
  hb = h.astype(_bf16)
  m0[...] = jax.nn.relu(jnp.dot(hb, w0[...], preferred_element_type=_f32)
                        + b0[...]).astype(_bf16)
  m1[...] = jax.nn.relu(jnp.dot(hb, w1[...], preferred_element_type=_f32)
                        + b1[...]).astype(_bf16)


def _readout_body(a0, a1, wa, wb, bo, wro, bro, gid, out):
  h = jax.nn.relu(jnp.dot(a0[...], wa[...], preferred_element_type=_f32)
                  + jnp.dot(a1[...], wb[...], preferred_element_type=_f32)
                  + bo[...])
  nl = jnp.dot(h, wro[...], preferred_element_type=_f32) + bro[...]
  gids = lax.broadcasted_iota(jnp.int32, (BN, 16), 1)
  onehot = (gid[...] == gids).astype(_f32)
  contrib = lax.dot_general(onehot, nl, (((0,), (0,)), ((), ())),
                            preferred_element_type=_f32)

  @pl.when(pl.program_id(0) == 0)
  def _():
    out[...] = jnp.zeros_like(out)

  out[...] += contrib


def _full(shape):
  return pl.BlockSpec(shape, lambda i: (0,) * len(shape))


def _rows(width):
  return pl.BlockSpec((BN, width), lambda i: (i, 0))


_lift_msg = pl.pallas_call(
    _lift_msg_body,
    grid=(NB,),
    in_specs=[_rows(RAW), _full((RAW, H)), _full((1, H)),
              _full((H, HP)), _full((1, HP)), _full((H, HP)), _full((1, HP))],
    out_specs=[_rows(HP), _rows(HP)],
    out_shape=[jax.ShapeDtypeStruct((N, HP), _bf16)] * 2,
)

_mid = pl.pallas_call(
    _mid_body,
    grid=(NB,),
    in_specs=[_rows(HP), _rows(HP),
              _full((HP, H)), _full((HP, H)), _full((1, H)),
              _full((H, HP)), _full((1, HP)), _full((H, HP)), _full((1, HP))],
    out_specs=[_rows(HP), _rows(HP)],
    out_shape=[jax.ShapeDtypeStruct((N, HP), _bf16)] * 2,
)

_readout = pl.pallas_call(
    _readout_body,
    grid=(NB,),
    in_specs=[_rows(HP), _rows(HP),
              _full((HP, H)), _full((HP, H)), _full((1, H)),
              _full((H, 128)), _full((1, 128)), _rows(1)],
    out_specs=pl.BlockSpec((16, 128), lambda i: (0, 0)),
    out_shape=jax.ShapeDtypeStruct((16, 128), _f32),
)




def _split_cols(w, b):
  pad = jnp.zeros((H, HP - HALF), _bf16)
  bpad = jnp.zeros((1, HP - HALF), _f32)
  wb16 = w.astype(_bf16)
  w0 = jnp.concatenate([wb16[:, :HALF], pad], axis=1)
  w1 = jnp.concatenate([wb16[:, HALF:], pad], axis=1)
  b0 = jnp.concatenate([b[:HALF][None], bpad], axis=1)
  b1 = jnp.concatenate([b[HALF:][None], bpad], axis=1)
  return w0, b0, w1, b1


def _split_rows(w):
  pad = jnp.zeros((HP - HALF, H), _bf16)
  wb16 = w.astype(_bf16)
  wa = jnp.concatenate([wb16[:HALF, :], pad], axis=0)
  wb = jnp.concatenate([wb16[HALF:, :], pad], axis=0)
  return wa, wb


def kernel(x, edge_index, graph_ids, W_lift, b_lift, W_ro, b_ro,
           W_msg0, b_msg0, W_out0, b_out0,
           W_msg1, b_msg1, W_out1, b_out1,
           W_msg2, b_msg2, W_out2, b_out2):
  src3 = edge_index[0].reshape(NS, NCH, K)
  dst3 = edge_index[1].reshape(NS, NCH, K)
  zrows = jnp.zeros((RPT, HP), _bf16)

  w00, b00, w01, b01 = _split_cols(W_msg0, b_msg0)
  w10, b10, w11, b11 = _split_cols(W_msg1, b_msg1)
  w20, b20, w21, b21 = _split_cols(W_msg2, b_msg2)
  wa0, wb0 = _split_rows(W_out0)
  wa1, wb1 = _split_rows(W_out1)
  wa2, wb2 = _split_rows(W_out2)

  wro = jnp.zeros((H, 128), _f32).at[:, :C].set(W_ro)
  bro = jnp.zeros((1, 128), _f32).at[0, :C].set(b_ro)

  m0, m1 = _lift_msg(x, W_lift.astype(_bf16), b_lift.reshape(1, H),
                     w00, b00, w01, b01)
  a0, a1 = _scatter_gather(src3, dst3, zrows, m0, m1)

  m0, m1 = _mid(a0, a1, wa0, wb0, b_out0.reshape(1, H), w10, b10, w11, b11)
  a0, a1 = _scatter_gather(src3, dst3, zrows, m0, m1)

  m0, m1 = _mid(a0, a1, wa1, wb1, b_out1.reshape(1, H), w20, b20, w21, b21)
  a0, a1 = _scatter_gather(src3, dst3, zrows, m0, m1)

  acc = _readout(a0, a1, wa2, wb2, b_out2.reshape(1, H), wro, bro,
                 graph_ids.reshape(N, 1))
  return acc[:B, :C]

# --- scband reference (transcript-rebuilt; emitter-appended) ---
"""Pipeline reference for scband-model-32830730011015 (READ-ONLY COPY).

The authoritative reference and input builder live on the scoring server;
editing this copy changes nothing except your own understanding.
"""

import jax, jax.numpy as jnp
import numpy as np

N = 10000
E = 160000
RAW = 119
H = 300
C = 2
B = 10


def setup_inputs(seed: int = 0) -> dict:
    key = jax.random.key(seed)
    ks = jax.random.split(key, 24)
    s = 0.05
    x = jax.random.normal(ks[0], (N, RAW), dtype=jnp.float32)
    edge_index = jax.random.randint(ks[1], (2, E), 0, N, dtype=jnp.int32)
    graph_ids = jnp.sort(jax.random.randint(ks[2], (N,), 0, B, dtype=jnp.int32))
    inp = {
        'x': x,
        'edge_index': edge_index,
        'graph_ids': graph_ids,
        'W_lift': s * jax.random.normal(ks[3], (RAW, H), dtype=jnp.float32),
        'b_lift': jnp.zeros((H,), dtype=jnp.float32),
        'W_ro': s * jax.random.normal(ks[4], (H, C), dtype=jnp.float32),
        'b_ro': jnp.zeros((C,), dtype=jnp.float32),
    }
    for i in range(3):
        inp['W_msg%d' % i] = s * jax.random.normal(ks[5 + 4 * i], (H, H), dtype=jnp.float32)
        inp['b_msg%d' % i] = jnp.zeros((H,), dtype=jnp.float32)
        inp['W_out%d' % i] = s * jax.random.normal(ks[6 + 4 * i], (H, H), dtype=jnp.float32)
        inp['b_out%d' % i] = jnp.zeros((H,), dtype=jnp.float32)
    return inp


def _mp_layer(h, src, dst, W_msg, b_msg, W_out, b_out):
    # message: Dense(H, relu) applied to source node features per edge
    msg = jax.nn.relu(jnp.take(h, src, axis=0) @ W_msg + b_msg)
    # reduce: sum messages into destination nodes (scatter-add)
    agg = jax.ops.segment_sum(msg, dst, num_segments=N)
    # output layer: Dense(H, relu) on all node feats
    return jax.nn.relu(agg @ W_out + b_out)


def reference(x, edge_index, graph_ids, W_lift, b_lift, W_ro, b_ro,
              W_msg0, b_msg0, W_out0, b_out0,
              W_msg1, b_msg1, W_out1, b_out1,
              W_msg2, b_msg2, W_out2, b_out2):
    src = edge_index[0]
    dst = edge_index[1]
    # lift layer (no activation)
    h = x @ W_lift + b_lift
    # three rounds of message passing
    h = _mp_layer(h, src, dst, W_msg0, b_msg0, W_out0, b_out0)
    h = _mp_layer(h, src, dst, W_msg1, b_msg1, W_out1, b_out1)
    h = _mp_layer(h, src, dst, W_msg2, b_msg2, W_out2, b_out2)
    # readout: project to num_classes, then sum nodes per graph (dgl.sum_nodes)
    node_logits = h @ W_ro + b_ro
    logits = jax.ops.segment_sum(node_logits, graph_ids, num_segments=B)
    return logits

if __name__ == "__main__":
    import jax
    _d = setup_inputs()
    print(jax.jit(kernel)(*tuple(_d.values())))

</pallas_src>

<mosaic_0001>
#map = affine_map<(d0, d1) -> (0, 0, 0)>
#map1 = affine_map<(d0, d1) -> (0, 0)>
module attributes {stable_mosaic.version = 14 : i64} {
  func.func @_sc_body(%arg0: i32, %arg1: i32, %arg2: memref<16x80x125xi32, #tpu.memory_space<hbm>>, %arg3: memref<16x80x125xi32, #tpu.memory_space<hbm>>, %arg4: memref<625x160xbf16, #tpu.memory_space<hbm>>, %arg5: memref<10000x160xbf16, #tpu.memory_space<hbm>>, %arg6: memref<10000x160xbf16, #tpu.memory_space<hbm>>, %arg7: memref<10000x160xbf16, #tpu.memory_space<hbm>>, %arg8: memref<10000x160xbf16, #tpu.memory_space<hbm>>, %arg9: memref<80x125xi32, #tpu.memory_space<vmem>>, %arg10: memref<80x125xi32, #tpu.memory_space<vmem>>, %arg11: memref<125x160xbf16, #tpu.memory_space<vmem>>, %arg12: memref<125x160xbf16, #tpu.memory_space<vmem>>, %arg13: memref<125x160xbf16, #tpu.memory_space<vmem>>, %arg14: memref<125x160xbf16, #tpu.memory_space<vmem>>, %arg15: memref<10000x160xbf16, #tpu.memory_space<vmem_shared>>, %arg16: memref<!tpu.dma_semaphore, #tpu.memory_space<semaphore_mem>>, %arg17: memref<!tpu.dma_semaphore, #tpu.memory_space<semaphore_mem>>, %arg18: memref<!tpu.dma_semaphore, #tpu.memory_space<semaphore_mem>>, %arg19: memref<!tpu.dma_semaphore, #tpu.memory_space<semaphore_mem>>) attributes {dimension_semantics = [#tpu.dimension_semantics<core_parallel>, #tpu.dimension_semantics<subcore_parallel>], iteration_bounds = array<i64: 2, 16>, scalar_prefetch = 0 : i64, scratch_operands = 11 : i64, tpu.core_type = #tpu.core_type<sc_vector_subcore>, window_params = [{transform_indices = #map}, {transform_indices = #map}, {transform_indices = #map1}, {transform_indices = #map1}, {transform_indices = #map1}, {transform_indices = #map1}, {transform_indices = #map1}]} {
    %mul3A = arith.constant 625 : i32
    %mul3A_0 = arith.muli %arg1, %mul3A : i32
    "tpu.region"() ({
      %run_scoped3A = tpu.sem_alloc : memref<!tpu.dma_semaphore, #tpu.memory_space<semaphore_mem>>
      %dma_start3A = arith.constant 0 : i32
      %dma_start3A_19 = tpu.memref_slice %arg15[%mul3A_0, %dma_start3A] : memref<10000x160xbf16, #tpu.memory_space<vmem_shared>> -> memref<625x160xbf16, #tpu.memory_space<vmem_shared>>
      tpu.enqueue_dma source(%arg4 : memref<625x160xbf16, #tpu.memory_space<hbm>>) target(%dma_start3A_19 : memref<625x160xbf16, #tpu.memory_space<vmem_shared>>) target_semaphore(%run_scoped3A : memref<!tpu.dma_semaphore, #tpu.memory_space<semaphore_mem>>)
      %dma_wait3A = arith.constant 0 : i32
      %dma_wait3A_20 = tpu.memref_slice %arg15[%mul3A_0, %dma_wait3A] : memref<10000x160xbf16, #tpu.memory_space<vmem_shared>> -> memref<625x160xbf16, #tpu.memory_space<vmem_shared>>
      tpu.wait_dma2 semaphore(%run_scoped3A : memref<!tpu.dma_semaphore, #tpu.memory_space<semaphore_mem>>) src(%arg4 : memref<625x160xbf16, #tpu.memory_space<hbm>>) dst(%dma_wait3A_20 : memref<625x160xbf16, #tpu.memory_space<vmem_shared>>)
      tpu.yield
    }) : () -> ()
    %barrier3A = arith.constant 0 : index
    tpu.barrier barrier_id(%barrier3A)
    %eq3A = arith.constant 0 : i32
    %eq3A_1 = arith.cmpi eq, %arg0, %eq3A : i32
    %convert_element_type3A = arith.extui %eq3A_1 : i1 to i32
    %cond3A = arith.constant 0 : i32
    %cond3A_2 = arith.cmpi ne, %convert_element_type3A, %cond3A : i32
    scf.if %cond3A_2 {
      "tpu.region"() ({
        %run_scoped3A = tpu.sem_alloc : memref<!tpu.dma_semaphore, #tpu.memory_space<semaphore_mem>>
        %dma_start3A_44 = arith.constant 0 : i32
        %dma_start3A_45 = arith.constant 0 : i32
        %dma_start3A_46 = tpu.memref_slice %arg2[%arg1, %dma_start3A_44, %dma_start3A_45] : memref<16x80x125xi32, #tpu.memory_space<hbm>> -> memref<1x80x125xi32, #tpu.memory_space<hbm>>
        %dma_start3A_47 = tpu.memref_squeeze %dma_start3A_46 : memref<1x80x125xi32, #tpu.memory_space<hbm>> -> memref<80x125xi32, #tpu.memory_space<hbm>>
        %dma_start3A_48 = arith.constant 0 : i32
        %dma_start3A_49 = arith.constant 0 : i32
        %dma_start3A_50 = tpu.memref_slice %arg2[%arg1, %dma_start3A_48, %dma_start3A_49] : memref<16x80x125xi32, #tpu.memory_space<hbm>> -> memref<1x80x125xi32, #tpu.memory_space<hbm>>
        %dma_start3A_51 = tpu.memref_squeeze %dma_start3A_50 : memref<1x80x125xi32, #tpu.memory_space<hbm>> -> memref<80x125xi32, #tpu.memory_space<hbm>>
        tpu.enqueue_dma source(%dma_start3A_51 : memref<80x125xi32, #tpu.memory_space<hbm>>) target(%arg9 : memref<80x125xi32, #tpu.memory_space<vmem>>) target_semaphore(%run_scoped3A : memref<!tpu.dma_semaphore, #tpu.memory_space<semaphore_mem>>)
        %dma_wait3A = arith.constant 0 : i32
        %dma_wait3A_52 = arith.constant 0 : i32
        %dma_wait3A_53 = tpu.memref_slice %arg2[%arg1, %dma_wait3A, %dma_wait3A_52] : memref<16x80x125xi32, #tpu.memory_space<hbm>> -> memref<1x80x125xi32, #tpu.memory_space<hbm>>
        %dma_wait3A_54 = tpu.memref_squeeze %dma_wait3A_53 : memref<1x80x125xi32, #tpu.memory_space<hbm>> -> memref<80x125xi32, #tpu.memory_space<hbm>>
        %dma_wait3A_55 = arith.constant 0 : i32
        %dma_wait3A_56 = arith.constant 0 : i32
        %dma_wait3A_57 = tpu.memref_slice %arg2[%arg1, %dma_wait3A_55, %dma_wait3A_56] : memref<16x80x125xi32, #tpu.memory_space<hbm>> -> memref<1x80x125xi32, #tpu.memory_space<hbm>>
        %dma_wait3A_58 = tpu.memref_squeeze %dma_wait3A_57 : memref<1x80x125xi32, #tpu.memory_space<hbm>> -> memref<80x125xi32, #tpu.memory_space<hbm>>
        tpu.wait_dma2 semaphore(%run_scoped3A : memref<!tpu.dma_semaphore, #tpu.memory_space<semaphore_mem>>) src(%dma_wait3A_58 : memref<80x125xi32, #tpu.memory_space<hbm>>) dst(%arg9 : memref<80x125xi32, #tpu.memory_space<vmem>>)
        tpu.yield
      }) : () -> ()
      "tpu.region"() ({
        %run_scoped3A = tpu.sem_alloc : memref<!tpu.dma_semaphore, #tpu.memory_space<semaphore_mem>>
        %dma_start3A_44 = arith.constant 0 : i32
        %dma_start3A_45 = arith.constant 0 : i32
        %dma_start3A_46 = tpu.memref_slice %arg3[%arg1, %dma_start3A_44, %dma_start3A_45] : memref<16x80x125xi32, #tpu.memory_space<hbm>> -> memref<1x80x125xi32, #tpu.memory_space<hbm>>
        %dma_start3A_47 = tpu.memref_squeeze %dma_start3A_46 : memref<1x80x125xi32, #tpu.memory_space<hbm>> -> memref<80x125xi32, #tpu.memory_space<hbm>>
        %dma_start3A_48 = arith.constant 0 : i32
        %dma_start3A_49 = arith.constant 0 : i32
        %dma_start3A_50 = tpu.memref_slice %arg3[%arg1, %dma_start3A_48, %dma_start3A_49] : memref<16x80x125xi32, #tpu.memory_space<hbm>> -> memref<1x80x125xi32, #tpu.memory_space<hbm>>
        %dma_start3A_51 = tpu.memref_squeeze %dma_start3A_50 : memref<1x80x125xi32, #tpu.memory_space<hbm>> -> memref<80x125xi32, #tpu.memory_space<hbm>>
        tpu.enqueue_dma source(%dma_start3A_51 : memref<80x125xi32, #tpu.memory_space<hbm>>) target(%arg10 : memref<80x125xi32, #tpu.memory_space<vmem>>) target_semaphore(%run_scoped3A : memref<!tpu.dma_semaphore, #tpu.memory_space<semaphore_mem>>)
        %dma_wait3A = arith.constant 0 : i32
        %dma_wait3A_52 = arith.constant 0 : i32
        %dma_wait3A_53 = tpu.memref_slice %arg3[%arg1, %dma_wait3A, %dma_wait3A_52] : memref<16x80x125xi32, #tpu.memory_space<hbm>> -> memref<1x80x125xi32, #tpu.memory_space<hbm>>
        %dma_wait3A_54 = tpu.memref_squeeze %dma_wait3A_53 : memref<1x80x125xi32, #tpu.memory_space<hbm>> -> memref<80x125xi32, #tpu.memory_space<hbm>>
        %dma_wait3A_55 = arith.constant 0 : i32
        %dma_wait3A_56 = arith.constant 0 : i32
        %dma_wait3A_57 = tpu.memref_slice %arg3[%arg1, %dma_wait3A_55, %dma_wait3A_56] : memref<16x80x125xi32, #tpu.memory_space<hbm>> -> memref<1x80x125xi32, #tpu.memory_space<hbm>>
        %dma_wait3A_58 = tpu.memref_squeeze %dma_wait3A_57 : memref<1x80x125xi32, #tpu.memory_space<hbm>> -> memref<80x125xi32, #tpu.memory_space<hbm>>
        tpu.wait_dma2 semaphore(%run_scoped3A : memref<!tpu.dma_semaphore, #tpu.memory_space<semaphore_mem>>) src(%dma_wait3A_58 : memref<80x125xi32, #tpu.memory_space<hbm>>) dst(%arg10 : memref<80x125xi32, #tpu.memory_space<vmem>>)
        tpu.yield
      }) : () -> ()
      %dma_start3A = arith.constant 0 : i32
      %dma_start3A_19 = arith.constant 0 : i32
      %dma_start3A_20 = tpu.memref_slice %arg9[%dma_start3A, %dma_start3A_19] : memref<80x125xi32, #tpu.memory_space<vmem>> -> memref<1x125xi32, #tpu.memory_space<vmem>>
      %dma_start3A_21 = tpu.memref_squeeze %dma_start3A_20 : memref<1x125xi32, #tpu.memory_space<vmem>> -> memref<125xi32, #tpu.memory_space<vmem>>
      %dma_start3A_22 = arith.constant 0 : i32
      %dma_start3A_23 = arith.constant 0 : i32
      %dma_start3A_24 = tpu.memref_slice %arg5[%dma_start3A_22, %dma_start3A_23] : memref<10000x160xbf16, #tpu.memory_space<hbm>> -> memref<10000x160xbf16, #tpu.memory_space<hbm>>
      tpu.enqueue_indirect_dma source(%dma_start3A_24 : memref<10000x160xbf16, #tpu.memory_space<hbm>>) target(%arg11 : memref<125x160xbf16, #tpu.memory_space<vmem>>) offsets(%dma_start3A_21 : memref<125xi32, #tpu.memory_space<vmem>>) semaphore(%arg16 : memref<!tpu.dma_semaphore, #tpu.memory_space<semaphore_mem>>)
      %dma_start3A_25 = arith.constant 1 : i32
      %dma_start3A_26 = arith.constant 0 : i32
      %dma_start3A_27 = tpu.memref_slice %arg9[%dma_start3A_25, %dma_start3A_26] : memref<80x125xi32, #tpu.memory_space<vmem>> -> memref<1x125xi32, #tpu.memory_space<vmem>>
      %dma_start3A_28 = tpu.memref_squeeze %dma_start3A_27 : memref<1x125xi32, #tpu.memory_space<vmem>> -> memref<125xi32, #tpu.memory_space<vmem>>
      %dma_start3A_29 = arith.constant 0 : i32
      %dma_start3A_30 = arith.constant 0 : i32
      %dma_start3A_31 = tpu.memref_slice %arg5[%dma_start3A_29, %dma_start3A_30] : memref<10000x160xbf16, #tpu.memory_space<hbm>> -> memref<10000x160xbf16, #tpu.memory_space<hbm>>
      tpu.enqueue_indirect_dma source(%dma_start3A_31 : memref<10000x160xbf16, #tpu.memory_space<hbm>>) target(%arg12 : memref<125x160xbf16, #tpu.memory_space<vmem>>) offsets(%dma_start3A_28 : memref<125xi32, #tpu.memory_space<vmem>>) semaphore(%arg17 : memref<!tpu.dma_semaphore, #tpu.memory_space<semaphore_mem>>)
      %dma_start3A_32 = arith.constant 2 : i32
      %dma_start3A_33 = arith.constant 0 : i32
      %dma_start3A_34 = tpu.memref_slice %arg9[%dma_start3A_32, %dma_start3A_33] : memref<80x125xi32, #tpu.memory_space<vmem>> -> memref<1x125xi32, #tpu.memory_space<vmem>>
      %dma_start3A_35 = tpu.memref_squeeze %dma_start3A_34 : memref<1x125xi32, #tpu.memory_space<vmem>> -> memref<125xi32, #tpu.memory_space<vmem>>
      %dma_start3A_36 = arith.constant 0 : i32
      %dma_start3A_37 = arith.constant 0 : i32
      %dma_start3A_38 = tpu.memref_slice %arg5[%dma_start3A_36, %dma_start3A_37] : memref<10000x160xbf16, #tpu.memory_space<hbm>> -> memref<10000x160xbf16, #tpu.memory_space<hbm>>
      tpu.enqueue_indirect_dma source(%dma_start3A_38 : memref<10000x160xbf16, #tpu.memory_space<hbm>>) target(%arg13 : memref<125x160xbf16, #tpu.memory_space<vmem>>) offsets(%dma_start3A_35 : memref<125xi32, #tpu.memory_space<vmem>>) semaphore(%arg18 : memref<!tpu.dma_semaphore, #tpu.memory_space<semaphore_mem>>)
      %scan3A = arith.constant 0 : i32
      %scan3A_39 = arith.constant 0 : i32
      %scan3A_40 = arith.constant 20 : i32
      %scan3A_41 = arith.addi %scan3A_39, %scan3A_40 : i32
      %scan3A_42 = arith.constant 1 : i32
      scf.for %scan3A_44 = %scan3A_39 to %scan3A_41 step %scan3A_42  : i32 {
        %mul3A_45 = arith.constant 4 : i32
        %mul3A_46 = arith.muli %scan3A_44, %mul3A_45 : i32
        %add3A = arith.constant 0 : i32
        %add3A_47 = arith.addi %mul3A_46, %add3A : i32
        %dma_wait3A = arith.constant 0 : i32
        %dma_wait3A_48 = tpu.memref_slice %arg9[%add3A_47, %dma_wait3A] : memref<80x125xi32, #tpu.memory_space<vmem>> -> memref<1x125xi32, #tpu.memory_space<vmem>>
        %dma_wait3A_49 = tpu.memref_squeeze %dma_wait3A_48 : memref<1x125xi32, #tpu.memory_space<vmem>> -> memref<125xi32, #tpu.memory_space<vmem>>
        %dma_wait3A_50 = arith.constant 0 : i32
        %dma_wait3A_51 = arith.constant 0 : i32
        %dma_wait3A_52 = tpu.memref_slice %arg5[%dma_wait3A_50, %dma_wait3A_51] : memref<10000x160xbf16, #tpu.memory_space<hbm>> -> memref<10000x160xbf16, #tpu.memory_space<hbm>>
        tpu.wait_indirect_dma semaphore(%arg16 : memref<!tpu.dma_semaphore, #tpu.memory_space<semaphore_mem>>) src(%dma_wait3A_52 : memref<10000x160xbf16, #tpu.memory_space<hbm>>) dst(%arg11 : memref<125x160xbf16, #tpu.memory_space<vmem>>)
        %add3A_53 = arith.constant 4 : i32
        %add3A_54 = arith.addi %add3A_47, %add3A_53 : i32
        %sub3A = arith.constant 1 : i32
        %sub3A_55 = arith.subi %add3A_54, %sub3A : i32
        %lt3A = arith.constant 80 : i32
        %lt3A_56 = arith.cmpi slt, %sub3A_55, %lt3A : i32
        %convert_element_type3A_57 = arith.extui %lt3A_56 : i1 to i32
        %cond3A_58 = arith.constant 0 : i32
        %cond3A_59 = arith.cmpi ne, %convert_element_type3A_57, %cond3A_58 : i32
        scf.if %cond3A_59 {
          %add3A_117 = arith.constant 4 : i32
          %add3A_118 = arith.addi %add3A_47, %add3A_117 : i32
          %sub3A_119 = arith.constant 1 : i32
          %sub3A_120 = arith.subi %add3A_118, %sub3A_119 : i32
          %dma_start3A_121 = arith.constant 0 : i32
          %dma_start3A_122 = tpu.memref_slice %arg9[%sub3A_120, %dma_start3A_121] : memref<80x125xi32, #tpu.memory_space<vmem>> -> memref<1x125xi32, #tpu.memory_space<vmem>>
          %dma_start3A_123 = tpu.memref_squeeze %dma_start3A_122 : memref<1x125xi32, #tpu.memory_space<vmem>> -> memref<125xi32, #tpu.memory_space<vmem>>
          %dma_start3A_124 = arith.constant 0 : i32
          %dma_start3A_125 = arith.constant 0 : i32
          %dma_start3A_126 = tpu.memref_slice %arg5[%dma_start3A_124, %dma_start3A_125] : memref<10000x160xbf16, #tpu.memory_space<hbm>> -> memref<10000x160xbf16, #tpu.memory_space<hbm>>
          tpu.enqueue_indirect_dma source(%dma_start3A_126 : memref<10000x160xbf16, #tpu.memory_space<hbm>>) target(%arg14 : memref<125x160xbf16, #tpu.memory_space<vmem>>) offsets(%dma_start3A_123 : memref<125xi32, #tpu.memory_space<vmem>>) semaphore(%arg19 : memref<!tpu.dma_semaphore, #tpu.memory_space<semaphore_mem>>)
        } else {
        }
        "tpu.region"() ({
          %run_scoped3A = tpu.sem_alloc : memref<!tpu.dma_semaphore, #tpu.memory_space<semaphore_mem>>
          %dma_start3A_117 = arith.constant 0 : i32
          %dma_start3A_118 = tpu.memref_slice %arg10[%add3A_47, %dma_start3A_117] : memref<80x125xi32, #tpu.memory_space<vmem>> -> memref<1x125xi32, #tpu.memory_space<vmem>>
          %dma_start3A_119 = tpu.memref_squeeze %dma_start3A_118 : memref<1x125xi32, #tpu.memory_space<vmem>> -> memref<125xi32, #tpu.memory_space<vmem>>
          %dma_start3A_120 = arith.constant 0 : i32
          %dma_start3A_121 = arith.constant 0 : i32
          %dma_start3A_122 = tpu.memref_slice %arg15[%dma_start3A_120, %dma_start3A_121] : memref<10000x160xbf16, #tpu.memory_space<vmem_shared>> -> memref<10000x160xbf16, #tpu.memory_space<vmem_shared>>
          tpu.enqueue_indirect_dma source(%arg11 : memref<125x160xbf16, #tpu.memory_space<vmem>>) target(%dma_start3A_122 : memref<10000x160xbf16, #tpu.memory_space<vmem_shared>>) offsets(%dma_start3A_119 : memref<125xi32, #tpu.memory_space<vmem>>) semaphore(%run_scoped3A : memref<!tpu.dma_semaphore, #tpu.memory_space<semaphore_mem>>) {add = true}
          %dma_wait3A_123 = arith.constant 0 : i32
          %dma_wait3A_124 = tpu.memref_slice %arg10[%add3A_47, %dma_wait3A_123] : memref<80x125xi32, #tpu.memory_space<vmem>> -> memref<1x125xi32, #tpu.memory_space<vmem>>
          %dma_wait3A_125 = tpu.memref_squeeze %dma_wait3A_124 : memref<1x125xi32, #tpu.memory_space<vmem>> -> memref<125xi32, #tpu.memory_space<vmem>>
          %dma_wait3A_126 = arith.constant 0 : i32
          %dma_wait3A_127 = arith.constant 0 : i32
          %dma_wait3A_128 = tpu.memref_slice %arg15[%dma_wait3A_126, %dma_wait3A_127] : memref<10000x160xbf16, #tpu.memory_space<vmem_shared>> -> memref<10000x160xbf16, #tpu.memory_space<vmem_shared>>
          tpu.wait_indirect_dma semaphore(%run_scoped3A : memref<!tpu.dma_semaphore, #tpu.memory_space<semaphore_mem>>) src(%arg11 : memref<125x160xbf16, #tpu.memory_space<vmem>>) dst(%dma_wait3A_128 : memref<10000x160xbf16, #tpu.memory_space<vmem_shared>>)
          tpu.yield
        }) : () -> ()
        %mul3A_60 = arith.constant 4 : i32
        %mul3A_61 = arith.muli %scan3A_44, %mul3A_60 : i32
        %add3A_62 = arith.constant 1 : i32
        %add3A_63 = arith.addi %mul3A_61, %add3A_62 : i32
        %dma_wait3A_64 = arith.constant 0 : i32
        %dma_wait3A_65 = tpu.memref_slice %arg9[%add3A_63, %dma_wait3A_64] : memref<80x125xi32, #tpu.memory_space<vmem>> -> memref<1x125xi32, #tpu.memory_space<vmem>>
        %dma_wait3A_66 = tpu.memref_squeeze %dma_wait3A_65 : memref<1x125xi32, #tpu.memory_space<vmem>> -> memref<125xi32, #tpu.memory_space<vmem>>
        %dma_wait3A_67 = arith.constant 0 : i32
        %dma_wait3A_68 = arith.constant 0 : i32
        %dma_wait3A_69 = tpu.memref_slice %arg5[%dma_wait3A_67, %dma_wait3A_68] : memref<10000x160xbf16, #tpu.memory_space<hbm>> -> memref<10000x160xbf16, #tpu.memory_space<hbm>>
        tpu.wait_indirect_dma semaphore(%arg17 : memref<!tpu.dma_semaphore, #tpu.memory_space<semaphore_mem>>) src(%dma_wait3A_69 : memref<10000x160xbf16, #tpu.memory_space<hbm>>) dst(%arg12 : memref<125x160xbf16, #tpu.memory_space<vmem>>)
        %add3A_70 = arith.constant 4 : i32
        %add3A_71 = arith.addi %add3A_63, %add3A_70 : i32
        %sub3A_72 = arith.constant 1 : i32
        %sub3A_73 = arith.subi %add3A_71, %sub3A_72 : i32
        %lt3A_74 = arith.constant 80 : i32
        %lt3A_75 = arith.cmpi slt, %sub3A_73, %lt3A_74 : i32
        %convert_element_type3A_76 = arith.extui %lt3A_75 : i1 to i32
        %cond3A_77 = arith.constant 0 : i32
        %cond3A_78 = arith.cmpi ne, %convert_element_type3A_76, %cond3A_77 : i32
        scf.if %cond3A_78 {
          %add3A_117 = arith.constant 4 : i32
          %add3A_118 = arith.addi %add3A_63, %add3A_117 : i32
          %sub3A_119 = arith.constant 1 : i32
          %sub3A_120 = arith.subi %add3A_118, %sub3A_119 : i32
          %dma_start3A_121 = arith.constant 0 : i32
          %dma_start3A_122 = tpu.memref_slice %arg9[%sub3A_120, %dma_start3A_121] : memref<80x125xi32, #tpu.memory_space<vmem>> -> memref<1x125xi32, #tpu.memory_space<vmem>>
          %dma_start3A_123 = tpu.memref_squeeze %dma_start3A_122 : memref<1x125xi32, #tpu.memory_space<vmem>> -> memref<125xi32, #tpu.memory_space<vmem>>
          %dma_start3A_124 = arith.constant 0 : i32
          %dma_start3A_125 = arith.constant 0 : i32
          %dma_start3A_126 = tpu.memref_slice %arg5[%dma_start3A_124, %dma_start3A_125] : memref<10000x160xbf16, #tpu.memory_space<hbm>> -> memref<10000x160xbf16, #tpu.memory_space<hbm>>
          tpu.enqueue_indirect_dma source(%dma_start3A_126 : memref<10000x160xbf16, #tpu.memory_space<hbm>>) target(%arg11 : memref<125x160xbf16, #tpu.memory_space<vmem>>) offsets(%dma_start3A_123 : memref<125xi32, #tpu.memory_space<vmem>>) semaphore(%arg16 : memref<!tpu.dma_semaphore, #tpu.memory_space<semaphore_mem>>)
        } else {
        }
        "tpu.region"() ({
          %run_scoped3A = tpu.sem_alloc : memref<!tpu.dma_semaphore, #tpu.memory_space<semaphore_mem>>
          %dma_start3A_117 = arith.constant 0 : i32
          %dma_start3A_118 = tpu.memref_slice %arg10[%add3A_63, %dma_start3A_117] : memref<80x125xi32, #tpu.memory_space<vmem>> -> memref<1x125xi32, #tpu.memory_space<vmem>>
          %dma_start3A_119 = tpu.memref_squeeze %dma_start3A_118 : memref<1x125xi32, #tpu.memory_space<vmem>> -> memref<125xi32, #tpu.memory_space<vmem>>
          %dma_start3A_120 = arith.constant 0 : i32
          %dma_start3A_121 = arith.constant 0 : i32
          %dma_start3A_122 = tpu.memref_slice %arg15[%dma_start3A_120, %dma_start3A_121] : memref<10000x160xbf16, #tpu.memory_space<vmem_shared>> -> memref<10000x160xbf16, #tpu.memory_space<vmem_shared>>
          tpu.enqueue_indirect_dma source(%arg12 : memref<125x160xbf16, #tpu.memory_space<vmem>>) target(%dma_start3A_122 : memref<10000x160xbf16, #tpu.memory_space<vmem_shared>>) offsets(%dma_start3A_119 : memref<125xi32, #tpu.memory_space<vmem>>) semaphore(%run_scoped3A : memref<!tpu.dma_semaphore, #tpu.memory_space<semaphore_mem>>) {add = true}
          %dma_wait3A_123 = arith.constant 0 : i32
          %dma_wait3A_124 = tpu.memref_slice %arg10[%add3A_63, %dma_wait3A_123] : memref<80x125xi32, #tpu.memory_space<vmem>> -> memref<1x125xi32, #tpu.memory_space<vmem>>
          %dma_wait3A_125 = tpu.memref_squeeze %dma_wait3A_124 : memref<1x125xi32, #tpu.memory_space<vmem>> -> memref<125xi32, #tpu.memory_space<vmem>>
          %dma_wait3A_126 = arith.constant 0 : i32
          %dma_wait3A_127 = arith.constant 0 : i32
          %dma_wait3A_128 = tpu.memref_slice %arg15[%dma_wait3A_126, %dma_wait3A_127] : memref<10000x160xbf16, #tpu.memory_space<vmem_shared>> -> memref<10000x160xbf16, #tpu.memory_space<vmem_shared>>
          tpu.wait_indirect_dma semaphore(%run_scoped3A : memref<!tpu.dma_semaphore, #tpu.memory_space<semaphore_mem>>) src(%arg12 : memref<125x160xbf16, #tpu.memory_space<vmem>>) dst(%dma_wait3A_128 : memref<10000x160xbf16, #tpu.memory_space<vmem_shared>>)
          tpu.yield
        }) : () -> ()
        %mul3A_79 = arith.constant 4 : i32
        %mul3A_80 = arith.muli %scan3A_44, %mul3A_79 : i32
        %add3A_81 = arith.constant 2 : i32
        %add3A_82 = arith.addi %mul3A_80, %add3A_81 : i32
        %dma_wait3A_83 = arith.constant 0 : i32
        %dma_wait3A_84 = tpu.memref_slice %arg9[%add3A_82, %dma_wait3A_83] : memref<80x125xi32, #tpu.memory_space<vmem>> -> memref<1x125xi32, #tpu.memory_space<vmem>>
        %dma_wait3A_85 = tpu.memref_squeeze %dma_wait3A_84 : memref<1x125xi32, #tpu.memory_space<vmem>> -> memref<125xi32, #tpu.memory_space<vmem>>
        %dma_wait3A_86 = arith.constant 0 : i32
        %dma_wait3A_87 = arith.constant 0 : i32
        %dma_wait3A_88 = tpu.memref_slice %arg5[%dma_wait3A_86, %dma_wait3A_87] : memref<10000x160xbf16, #tpu.memory_space<hbm>> -> memref<10000x160xbf16, #tpu.memory_space<hbm>>
        tpu.wait_indirect_dma semaphore(%arg18 : memref<!tpu.dma_semaphore, #tpu.memory_space<semaphore_mem>>) src(%dma_wait3A_88 : memref<10000x160xbf16, #tpu.memory_space<hbm>>) dst(%arg13 : memref<125x160xbf16, #tpu.memory_space<vmem>>)
        %add3A_89 = arith.constant 4 : i32
        %add3A_90 = arith.addi %add3A_82, %add3A_89 : i32
        %sub3A_91 = arith.constant 1 : i32
        %sub3A_92 = arith.subi %add3A_90, %sub3A_91 : i32
        %lt3A_93 = arith.constant 80 : i32
        %lt3A_94 = arith.cmpi slt, %sub3A_92, %lt3A_93 : i32
        %convert_element_type3A_95 = arith.extui %lt3A_94 : i1 to i32
        %cond3A_96 = arith.constant 0 : i32
        %cond3A_97 = arith.cmpi ne, %convert_element_type3A_95, %cond3A_96 : i32
        scf.if %cond3A_97 {
          %add3A_117 = arith.constant 4 : i32
          %add3A_118 = arith.addi %add3A_82, %add3A_117 : i32
          %sub3A_119 = arith.constant 1 : i32
          %sub3A_120 = arith.subi %add3A_118, %sub3A_119 : i32
          %dma_start3A_121 = arith.constant 0 : i32
          %dma_start3A_122 = tpu.memref_slice %arg9[%sub3A_120, %dma_start3A_121] : memref<80x125xi32, #tpu.memory_space<vmem>> -> memref<1x125xi32, #tpu.memory_space<vmem>>
          %dma_start3A_123 = tpu.memref_squeeze %dma_start3A_122 : memref<1x125xi32, #tpu.memory_space<vmem>> -> memref<125xi32, #tpu.memory_space<vmem>>
          %dma_start3A_124 = arith.constant 0 : i32
          %dma_start3A_125 = arith.constant 0 : i32
          %dma_start3A_126 = tpu.memref_slice %arg5[%dma_start3A_124, %dma_start3A_125] : memref<10000x160xbf16, #tpu.memory_space<hbm>> -> memref<10000x160xbf16, #tpu.memory_space<hbm>>
          tpu.enqueue_indirect_dma source(%dma_start3A_126 : memref<10000x160xbf16, #tpu.memory_space<hbm>>) target(%arg12 : memref<125x160xbf16, #tpu.memory_space<vmem>>) offsets(%dma_start3A_123 : memref<125xi32, #tpu.memory_space<vmem>>) semaphore(%arg17 : memref<!tpu.dma_semaphore, #tpu.memory_space<semaphore_mem>>)
        } else {
        }
        "tpu.region"() ({
          %run_scoped3A = tpu.sem_alloc : memref<!tpu.dma_semaphore, #tpu.memory_space<semaphore_mem>>
          %dma_start3A_117 = arith.constant 0 : i32
          %dma_start3A_118 = tpu.memref_slice %arg10[%add3A_82, %dma_start3A_117] : memref<80x125xi32, #tpu.memory_space<vmem>> -> memref<1x125xi32, #tpu.memory_space<vmem>>
          %dma_start3A_119 = tpu.memref_squeeze %dma_start3A_118 : memref<1x125xi32, #tpu.memory_space<vmem>> -> memref<125xi32, #tpu.memory_space<vmem>>
          %dma_start3A_120 = arith.constant 0 : i32
          %dma_start3A_121 = arith.constant 0 : i32
          %dma_start3A_122 = tpu.memref_slice %arg15[%dma_start3A_120, %dma_start3A_121] : memref<10000x160xbf16, #tpu.memory_space<vmem_shared>> -> memref<10000x160xbf16, #tpu.memory_space<vmem_shared>>
          tpu.enqueue_indirect_dma source(%arg13 : memref<125x160xbf16, #tpu.memory_space<vmem>>) target(%dma_start3A_122 : memref<10000x160xbf16, #tpu.memory_space<vmem_shared>>) offsets(%dma_start3A_119 : memref<125xi32, #tpu.memory_space<vmem>>) semaphore(%run_scoped3A : memref<!tpu.dma_semaphore, #tpu.memory_space<semaphore_mem>>) {add = true}
          %dma_wait3A_123 = arith.constant 0 : i32
          %dma_wait3A_124 = tpu.memref_slice %arg10[%add3A_82, %dma_wait3A_123] : memref<80x125xi32, #tpu.memory_space<vmem>> -> memref<1x125xi32, #tpu.memory_space<vmem>>
          %dma_wait3A_125 = tpu.memref_squeeze %dma_wait3A_124 : memref<1x125xi32, #tpu.memory_space<vmem>> -> memref<125xi32, #tpu.memory_space<vmem>>
          %dma_wait3A_126 = arith.constant 0 : i32
          %dma_wait3A_127 = arith.constant 0 : i32
          %dma_wait3A_128 = tpu.memref_slice %arg15[%dma_wait3A_126, %dma_wait3A_127] : memref<10000x160xbf16, #tpu.memory_space<vmem_shared>> -> memref<10000x160xbf16, #tpu.memory_space<vmem_shared>>
          tpu.wait_indirect_dma semaphore(%run_scoped3A : memref<!tpu.dma_semaphore, #tpu.memory_space<semaphore_mem>>) src(%arg13 : memref<125x160xbf16, #tpu.memory_space<vmem>>) dst(%dma_wait3A_128 : memref<10000x160xbf16, #tpu.memory_space<vmem_shared>>)
          tpu.yield
        }) : () -> ()
        %mul3A_98 = arith.constant 4 : i32
        %mul3A_99 = arith.muli %scan3A_44, %mul3A_98 : i32
        %add3A_100 = arith.constant 3 : i32
        %add3A_101 = arith.addi %mul3A_99, %add3A_100 : i32
        %dma_wait3A_102 = arith.constant 0 : i32
        %dma_wait3A_103 = tpu.memref_slice %arg9[%add3A_101, %dma_wait3A_102] : memref<80x125xi32, #tpu.memory_space<vmem>> -> memref<1x125xi32, #tpu.memory_space<vmem>>
        %dma_wait3A_104 = tpu.memref_squeeze %dma_wait3A_103 : memref<1x125xi32, #tpu.memory_space<vmem>> -> memref<125xi32, #tpu.memory_space<vmem>>
        %dma_wait3A_105 = arith.constant 0 : i32
        %dma_wait3A_106 = arith.constant 0 : i32
        %dma_wait3A_107 = tpu.memref_slice %arg5[%dma_wait3A_105, %dma_wait3A_106] : memref<10000x160xbf16, #tpu.memory_space<hbm>> -> memref<10000x160xbf16, #tpu.memory_space<hbm>>
        tpu.wait_indirect_dma semaphore(%arg19 : memref<!tpu.dma_semaphore, #tpu.memory_space<semaphore_mem>>) src(%dma_wait3A_107 : memref<10000x160xbf16, #tpu.memory_space<hbm>>) dst(%arg14 : memref<125x160xbf16, #tpu.memory_space<vmem>>)
        %add3A_108 = arith.constant 4 : i32
        %add3A_109 = arith.addi %add3A_101, %add3A_108 : i32
        %sub3A_110 = arith.constant 1 : i32
        %sub3A_111 = arith.subi %add3A_109, %sub3A_110 : i32
        %lt3A_112 = arith.constant 80 : i32
        %lt3A_113 = arith.cmpi slt, %sub3A_111, %lt3A_112 : i32
        %convert_element_type3A_114 = arith.extui %lt3A_113 : i1 to i32
        %cond3A_115 = arith.constant 0 : i32
        %cond3A_116 = arith.cmpi ne, %convert_element_type3A_114, %cond3A_115 : i32
        scf.if %cond3A_116 {
          %add3A_117 = arith.constant 4 : i32
          %add3A_118 = arith.addi %add3A_101, %add3A_117 : i32
          %sub3A_119 = arith.constant 1 : i32
          %sub3A_120 = arith.subi %add3A_118, %sub3A_119 : i32
          %dma_start3A_121 = arith.constant 0 : i32
          %dma_start3A_122 = tpu.memref_slice %arg9[%sub3A_120, %dma_start3A_121] : memref<80x125xi32, #tpu.memory_space<vmem>> -> memref<1x125xi32, #tpu.memory_space<vmem>>
          %dma_start3A_123 = tpu.memref_squeeze %dma_start3A_122 : memref<1x125xi32, #tpu.memory_space<vmem>> -> memref<125xi32, #tpu.memory_space<vmem>>
          %dma_start3A_124 = arith.constant 0 : i32
          %dma_start3A_125 = arith.constant 0 : i32
          %dma_start3A_126 = tpu.memref_slice %arg5[%dma_start3A_124, %dma_start3A_125] : memref<10000x160xbf16, #tpu.memory_space<hbm>> -> memref<10000x160xbf16, #tpu.memory_space<hbm>>
          tpu.enqueue_indirect_dma source(%dma_start3A_126 : memref<10000x160xbf16, #tpu.memory_space<hbm>>) target(%arg13 : memref<125x160xbf16, #tpu.memory_space<vmem>>) offsets(%dma_start3A_123 : memref<125xi32, #tpu.memory_space<vmem>>) semaphore(%arg18 : memref<!tpu.dma_semaphore, #tpu.memory_space<semaphore_mem>>)
        } else {
        }
        "tpu.region"() ({
          %run_scoped3A = tpu.sem_alloc : memref<!tpu.dma_semaphore, #tpu.memory_space<semaphore_mem>>
          %dma_start3A_117 = arith.constant 0 : i32
          %dma_start3A_118 = tpu.memref_slice %arg10[%add3A_101, %dma_start3A_117] : memref<80x125xi32, #tpu.memory_space<vmem>> -> memref<1x125xi32, #tpu.memory_space<vmem>>
          %dma_start3A_119 = tpu.memref_squeeze %dma_start3A_118 : memref<1x125xi32, #tpu.memory_space<vmem>> -> memref<125xi32, #tpu.memory_space<vmem>>
          %dma_start3A_120 = arith.constant 0 : i32
          %dma_start3A_121 = arith.constant 0 : i32
          %dma_start3A_122 = tpu.memref_slice %arg15[%dma_start3A_120, %dma_start3A_121] : memref<10000x160xbf16, #tpu.memory_space<vmem_shared>> -> memref<10000x160xbf16, #tpu.memory_space<vmem_shared>>
          tpu.enqueue_indirect_dma source(%arg14 : memref<125x160xbf16, #tpu.memory_space<vmem>>) target(%dma_start3A_122 : memref<10000x160xbf16, #tpu.memory_space<vmem_shared>>) offsets(%dma_start3A_119 : memref<125xi32, #tpu.memory_space<vmem>>) semaphore(%run_scoped3A : memref<!tpu.dma_semaphore, #tpu.memory_space<semaphore_mem>>) {add = true}
          %dma_wait3A_123 = arith.constant 0 : i32
          %dma_wait3A_124 = tpu.memref_slice %arg10[%add3A_101, %dma_wait3A_123] : memref<80x125xi32, #tpu.memory_space<vmem>> -> memref<1x125xi32, #tpu.memory_space<vmem>>
          %dma_wait3A_125 = tpu.memref_squeeze %dma_wait3A_124 : memref<1x125xi32, #tpu.memory_space<vmem>> -> memref<125xi32, #tpu.memory_space<vmem>>
          %dma_wait3A_126 = arith.constant 0 : i32
          %dma_wait3A_127 = arith.constant 0 : i32
          %dma_wait3A_128 = tpu.memref_slice %arg15[%dma_wait3A_126, %dma_wait3A_127] : memref<10000x160xbf16, #tpu.memory_space<vmem_shared>> -> memref<10000x160xbf16, #tpu.memory_space<vmem_shared>>
          tpu.wait_indirect_dma semaphore(%run_scoped3A : memref<!tpu.dma_semaphore, #tpu.memory_space<semaphore_mem>>) src(%arg14 : memref<125x160xbf16, #tpu.memory_space<vmem>>) dst(%dma_wait3A_128 : memref<10000x160xbf16, #tpu.memory_space<vmem_shared>>)
          tpu.yield
        }) : () -> ()
      }
      %scan3A_43 = arith.constant 20 : i32
    } else {
    }
    %eq3A_3 = arith.constant 1 : i32
    %eq3A_4 = arith.cmpi eq, %arg0, %eq3A_3 : i32
    %convert_element_type3A_5 = arith.extui %eq3A_4 : i1 to i32
    %cond3A_6 = arith.constant 0 : i32
    %cond3A_7 = arith.cmpi ne, %convert_element_type3A_5, %cond3A_6 : i32
    scf.if %cond3A_7 {
      "tpu.region"() ({
        %run_scoped3A = tpu.sem_alloc : memref<!tpu.dma_semaphore, #tpu.memory_space<semaphore_mem>>
        %dma_start3A_44 = arith.constant 0 : i32
        %dma_start3A_45 = arith.constant 0 : i32
        %dma_start3A_46 = tpu.memref_slice %arg2[%arg1, %dma_start3A_44, %dma_start3A_45] : memref<16x80x125xi32, #tpu.memory_space<hbm>> -> memref<1x80x125xi32, #tpu.memory_space<hbm>>
        %dma_start3A_47 = tpu.memref_squeeze %dma_start3A_46 : memref<1x80x125xi32, #tpu.memory_space<hbm>> -> memref<80x125xi32, #tpu.memory_space<hbm>>
        %dma_start3A_48 = arith.constant 0 : i32
        %dma_start3A_49 = arith.constant 0 : i32
        %dma_start3A_50 = tpu.memref_slice %arg2[%arg1, %dma_start3A_48, %dma_start3A_49] : memref<16x80x125xi32, #tpu.memory_space<hbm>> -> memref<1x80x125xi32, #tpu.memory_space<hbm>>
        %dma_start3A_51 = tpu.memref_squeeze %dma_start3A_50 : memref<1x80x125xi32, #tpu.memory_space<hbm>> -> memref<80x125xi32, #tpu.memory_space<hbm>>
        tpu.enqueue_dma source(%dma_start3A_51 : memref<80x125xi32, #tpu.memory_space<hbm>>) target(%arg9 : memref<80x125xi32, #tpu.memory_space<vmem>>) target_semaphore(%run_scoped3A : memref<!tpu.dma_semaphore, #tpu.memory_space<semaphore_mem>>)
        %dma_wait3A = arith.constant 0 : i32
        %dma_wait3A_52 = arith.constant 0 : i32
        %dma_wait3A_53 = tpu.memref_slice %arg2[%arg1, %dma_wait3A, %dma_wait3A_52] : memref<16x80x125xi32, #tpu.memory_space<hbm>> -> memref<1x80x125xi32, #tpu.memory_space<hbm>>
        %dma_wait3A_54 = tpu.memref_squeeze %dma_wait3A_53 : memref<1x80x125xi32, #tpu.memory_space<hbm>> -> memref<80x125xi32, #tpu.memory_space<hbm>>
        %dma_wait3A_55 = arith.constant 0 : i32
        %dma_wait3A_56 = arith.constant 0 : i32
        %dma_wait3A_57 = tpu.memref_slice %arg2[%arg1, %dma_wait3A_55, %dma_wait3A_56] : memref<16x80x125xi32, #tpu.memory_space<hbm>> -> memref<1x80x125xi32, #tpu.memory_space<hbm>>
        %dma_wait3A_58 = tpu.memref_squeeze %dma_wait3A_57 : memref<1x80x125xi32, #tpu.memory_space<hbm>> -> memref<80x125xi32, #tpu.memory_space<hbm>>
        tpu.wait_dma2 semaphore(%run_scoped3A : memref<!tpu.dma_semaphore, #tpu.memory_space<semaphore_mem>>) src(%dma_wait3A_58 : memref<80x125xi32, #tpu.memory_space<hbm>>) dst(%arg9 : memref<80x125xi32, #tpu.memory_space<vmem>>)
        tpu.yield
      }) : () -> ()
      "tpu.region"() ({
        %run_scoped3A = tpu.sem_alloc : memref<!tpu.dma_semaphore, #tpu.memory_space<semaphore_mem>>
        %dma_start3A_44 = arith.constant 0 : i32
        %dma_start3A_45 = arith.constant 0 : i32
        %dma_start3A_46 = tpu.memref_slice %arg3[%arg1, %dma_start3A_44, %dma_start3A_45] : memref<16x80x125xi32, #tpu.memory_space<hbm>> -> memref<1x80x125xi32, #tpu.memory_space<hbm>>
        %dma_start3A_47 = tpu.memref_squeeze %dma_start3A_46 : memref<1x80x125xi32, #tpu.memory_space<hbm>> -> memref<80x125xi32, #tpu.memory_space<hbm>>
        %dma_start3A_48 = arith.constant 0 : i32
        %dma_start3A_49 = arith.constant 0 : i32
        %dma_start3A_50 = tpu.memref_slice %arg3[%arg1, %dma_start3A_48, %dma_start3A_49] : memref<16x80x125xi32, #tpu.memory_space<hbm>> -> memref<1x80x125xi32, #tpu.memory_space<hbm>>
        %dma_start3A_51 = tpu.memref_squeeze %dma_start3A_50 : memref<1x80x125xi32, #tpu.memory_space<hbm>> -> memref<80x125xi32, #tpu.memory_space<hbm>>
        tpu.enqueue_dma source(%dma_start3A_51 : memref<80x125xi32, #tpu.memory_space<hbm>>) target(%arg10 : memref<80x125xi32, #tpu.memory_space<vmem>>) target_semaphore(%run_scoped3A : memref<!tpu.dma_semaphore, #tpu.memory_space<semaphore_mem>>)
        %dma_wait3A = arith.constant 0 : i32
        %dma_wait3A_52 = arith.constant 0 : i32
        %dma_wait3A_53 = tpu.memref_slice %arg3[%arg1, %dma_wait3A, %dma_wait3A_52] : memref<16x80x125xi32, #tpu.memory_space<hbm>> -> memref<1x80x125xi32, #tpu.memory_space<hbm>>
        %dma_wait3A_54 = tpu.memref_squeeze %dma_wait3A_53 : memref<1x80x125xi32, #tpu.memory_space<hbm>> -> memref<80x125xi32, #tpu.memory_space<hbm>>
        %dma_wait3A_55 = arith.constant 0 : i32
        %dma_wait3A_56 = arith.constant 0 : i32
        %dma_wait3A_57 = tpu.memref_slice %arg3[%arg1, %dma_wait3A_55, %dma_wait3A_56] : memref<16x80x125xi32, #tpu.memory_space<hbm>> -> memref<1x80x125xi32, #tpu.memory_space<hbm>>
        %dma_wait3A_58 = tpu.memref_squeeze %dma_wait3A_57 : memref<1x80x125xi32, #tpu.memory_space<hbm>> -> memref<80x125xi32, #tpu.memory_space<hbm>>
        tpu.wait_dma2 semaphore(%run_scoped3A : memref<!tpu.dma_semaphore, #tpu.memory_space<semaphore_mem>>) src(%dma_wait3A_58 : memref<80x125xi32, #tpu.memory_space<hbm>>) dst(%arg10 : memref<80x125xi32, #tpu.memory_space<vmem>>)
        tpu.yield
      }) : () -> ()
      %dma_start3A = arith.constant 0 : i32
      %dma_start3A_19 = arith.constant 0 : i32
      %dma_start3A_20 = tpu.memref_slice %arg9[%dma_start3A, %dma_start3A_19] : memref<80x125xi32, #tpu.memory_space<vmem>> -> memref<1x125xi32, #tpu.memory_space<vmem>>
      %dma_start3A_21 = tpu.memref_squeeze %dma_start3A_20 : memref<1x125xi32, #tpu.memory_space<vmem>> -> memref<125xi32, #tpu.memory_space<vmem>>
      %dma_start3A_22 = arith.constant 0 : i32
      %dma_start3A_23 = arith.constant 0 : i32
      %dma_start3A_24 = tpu.memref_slice %arg6[%dma_start3A_22, %dma_start3A_23] : memref<10000x160xbf16, #tpu.memory_space<hbm>> -> memref<10000x160xbf16, #tpu.memory_space<hbm>>
      tpu.enqueue_indirect_dma source(%dma_start3A_24 : memref<10000x160xbf16, #tpu.memory_space<hbm>>) target(%arg11 : memref<125x160xbf16, #tpu.memory_space<vmem>>) offsets(%dma_start3A_21 : memref<125xi32, #tpu.memory_space<vmem>>) semaphore(%arg16 : memref<!tpu.dma_semaphore, #tpu.memory_space<semaphore_mem>>)
      %dma_start3A_25 = arith.constant 1 : i32
      %dma_start3A_26 = arith.constant 0 : i32
      %dma_start3A_27 = tpu.memref_slice %arg9[%dma_start3A_25, %dma_start3A_26] : memref<80x125xi32, #tpu.memory_space<vmem>> -> memref<1x125xi32, #tpu.memory_space<vmem>>
      %dma_start3A_28 = tpu.memref_squeeze %dma_start3A_27 : memref<1x125xi32, #tpu.memory_space<vmem>> -> memref<125xi32, #tpu.memory_space<vmem>>
      %dma_start3A_29 = arith.constant 0 : i32
      %dma_start3A_30 = arith.constant 0 : i32
      %dma_start3A_31 = tpu.memref_slice %arg6[%dma_start3A_29, %dma_start3A_30] : memref<10000x160xbf16, #tpu.memory_space<hbm>> -> memref<10000x160xbf16, #tpu.memory_space<hbm>>
      tpu.enqueue_indirect_dma source(%dma_start3A_31 : memref<10000x160xbf16, #tpu.memory_space<hbm>>) target(%arg12 : memref<125x160xbf16, #tpu.memory_space<vmem>>) offsets(%dma_start3A_28 : memref<125xi32, #tpu.memory_space<vmem>>) semaphore(%arg17 : memref<!tpu.dma_semaphore, #tpu.memory_space<semaphore_mem>>)
      %dma_start3A_32 = arith.constant 2 : i32
      %dma_start3A_33 = arith.constant 0 : i32
      %dma_start3A_34 = tpu.memref_slice %arg9[%dma_start3A_32, %dma_start3A_33] : memref<80x125xi32, #tpu.memory_space<vmem>> -> memref<1x125xi32, #tpu.memory_space<vmem>>
      %dma_start3A_35 = tpu.memref_squeeze %dma_start3A_34 : memref<1x125xi32, #tpu.memory_space<vmem>> -> memref<125xi32, #tpu.memory_space<vmem>>
      %dma_start3A_36 = arith.constant 0 : i32
      %dma_start3A_37 = arith.constant 0 : i32
      %dma_start3A_38 = tpu.memref_slice %arg6[%dma_start3A_36, %dma_start3A_37] : memref<10000x160xbf16, #tpu.memory_space<hbm>> -> memref<10000x160xbf16, #tpu.memory_space<hbm>>
      tpu.enqueue_indirect_dma source(%dma_start3A_38 : memref<10000x160xbf16, #tpu.memory_space<hbm>>) target(%arg13 : memref<125x160xbf16, #tpu.memory_space<vmem>>) offsets(%dma_start3A_35 : memref<125xi32, #tpu.memory_space<vmem>>) semaphore(%arg18 : memref<!tpu.dma_semaphore, #tpu.memory_space<semaphore_mem>>)
      %scan3A = arith.constant 0 : i32
      %scan3A_39 = arith.constant 0 : i32
      %scan3A_40 = arith.constant 20 : i32
      %scan3A_41 = arith.addi %scan3A_39, %scan3A_40 : i32
      %scan3A_42 = arith.constant 1 : i32
      scf.for %scan3A_44 = %scan3A_39 to %scan3A_41 step %scan3A_42  : i32 {
        %mul3A_45 = arith.constant 4 : i32
        %mul3A_46 = arith.muli %scan3A_44, %mul3A_45 : i32
        %add3A = arith.constant 0 : i32
        %add3A_47 = arith.addi %mul3A_46, %add3A : i32
        %dma_wait3A = arith.constant 0 : i32
        %dma_wait3A_48 = tpu.memref_slice %arg9[%add3A_47, %dma_wait3A] : memref<80x125xi32, #tpu.memory_space<vmem>> -> memref<1x125xi32, #tpu.memory_space<vmem>>
        %dma_wait3A_49 = tpu.memref_squeeze %dma_wait3A_48 : memref<1x125xi32, #tpu.memory_space<vmem>> -> memref<125xi32, #tpu.memory_space<vmem>>
        %dma_wait3A_50 = arith.constant 0 : i32
        %dma_wait3A_51 = arith.constant 0 : i32
        %dma_wait3A_52 = tpu.memref_slice %arg6[%dma_wait3A_50, %dma_wait3A_51] : memref<10000x160xbf16, #tpu.memory_space<hbm>> -> memref<10000x160xbf16, #tpu.memory_space<hbm>>
        tpu.wait_indirect_dma semaphore(%arg16 : memref<!tpu.dma_semaphore, #tpu.memory_space<semaphore_mem>>) src(%dma_wait3A_52 : memref<10000x160xbf16, #tpu.memory_space<hbm>>) dst(%arg11 : memref<125x160xbf16, #tpu.memory_space<vmem>>)
        %add3A_53 = arith.constant 4 : i32
        %add3A_54 = arith.addi %add3A_47, %add3A_53 : i32
        %sub3A = arith.constant 1 : i32
        %sub3A_55 = arith.subi %add3A_54, %sub3A : i32
        %lt3A = arith.constant 80 : i32
        %lt3A_56 = arith.cmpi slt, %sub3A_55, %lt3A : i32
        %convert_element_type3A_57 = arith.extui %lt3A_56 : i1 to i32
        %cond3A_58 = arith.constant 0 : i32
        %cond3A_59 = arith.cmpi ne, %convert_element_type3A_57, %cond3A_58 : i32
        scf.if %cond3A_59 {
          %add3A_117 = arith.constant 4 : i32
          %add3A_118 = arith.addi %add3A_47, %add3A_117 : i32
          %sub3A_119 = arith.constant 1 : i32
          %sub3A_120 = arith.subi %add3A_118, %sub3A_119 : i32
          %dma_start3A_121 = arith.constant 0 : i32
          %dma_start3A_122 = tpu.memref_slice %arg9[%sub3A_120, %dma_start3A_121] : memref<80x125xi32, #tpu.memory_space<vmem>> -> memref<1x125xi32, #tpu.memory_space<vmem>>
          %dma_start3A_123 = tpu.memref_squeeze %dma_start3A_122 : memref<1x125xi32, #tpu.memory_space<vmem>> -> memref<125xi32, #tpu.memory_space<vmem>>
          %dma_start3A_124 = arith.constant 0 : i32
          %dma_start3A_125 = arith.constant 0 : i32
          %dma_start3A_126 = tpu.memref_slice %arg6[%dma_start3A_124, %dma_start3A_125] : memref<10000x160xbf16, #tpu.memory_space<hbm>> -> memref<10000x160xbf16, #tpu.memory_space<hbm>>
          tpu.enqueue_indirect_dma source(%dma_start3A_126 : memref<10000x160xbf16, #tpu.memory_space<hbm>>) target(%arg14 : memref<125x160xbf16, #tpu.memory_space<vmem>>) offsets(%dma_start3A_123 : memref<125xi32, #tpu.memory_space<vmem>>) semaphore(%arg19 : memref<!tpu.dma_semaphore, #tpu.memory_space<semaphore_mem>>)
        } else {
        }
        "tpu.region"() ({
          %run_scoped3A = tpu.sem_alloc : memref<!tpu.dma_semaphore, #tpu.memory_space<semaphore_mem>>
          %dma_start3A_117 = arith.constant 0 : i32
          %dma_start3A_118 = tpu.memref_slice %arg10[%add3A_47, %dma_start3A_117] : memref<80x125xi32, #tpu.memory_space<vmem>> -> memref<1x125xi32, #tpu.memory_space<vmem>>
          %dma_start3A_119 = tpu.memref_squeeze %dma_start3A_118 : memref<1x125xi32, #tpu.memory_space<vmem>> -> memref<125xi32, #tpu.memory_space<vmem>>
          %dma_start3A_120 = arith.constant 0 : i32
          %dma_start3A_121 = arith.constant 0 : i32
          %dma_start3A_122 = tpu.memref_slice %arg15[%dma_start3A_120, %dma_start3A_121] : memref<10000x160xbf16, #tpu.memory_space<vmem_shared>> -> memref<10000x160xbf16, #tpu.memory_space<vmem_shared>>
          tpu.enqueue_indirect_dma source(%arg11 : memref<125x160xbf16, #tpu.memory_space<vmem>>) target(%dma_start3A_122 : memref<10000x160xbf16, #tpu.memory_space<vmem_shared>>) offsets(%dma_start3A_119 : memref<125xi32, #tpu.memory_space<vmem>>) semaphore(%run_scoped3A : memref<!tpu.dma_semaphore, #tpu.memory_space<semaphore_mem>>) {add = true}
          %dma_wait3A_123 = arith.constant 0 : i32
          %dma_wait3A_124 = tpu.memref_slice %arg10[%add3A_47, %dma_wait3A_123] : memref<80x125xi32, #tpu.memory_space<vmem>> -> memref<1x125xi32, #tpu.memory_space<vmem>>
          %dma_wait3A_125 = tpu.memref_squeeze %dma_wait3A_124 : memref<1x125xi32, #tpu.memory_space<vmem>> -> memref<125xi32, #tpu.memory_space<vmem>>
          %dma_wait3A_126 = arith.constant 0 : i32
          %dma_wait3A_127 = arith.constant 0 : i32
          %dma_wait3A_128 = tpu.memref_slice %arg15[%dma_wait3A_126, %dma_wait3A_127] : memref<10000x160xbf16, #tpu.memory_space<vmem_shared>> -> memref<10000x160xbf16, #tpu.memory_space<vmem_shared>>
          tpu.wait_indirect_dma semaphore(%run_scoped3A : memref<!tpu.dma_semaphore, #tpu.memory_space<semaphore_mem>>) src(%arg11 : memref<125x160xbf16, #tpu.memory_space<vmem>>) dst(%dma_wait3A_128 : memref<10000x160xbf16, #tpu.memory_space<vmem_shared>>)
          tpu.yield
        }) : () -> ()
        %mul3A_60 = arith.constant 4 : i32
        %mul3A_61 = arith.muli %scan3A_44, %mul3A_60 : i32
        %add3A_62 = arith.constant 1 : i32
        %add3A_63 = arith.addi %mul3A_61, %add3A_62 : i32
        %dma_wait3A_64 = arith.constant 0 : i32
        %dma_wait3A_65 = tpu.memref_slice %arg9[%add3A_63, %dma_wait3A_64] : memref<80x125xi32, #tpu.memory_space<vmem>> -> memref<1x125xi32, #tpu.memory_space<vmem>>
        %dma_wait3A_66 = tpu.memref_squeeze %dma_wait3A_65 : memref<1x125xi32, #tpu.memory_space<vmem>> -> memref<125xi32, #tpu.memory_space<vmem>>
        %dma_wait3A_67 = arith.constant 0 : i32
        %dma_wait3A_68 = arith.constant 0 : i32
        %dma_wait3A_69 = tpu.memref_slice %arg6[%dma_wait3A_67, %dma_wait3A_68] : memref<10000x160xbf16, #tpu.memory_space<hbm>> -> memref<10000x160xbf16, #tpu.memory_space<hbm>>
        tpu.wait_indirect_dma semaphore(%arg17 : memref<!tpu.dma_semaphore, #tpu.memory_space<semaphore_mem>>) src(%dma_wait3A_69 : memref<10000x160xbf16, #tpu.memory_space<hbm>>) dst(%arg12 : memref<125x160xbf16, #tpu.memory_space<vmem>>)
        %add3A_70 = arith.constant 4 : i32
        %add3A_71 = arith.addi %add3A_63, %add3A_70 : i32
        %sub3A_72 = arith.constant 1 : i32
        %sub3A_73 = arith.subi %add3A_71, %sub3A_72 : i32
        %lt3A_74 = arith.constant 80 : i32
        %lt3A_75 = arith.cmpi slt, %sub3A_73, %lt3A_74 : i32
        %convert_element_type3A_76 = arith.extui %lt3A_75 : i1 to i32
        %cond3A_77 = arith.constant 0 : i32
        %cond3A_78 = arith.cmpi ne, %convert_element_type3A_76, %cond3A_77 : i32
        scf.if %cond3A_78 {
          %add3A_117 = arith.constant 4 : i32
          %add3A_118 = arith.addi %add3A_63, %add3A_117 : i32
          %sub3A_119 = arith.constant 1 : i32
          %sub3A_120 = arith.subi %add3A_118, %sub3A_119 : i32
          %dma_start3A_121 = arith.constant 0 : i32
          %dma_start3A_122 = tpu.memref_slice %arg9[%sub3A_120, %dma_start3A_121] : memref<80x125xi32, #tpu.memory_space<vmem>> -> memref<1x125xi32, #tpu.memory_space<vmem>>
          %dma_start3A_123 = tpu.memref_squeeze %dma_start3A_122 : memref<1x125xi32, #tpu.memory_space<vmem>> -> memref<125xi32, #tpu.memory_space<vmem>>
          %dma_start3A_124 = arith.constant 0 : i32
          %dma_start3A_125 = arith.constant 0 : i32
          %dma_start3A_126 = tpu.memref_slice %arg6[%dma_start3A_124, %dma_start3A_125] : memref<10000x160xbf16, #tpu.memory_space<hbm>> -> memref<10000x160xbf16, #tpu.memory_space<hbm>>
          tpu.enqueue_indirect_dma source(%dma_start3A_126 : memref<10000x160xbf16, #tpu.memory_space<hbm>>) target(%arg11 : memref<125x160xbf16, #tpu.memory_space<vmem>>) offsets(%dma_start3A_123 : memref<125xi32, #tpu.memory_space<vmem>>) semaphore(%arg16 : memref<!tpu.dma_semaphore, #tpu.memory_space<semaphore_mem>>)
        } else {
        }
        "tpu.region"() ({
          %run_scoped3A = tpu.sem_alloc : memref<!tpu.dma_semaphore, #tpu.memory_space<semaphore_mem>>
          %dma_start3A_117 = arith.constant 0 : i32
          %dma_start3A_118 = tpu.memref_slice %arg10[%add3A_63, %dma_start3A_117] : memref<80x125xi32, #tpu.memory_space<vmem>> -> memref<1x125xi32, #tpu.memory_space<vmem>>
          %dma_start3A_119 = tpu.memref_squeeze %dma_start3A_118 : memref<1x125xi32, #tpu.memory_space<vmem>> -> memref<125xi32, #tpu.memory_space<vmem>>
          %dma_start3A_120 = arith.constant 0 : i32
          %dma_start3A_121 = arith.constant 0 : i32
          %dma_start3A_122 = tpu.memref_slice %arg15[%dma_start3A_120, %dma_start3A_121] : memref<10000x160xbf16, #tpu.memory_space<vmem_shared>> -> memref<10000x160xbf16, #tpu.memory_space<vmem_shared>>
          tpu.enqueue_indirect_dma source(%arg12 : memref<125x160xbf16, #tpu.memory_space<vmem>>) target(%dma_start3A_122 : memref<10000x160xbf16, #tpu.memory_space<vmem_shared>>) offsets(%dma_start3A_119 : memref<125xi32, #tpu.memory_space<vmem>>) semaphore(%run_scoped3A : memref<!tpu.dma_semaphore, #tpu.memory_space<semaphore_mem>>) {add = true}
          %dma_wait3A_123 = arith.constant 0 : i32
          %dma_wait3A_124 = tpu.memref_slice %arg10[%add3A_63, %dma_wait3A_123] : memref<80x125xi32, #tpu.memory_space<vmem>> -> memref<1x125xi32, #tpu.memory_space<vmem>>
          %dma_wait3A_125 = tpu.memref_squeeze %dma_wait3A_124 : memref<1x125xi32, #tpu.memory_space<vmem>> -> memref<125xi32, #tpu.memory_space<vmem>>
          %dma_wait3A_126 = arith.constant 0 : i32
          %dma_wait3A_127 = arith.constant 0 : i32
          %dma_wait3A_128 = tpu.memref_slice %arg15[%dma_wait3A_126, %dma_wait3A_127] : memref<10000x160xbf16, #tpu.memory_space<vmem_shared>> -> memref<10000x160xbf16, #tpu.memory_space<vmem_shared>>
          tpu.wait_indirect_dma semaphore(%run_scoped3A : memref<!tpu.dma_semaphore, #tpu.memory_space<semaphore_mem>>) src(%arg12 : memref<125x160xbf16, #tpu.memory_space<vmem>>) dst(%dma_wait3A_128 : memref<10000x160xbf16, #tpu.memory_space<vmem_shared>>)
          tpu.yield
        }) : () -> ()
        %mul3A_79 = arith.constant 4 : i32
        %mul3A_80 = arith.muli %scan3A_44, %mul3A_79 : i32
        %add3A_81 = arith.constant 2 : i32
        %add3A_82 = arith.addi %mul3A_80, %add3A_81 : i32
        %dma_wait3A_83 = arith.constant 0 : i32
        %dma_wait3A_84 = tpu.memref_slice %arg9[%add3A_82, %dma_wait3A_83] : memref<80x125xi32, #tpu.memory_space<vmem>> -> memref<1x125xi32, #tpu.memory_space<vmem>>
        %dma_wait3A_85 = tpu.memref_squeeze %dma_wait3A_84 : memref<1x125xi32, #tpu.memory_space<vmem>> -> memref<125xi32, #tpu.memory_space<vmem>>
        %dma_wait3A_86 = arith.constant 0 : i32
        %dma_wait3A_87 = arith.constant 0 : i32
        %dma_wait3A_88 = tpu.memref_slice %arg6[%dma_wait3A_86, %dma_wait3A_87] : memref<10000x160xbf16, #tpu.memory_space<hbm>> -> memref<10000x160xbf16, #tpu.memory_space<hbm>>
        tpu.wait_indirect_dma semaphore(%arg18 : memref<!tpu.dma_semaphore, #tpu.memory_space<semaphore_mem>>) src(%dma_wait3A_88 : memref<10000x160xbf16, #tpu.memory_space<hbm>>) dst(%arg13 : memref<125x160xbf16, #tpu.memory_space<vmem>>)
        %add3A_89 = arith.constant 4 : i32
        %add3A_90 = arith.addi %add3A_82, %add3A_89 : i32
        %sub3A_91 = arith.constant 1 : i32
        %sub3A_92 = arith.subi %add3A_90, %sub3A_91 : i32
        %lt3A_93 = arith.constant 80 : i32
        %lt3A_94 = arith.cmpi slt, %sub3A_92, %lt3A_93 : i32
        %convert_element_type3A_95 = arith.extui %lt3A_94 : i1 to i32
        %cond3A_96 = arith.constant 0 : i32
        %cond3A_97 = arith.cmpi ne, %convert_element_type3A_95, %cond3A_96 : i32
        scf.if %cond3A_97 {
          %add3A_117 = arith.constant 4 : i32
          %add3A_118 = arith.addi %add3A_82, %add3A_117 : i32
          %sub3A_119 = arith.constant 1 : i32
          %sub3A_120 = arith.subi %add3A_118, %sub3A_119 : i32
          %dma_start3A_121 = arith.constant 0 : i32
          %dma_start3A_122 = tpu.memref_slice %arg9[%sub3A_120, %dma_start3A_121] : memref<80x125xi32, #tpu.memory_space<vmem>> -> memref<1x125xi32, #tpu.memory_space<vmem>>
          %dma_start3A_123 = tpu.memref_squeeze %dma_start3A_122 : memref<1x125xi32, #tpu.memory_space<vmem>> -> memref<125xi32, #tpu.memory_space<vmem>>
          %dma_start3A_124 = arith.constant 0 : i32
          %dma_start3A_125 = arith.constant 0 : i32
          %dma_start3A_126 = tpu.memref_slice %arg6[%dma_start3A_124, %dma_start3A_125] : memref<10000x160xbf16, #tpu.memory_space<hbm>> -> memref<10000x160xbf16, #tpu.memory_space<hbm>>
          tpu.enqueue_indirect_dma source(%dma_start3A_126 : memref<10000x160xbf16, #tpu.memory_space<hbm>>) target(%arg12 : memref<125x160xbf16, #tpu.memory_space<vmem>>) offsets(%dma_start3A_123 : memref<125xi32, #tpu.memory_space<vmem>>) semaphore(%arg17 : memref<!tpu.dma_semaphore, #tpu.memory_space<semaphore_mem>>)
        } else {
        }
        "tpu.region"() ({
          %run_scoped3A = tpu.sem_alloc : memref<!tpu.dma_semaphore, #tpu.memory_space<semaphore_mem>>
          %dma_start3A_117 = arith.constant 0 : i32
          %dma_start3A_118 = tpu.memref_slice %arg10[%add3A_82, %dma_start3A_117] : memref<80x125xi32, #tpu.memory_space<vmem>> -> memref<1x125xi32, #tpu.memory_space<vmem>>
          %dma_start3A_119 = tpu.memref_squeeze %dma_start3A_118 : memref<1x125xi32, #tpu.memory_space<vmem>> -> memref<125xi32, #tpu.memory_space<vmem>>
          %dma_start3A_120 = arith.constant 0 : i32
          %dma_start3A_121 = arith.constant 0 : i32
          %dma_start3A_122 = tpu.memref_slice %arg15[%dma_start3A_120, %dma_start3A_121] : memref<10000x160xbf16, #tpu.memory_space<vmem_shared>> -> memref<10000x160xbf16, #tpu.memory_space<vmem_shared>>
          tpu.enqueue_indirect_dma source(%arg13 : memref<125x160xbf16, #tpu.memory_space<vmem>>) target(%dma_start3A_122 : memref<10000x160xbf16, #tpu.memory_space<vmem_shared>>) offsets(%dma_start3A_119 : memref<125xi32, #tpu.memory_space<vmem>>) semaphore(%run_scoped3A : memref<!tpu.dma_semaphore, #tpu.memory_space<semaphore_mem>>) {add = true}
          %dma_wait3A_123 = arith.constant 0 : i32
          %dma_wait3A_124 = tpu.memref_slice %arg10[%add3A_82, %dma_wait3A_123] : memref<80x125xi32, #tpu.memory_space<vmem>> -> memref<1x125xi32, #tpu.memory_space<vmem>>
          %dma_wait3A_125 = tpu.memref_squeeze %dma_wait3A_124 : memref<1x125xi32, #tpu.memory_space<vmem>> -> memref<125xi32, #tpu.memory_space<vmem>>
          %dma_wait3A_126 = arith.constant 0 : i32
          %dma_wait3A_127 = arith.constant 0 : i32
          %dma_wait3A_128 = tpu.memref_slice %arg15[%dma_wait3A_126, %dma_wait3A_127] : memref<10000x160xbf16, #tpu.memory_space<vmem_shared>> -> memref<10000x160xbf16, #tpu.memory_space<vmem_shared>>
          tpu.wait_indirect_dma semaphore(%run_scoped3A : memref<!tpu.dma_semaphore, #tpu.memory_space<semaphore_mem>>) src(%arg13 : memref<125x160xbf16, #tpu.memory_space<vmem>>) dst(%dma_wait3A_128 : memref<10000x160xbf16, #tpu.memory_space<vmem_shared>>)
          tpu.yield
        }) : () -> ()
        %mul3A_98 = arith.constant 4 : i32
        %mul3A_99 = arith.muli %scan3A_44, %mul3A_98 : i32
        %add3A_100 = arith.constant 3 : i32
        %add3A_101 = arith.addi %mul3A_99, %add3A_100 : i32
        %dma_wait3A_102 = arith.constant 0 : i32
        %dma_wait3A_103 = tpu.memref_slice %arg9[%add3A_101, %dma_wait3A_102] : memref<80x125xi32, #tpu.memory_space<vmem>> -> memref<1x125xi32, #tpu.memory_space<vmem>>
        %dma_wait3A_104 = tpu.memref_squeeze %dma_wait3A_103 : memref<1x125xi32, #tpu.memory_space<vmem>> -> memref<125xi32, #tpu.memory_space<vmem>>
        %dma_wait3A_105 = arith.constant 0 : i32
        %dma_wait3A_106 = arith.constant 0 : i32
        %dma_wait3A_107 = tpu.memref_slice %arg6[%dma_wait3A_105, %dma_wait3A_106] : memref<10000x160xbf16, #tpu.memory_space<hbm>> -> memref<10000x160xbf16, #tpu.memory_space<hbm>>
        tpu.wait_indirect_dma semaphore(%arg19 : memref<!tpu.dma_semaphore, #tpu.memory_space<semaphore_mem>>) src(%dma_wait3A_107 : memref<10000x160xbf16, #tpu.memory_space<hbm>>) dst(%arg14 : memref<125x160xbf16, #tpu.memory_space<vmem>>)
        %add3A_108 = arith.constant 4 : i32
        %add3A_109 = arith.addi %add3A_101, %add3A_108 : i32
        %sub3A_110 = arith.constant 1 : i32
        %sub3A_111 = arith.subi %add3A_109, %sub3A_110 : i32
        %lt3A_112 = arith.constant 80 : i32
        %lt3A_113 = arith.cmpi slt, %sub3A_111, %lt3A_112 : i32
        %convert_element_type3A_114 = arith.extui %lt3A_113 : i1 to i32
        %cond3A_115 = arith.constant 0 : i32
        %cond3A_116 = arith.cmpi ne, %convert_element_type3A_114, %cond3A_115 : i32
        scf.if %cond3A_116 {
          %add3A_117 = arith.constant 4 : i32
          %add3A_118 = arith.addi %add3A_101, %add3A_117 : i32
          %sub3A_119 = arith.constant 1 : i32
          %sub3A_120 = arith.subi %add3A_118, %sub3A_119 : i32
          %dma_start3A_121 = arith.constant 0 : i32
          %dma_start3A_122 = tpu.memref_slice %arg9[%sub3A_120, %dma_start3A_121] : memref<80x125xi32, #tpu.memory_space<vmem>> -> memref<1x125xi32, #tpu.memory_space<vmem>>
          %dma_start3A_123 = tpu.memref_squeeze %dma_start3A_122 : memref<1x125xi32, #tpu.memory_space<vmem>> -> memref<125xi32, #tpu.memory_space<vmem>>
          %dma_start3A_124 = arith.constant 0 : i32
          %dma_start3A_125 = arith.constant 0 : i32
          %dma_start3A_126 = tpu.memref_slice %arg6[%dma_start3A_124, %dma_start3A_125] : memref<10000x160xbf16, #tpu.memory_space<hbm>> -> memref<10000x160xbf16, #tpu.memory_space<hbm>>
          tpu.enqueue_indirect_dma source(%dma_start3A_126 : memref<10000x160xbf16, #tpu.memory_space<hbm>>) target(%arg13 : memref<125x160xbf16, #tpu.memory_space<vmem>>) offsets(%dma_start3A_123 : memref<125xi32, #tpu.memory_space<vmem>>) semaphore(%arg18 : memref<!tpu.dma_semaphore, #tpu.memory_space<semaphore_mem>>)
        } else {
        }
        "tpu.region"() ({
          %run_scoped3A = tpu.sem_alloc : memref<!tpu.dma_semaphore, #tpu.memory_space<semaphore_mem>>
          %dma_start3A_117 = arith.constant 0 : i32
          %dma_start3A_118 = tpu.memref_slice %arg10[%add3A_101, %dma_start3A_117] : memref<80x125xi32, #tpu.memory_space<vmem>> -> memref<1x125xi32, #tpu.memory_space<vmem>>
          %dma_start3A_119 = tpu.memref_squeeze %dma_start3A_118 : memref<1x125xi32, #tpu.memory_space<vmem>> -> memref<125xi32, #tpu.memory_space<vmem>>
          %dma_start3A_120 = arith.constant 0 : i32
          %dma_start3A_121 = arith.constant 0 : i32
          %dma_start3A_122 = tpu.memref_slice %arg15[%dma_start3A_120, %dma_start3A_121] : memref<10000x160xbf16, #tpu.memory_space<vmem_shared>> -> memref<10000x160xbf16, #tpu.memory_space<vmem_shared>>
          tpu.enqueue_indirect_dma source(%arg14 : memref<125x160xbf16, #tpu.memory_space<vmem>>) target(%dma_start3A_122 : memref<10000x160xbf16, #tpu.memory_space<vmem_shared>>) offsets(%dma_start3A_119 : memref<125xi32, #tpu.memory_space<vmem>>) semaphore(%run_scoped3A : memref<!tpu.dma_semaphore, #tpu.memory_space<semaphore_mem>>) {add = true}
          %dma_wait3A_123 = arith.constant 0 : i32
          %dma_wait3A_124 = tpu.memref_slice %arg10[%add3A_101, %dma_wait3A_123] : memref<80x125xi32, #tpu.memory_space<vmem>> -> memref<1x125xi32, #tpu.memory_space<vmem>>
          %dma_wait3A_125 = tpu.memref_squeeze %dma_wait3A_124 : memref<1x125xi32, #tpu.memory_space<vmem>> -> memref<125xi32, #tpu.memory_space<vmem>>
          %dma_wait3A_126 = arith.constant 0 : i32
          %dma_wait3A_127 = arith.constant 0 : i32
          %dma_wait3A_128 = tpu.memref_slice %arg15[%dma_wait3A_126, %dma_wait3A_127] : memref<10000x160xbf16, #tpu.memory_space<vmem_shared>> -> memref<10000x160xbf16, #tpu.memory_space<vmem_shared>>
          tpu.wait_indirect_dma semaphore(%run_scoped3A : memref<!tpu.dma_semaphore, #tpu.memory_space<semaphore_mem>>) src(%arg14 : memref<125x160xbf16, #tpu.memory_space<vmem>>) dst(%dma_wait3A_128 : memref<10000x160xbf16, #tpu.memory_space<vmem_shared>>)
          tpu.yield
        }) : () -> ()
      }
      %scan3A_43 = arith.constant 20 : i32
    } else {
    }
    %barrier3A_8 = arith.constant 0 : index
    tpu.barrier barrier_id(%barrier3A_8)
    %eq3A_9 = arith.constant 0 : i32
    %eq3A_10 = arith.cmpi eq, %arg0, %eq3A_9 : i32
    %convert_element_type3A_11 = arith.extui %eq3A_10 : i1 to i32
    %cond3A_12 = arith.constant 0 : i32
    %cond3A_13 = arith.cmpi ne, %convert_element_type3A_11, %cond3A_12 : i32
    scf.if %cond3A_13 {
      %mul3A_19 = arith.constant 625 : i32
      %mul3A_20 = arith.muli %arg1, %mul3A_19 : i32
      %mul3A_21 = arith.constant 625 : i32
      %mul3A_22 = arith.muli %arg1, %mul3A_21 : i32
      "tpu.region"() ({
        %run_scoped3A = tpu.sem_alloc : memref<!tpu.dma_semaphore, #tpu.memory_space<semaphore_mem>>
        %dma_start3A = arith.constant 0 : i32
        %dma_start3A_23 = tpu.memref_slice %arg7[%mul3A_22, %dma_start3A] : memref<10000x160xbf16, #tpu.memory_space<hbm>> -> memref<625x160xbf16, #tpu.memory_space<hbm>>
        %dma_start3A_24 = arith.constant 0 : i32
        %dma_start3A_25 = tpu.memref_slice %arg15[%mul3A_20, %dma_start3A_24] : memref<10000x160xbf16, #tpu.memory_space<vmem_shared>> -> memref<625x160xbf16, #tpu.memory_space<vmem_shared>>
        tpu.enqueue_dma source(%dma_start3A_25 : memref<625x160xbf16, #tpu.memory_space<vmem_shared>>) target(%dma_start3A_23 : memref<625x160xbf16, #tpu.memory_space<hbm>>) target_semaphore(%run_scoped3A : memref<!tpu.dma_semaphore, #tpu.memory_space<semaphore_mem>>)
        %dma_wait3A = arith.constant 0 : i32
        %dma_wait3A_26 = tpu.memref_slice %arg7[%mul3A_22, %dma_wait3A] : memref<10000x160xbf16, #tpu.memory_space<hbm>> -> memref<625x160xbf16, #tpu.memory_space<hbm>>
        %dma_wait3A_27 = arith.constant 0 : i32
        %dma_wait3A_28 = tpu.memref_slice %arg15[%mul3A_20, %dma_wait3A_27] : memref<10000x160xbf16, #tpu.memory_space<vmem_shared>> -> memref<625x160xbf16, #tpu.memory_space<vmem_shared>>
        tpu.wait_dma2 semaphore(%run_scoped3A : memref<!tpu.dma_semaphore, #tpu.memory_space<semaphore_mem>>) src(%dma_wait3A_28 : memref<625x160xbf16, #tpu.memory_space<vmem_shared>>) dst(%dma_wait3A_26 : memref<625x160xbf16, #tpu.memory_space<hbm>>)
        tpu.yield
      }) : () -> ()
    } else {
    }
    %eq3A_14 = arith.constant 1 : i32
    %eq3A_15 = arith.cmpi eq, %arg0, %eq3A_14 : i32
    %convert_element_type3A_16 = arith.extui %eq3A_15 : i1 to i32
    %cond3A_17 = arith.constant 0 : i32
    %cond3A_18 = arith.cmpi ne, %convert_element_type3A_16, %cond3A_17 : i32
    scf.if %cond3A_18 {
      %mul3A_19 = arith.constant 625 : i32
      %mul3A_20 = arith.muli %arg1, %mul3A_19 : i32
      %mul3A_21 = arith.constant 625 : i32
      %mul3A_22 = arith.muli %arg1, %mul3A_21 : i32
      "tpu.region"() ({
        %run_scoped3A = tpu.sem_alloc : memref<!tpu.dma_semaphore, #tpu.memory_space<semaphore_mem>>
        %dma_start3A = arith.constant 0 : i32
        %dma_start3A_23 = tpu.memref_slice %arg8[%mul3A_22, %dma_start3A] : memref<10000x160xbf16, #tpu.memory_space<hbm>> -> memref<625x160xbf16, #tpu.memory_space<hbm>>
        %dma_start3A_24 = arith.constant 0 : i32
        %dma_start3A_25 = tpu.memref_slice %arg15[%mul3A_20, %dma_start3A_24] : memref<10000x160xbf16, #tpu.memory_space<vmem_shared>> -> memref<625x160xbf16, #tpu.memory_space<vmem_shared>>
        tpu.enqueue_dma source(%dma_start3A_25 : memref<625x160xbf16, #tpu.memory_space<vmem_shared>>) target(%dma_start3A_23 : memref<625x160xbf16, #tpu.memory_space<hbm>>) target_semaphore(%run_scoped3A : memref<!tpu.dma_semaphore, #tpu.memory_space<semaphore_mem>>)
        %dma_wait3A = arith.constant 0 : i32
        %dma_wait3A_26 = tpu.memref_slice %arg8[%mul3A_22, %dma_wait3A] : memref<10000x160xbf16, #tpu.memory_space<hbm>> -> memref<625x160xbf16, #tpu.memory_space<hbm>>
        %dma_wait3A_27 = arith.constant 0 : i32
        %dma_wait3A_28 = tpu.memref_slice %arg15[%mul3A_20, %dma_wait3A_27] : memref<10000x160xbf16, #tpu.memory_space<vmem_shared>> -> memref<625x160xbf16, #tpu.memory_space<vmem_shared>>
        tpu.wait_dma2 semaphore(%run_scoped3A : memref<!tpu.dma_semaphore, #tpu.memory_space<semaphore_mem>>) src(%dma_wait3A_28 : memref<625x160xbf16, #tpu.memory_space<vmem_shared>>) dst(%dma_wait3A_26 : memref<625x160xbf16, #tpu.memory_space<hbm>>)
        tpu.yield
      }) : () -> ()
    } else {
    }
    return
  }
}

#map = affine_map<(d0, d1) -> (0, 0, 0)>
#map1 = affine_map<(d0, d1) -> (0, 0)>
module attributes {stable_mosaic.version = 14 : i64} {
  func.func @_sc_body(%arg0: i32, %arg1: i32, %arg2: memref<16x80x125xi32, #tpu.memory_space<hbm>>, %arg3: memref<16x80x125xi32, #tpu.memory_space<hbm>>, %arg4: memref<625x160xbf16, #tpu.memory_space<hbm>>, %arg5: memref<10000x160xbf16, #tpu.memory_space<hbm>>, %arg6: memref<10000x160xbf16, #tpu.memory_space<hbm>>, %arg7: memref<10000x160xbf16, #tpu.memory_space<hbm>>, %arg8: memref<10000x160xbf16, #tpu.memory_space<hbm>>, %arg9: memref<80x125xi32, #tpu.memory_space<vmem>>, %arg10: memref<80x125xi32, #tpu.memory_space<vmem>>, %arg11: memref<125x160xbf16, #tpu.memory_space<vmem>>, %arg12: memref<125x160xbf16, #tpu.memory_space<vmem>>, %arg13: memref<125x160xbf16, #tpu.memory_space<vmem>>, %arg14: memref<125x160xbf16, #tpu.memory_space<vmem>>, %arg15: memref<10000x160xbf16, #tpu.memory_space<vmem_shared>>, %arg16: memref<!tpu.dma_semaphore, #tpu.memory_space<semaphore_mem>>, %arg17: memref<!tpu.dma_semaphore, #tpu.memory_space<semaphore_mem>>, %arg18: memref<!tpu.dma_semaphore, #tpu.memory_space<semaphore_mem>>, %arg19: memref<!tpu.dma_semaphore, #tpu.memory_space<semaphore_mem>>) attributes {dimension_semantics = [#tpu.dimension_semantics<core_parallel>, #tpu.dimension_semantics<subcore_parallel>], iteration_bounds = array<i64: 2, 16>, scalar_prefetch = 0 : i64, scratch_operands = 11 : i64, tpu.core_type = #tpu.core_type<sc_vector_subcore>, window_params = [{transform_indices = #map}, {transform_indices = #map}, {transform_indices = #map1}, {transform_indices = #map1}, {transform_indices = #map1}, {transform_indices = #map1}, {transform_indices = #map1}]} {
    %mul3A = arith.constant 625 : i32
    %mul3A_0 = arith.muli %arg1, %mul3A : i32
    "tpu.region"() ({
      %run_scoped3A = tpu.sem_alloc : memref<!tpu.dma_semaphore, #tpu.memory_space<semaphore_mem>>
      %dma_start3A = arith.constant 0 : i32
      %dma_start3A_19 = tpu.memref_slice %arg15[%mul3A_0, %dma_start3A] : memref<10000x160xbf16, #tpu.memory_space<vmem_shared>> -> memref<625x160xbf16, #tpu.memory_space<vmem_shared>>
      tpu.enqueue_dma source(%arg4 : memref<625x160xbf16, #tpu.memory_space<hbm>>) target(%dma_start3A_19 : memref<625x160xbf16, #tpu.memory_space<vmem_shared>>) target_semaphore(%run_scoped3A : memref<!tpu.dma_semaphore, #tpu.memory_space<semaphore_mem>>)
      %dma_wait3A = arith.constant 0 : i32
      %dma_wait3A_20 = tpu.memref_slice %arg15[%mul3A_0, %dma_wait3A] : memref<10000x160xbf16, #tpu.memory_space<vmem_shared>> -> memref<625x160xbf16, #tpu.memory_space<vmem_shared>>
      tpu.wait_dma2 semaphore(%run_scoped3A : memref<!tpu.dma_semaphore, #tpu.memory_space<semaphore_mem>>) src(%arg4 : memref<625x160xbf16, #tpu.memory_space<hbm>>) dst(%dma_wait3A_20 : memref<625x160xbf16, #tpu.memory_space<vmem_shared>>)
      tpu.yield
    }) : () -> ()
    %barrier3A = arith.constant 0 : index
    tpu.barrier barrier_id(%barrier3A)
    %eq3A = arith.constant 0 : i32
    %eq3A_1 = arith.cmpi eq, %arg0, %eq3A : i32
    %convert_element_type3A = arith.extui %eq3A_1 : i1 to i32
    %cond3A = arith.constant 0 : i32
    %cond3A_2 = arith.cmpi ne, %convert_element_type3A, %cond3A : i32
    scf.if %cond3A_2 {
      "tpu.region"() ({
        %run_scoped3A = tpu.sem_alloc : memref<!tpu.dma_semaphore, #tpu.memory_space<semaphore_mem>>
        %dma_start3A_44 = arith.constant 0 : i32
        %dma_start3A_45 = arith.constant 0 : i32
        %dma_start3A_46 = tpu.memref_slice %arg2[%arg1, %dma_start3A_44, %dma_start3A_45] : memref<16x80x125xi32, #tpu.memory_space<hbm>> -> memref<1x80x125xi32, #tpu.memory_space<hbm>>
        %dma_start3A_47 = tpu.memref_squeeze %dma_start3A_46 : memref<1x80x125xi32, #tpu.memory_space<hbm>> -> memref<80x125xi32, #tpu.memory_space<hbm>>
        %dma_start3A_48 = arith.constant 0 : i32
        %dma_start3A_49 = arith.constant 0 : i32
        %dma_start3A_50 = tpu.memref_slice %arg2[%arg1, %dma_start3A_48, %dma_start3A_49] : memref<16x80x125xi32, #tpu.memory_space<hbm>> -> memref<1x80x125xi32, #tpu.memory_space<hbm>>
        %dma_start3A_51 = tpu.memref_squeeze %dma_start3A_50 : memref<1x80x125xi32, #tpu.memory_space<hbm>> -> memref<80x125xi32, #tpu.memory_space<hbm>>
        tpu.enqueue_dma source(%dma_start3A_51 : memref<80x125xi32, #tpu.memory_space<hbm>>) target(%arg9 : memref<80x125xi32, #tpu.memory_space<vmem>>) target_semaphore(%run_scoped3A : memref<!tpu.dma_semaphore, #tpu.memory_space<semaphore_mem>>)
        %dma_wait3A = arith.constant 0 : i32
        %dma_wait3A_52 = arith.constant 0 : i32
        %dma_wait3A_53 = tpu.memref_slice %arg2[%arg1, %dma_wait3A, %dma_wait3A_52] : memref<16x80x125xi32, #tpu.memory_space<hbm>> -> memref<1x80x125xi32, #tpu.memory_space<hbm>>
        %dma_wait3A_54 = tpu.memref_squeeze %dma_wait3A_53 : memref<1x80x125xi32, #tpu.memory_space<hbm>> -> memref<80x125xi32, #tpu.memory_space<hbm>>
        %dma_wait3A_55 = arith.constant 0 : i32
        %dma_wait3A_56 = arith.constant 0 : i32
        %dma_wait3A_57 = tpu.memref_slice %arg2[%arg1, %dma_wait3A_55, %dma_wait3A_56] : memref<16x80x125xi32, #tpu.memory_space<hbm>> -> memref<1x80x125xi32, #tpu.memory_space<hbm>>
        %dma_wait3A_58 = tpu.memref_squeeze %dma_wait3A_57 : memref<1x80x125xi32, #tpu.memory_space<hbm>> -> memref<80x125xi32, #tpu.memory_space<hbm>>
        tpu.wait_dma2 semaphore(%run_scoped3A : memref<!tpu.dma_semaphore, #tpu.memory_space<semaphore_mem>>) src(%dma_wait3A_58 : memref<80x125xi32, #tpu.memory_space<hbm>>) dst(%arg9 : memref<80x125xi32, #tpu.memory_space<vmem>>)
        tpu.yield
      }) : () -> ()
      "tpu.region"() ({
        %run_scoped3A = tpu.sem_alloc : memref<!tpu.dma_semaphore, #tpu.memory_space<semaphore_mem>>
        %dma_start3A_44 = arith.constant 0 : i32
        %dma_start3A_45 = arith.constant 0 : i32
        %dma_start3A_46 = tpu.memref_slice %arg3[%arg1, %dma_start3A_44, %dma_start3A_45] : memref<16x80x125xi32, #tpu.memory_space<hbm>> -> memref<1x80x125xi32, #tpu.memory_space<hbm>>
        %dma_start3A_47 = tpu.memref_squeeze %dma_start3A_46 : memref<1x80x125xi32, #tpu.memory_space<hbm>> -> memref<80x125xi32, #tpu.memory_space<hbm>>
        %dma_start3A_48 = arith.constant 0 : i32
        %dma_start3A_49 = arith.constant 0 : i32
        %dma_start3A_50 = tpu.memref_slice %arg3[%arg1, %dma_start3A_48, %dma_start3A_49] : memref<16x80x125xi32, #tpu.memory_space<hbm>> -> memref<1x80x125xi32, #tpu.memory_space<hbm>>
        %dma_start3A_51 = tpu.memref_squeeze %dma_start3A_50 : memref<1x80x125xi32, #tpu.memory_space<hbm>> -> memref<80x125xi32, #tpu.memory_space<hbm>>
        tpu.enqueue_dma source(%dma_start3A_51 : memref<80x125xi32, #tpu.memory_space<hbm>>) target(%arg10 : memref<80x125xi32, #tpu.memory_space<vmem>>) target_semaphore(%run_scoped3A : memref<!tpu.dma_semaphore, #tpu.memory_space<semaphore_mem>>)
        %dma_wait3A = arith.constant 0 : i32
        %dma_wait3A_52 = arith.constant 0 : i32
        %dma_wait3A_53 = tpu.memref_slice %arg3[%arg1, %dma_wait3A, %dma_wait3A_52] : memref<16x80x125xi32, #tpu.memory_space<hbm>> -> memref<1x80x125xi32, #tpu.memory_space<hbm>>
        %dma_wait3A_54 = tpu.memref_squeeze %dma_wait3A_53 : memref<1x80x125xi32, #tpu.memory_space<hbm>> -> memref<80x125xi32, #tpu.memory_space<hbm>>
        %dma_wait3A_55 = arith.constant 0 : i32
        %dma_wait3A_56 = arith.constant 0 : i32
        %dma_wait3A_57 = tpu.memref_slice %arg3[%arg1, %dma_wait3A_55, %dma_wait3A_56] : memref<16x80x125xi32, #tpu.memory_space<hbm>> -> memref<1x80x125xi32, #tpu.memory_space<hbm>>
        %dma_wait3A_58 = tpu.memref_squeeze %dma_wait3A_57 : memref<1x80x125xi32, #tpu.memory_space<hbm>> -> memref<80x125xi32, #tpu.memory_space<hbm>>
        tpu.wait_dma2 semaphore(%run_scoped3A : memref<!tpu.dma_semaphore, #tpu.memory_space<semaphore_mem>>) src(%dma_wait3A_58 : memref<80x125xi32, #tpu.memory_space<hbm>>) dst(%arg10 : memref<80x125xi32, #tpu.memory_space<vmem>>)
        tpu.yield
      }) : () -> ()
      %dma_start3A = arith.constant 0 : i32
      %dma_start3A_19 = arith.constant 0 : i32
      %dma_start3A_20 = tpu.memref_slice %arg9[%dma_start3A, %dma_start3A_19] : memref<80x125xi32, #tpu.memory_space<vmem>> -> memref<1x125xi32, #tpu.memory_space<vmem>>
      %dma_start3A_21 = tpu.memref_squeeze %dma_start3A_20 : memref<1x125xi32, #tpu.memory_space<vmem>> -> memref<125xi32, #tpu.memory_space<vmem>>
      %dma_start3A_22 = arith.constant 0 : i32
      %dma_start3A_23 = arith.constant 0 : i32
      %dma_start3A_24 = tpu.memref_slice %arg5[%dma_start3A_22, %dma_start3A_23] : memref<10000x160xbf16, #tpu.memory_space<hbm>> -> memref<10000x160xbf16, #tpu.memory_space<hbm>>
      tpu.enqueue_indirect_dma source(%dma_start3A_24 : memref<10000x160xbf16, #tpu.memory_space<hbm>>) target(%arg11 : memref<125x160xbf16, #tpu.memory_space<vmem>>) offsets(%dma_start3A_21 : memref<125xi32, #tpu.memory_space<vmem>>) semaphore(%arg16 : memref<!tpu.dma_semaphore, #tpu.memory_space<semaphore_mem>>)
      %dma_start3A_25 = arith.constant 1 : i32
      %dma_start3A_26 = arith.constant 0 : i32
      %dma_start3A_27 = tpu.memref_slice %arg9[%dma_start3A_25, %dma_start3A_26] : memref<80x125xi32, #tpu.memory_space<vmem>> -> memref<1x125xi32, #tpu.memory_space<vmem>>
      %dma_start3A_28 = tpu.memref_squeeze %dma_start3A_27 : memref<1x125xi32, #tpu.memory_space<vmem>> -> memref<125xi32, #tpu.memory_space<vmem>>
      %dma_start3A_29 = arith.constant 0 : i32
      %dma_start3A_30 = arith.constant 0 : i32
      %dma_start3A_31 = tpu.memref_slice %arg5[%dma_start3A_29, %dma_start3A_30] : memref<10000x160xbf16, #tpu.memory_space<hbm>> -> memref<10000x160xbf16, #tpu.memory_space<hbm>>
      tpu.enqueue_indirect_dma source(%dma_start3A_31 : memref<10000x160xbf16, #tpu.memory_space<hbm>>) target(%arg12 : memref<125x160xbf16, #tpu.memory_space<vmem>>) offsets(%dma_start3A_28 : memref<125xi32, #tpu.memory_space<vmem>>) semaphore(%arg17 : memref<!tpu.dma_semaphore, #tpu.memory_space<semaphore_mem>>)
      %dma_start3A_32 = arith.constant 2 : i32
      %dma_start3A_33 = arith.constant 0 : i32
      %dma_start3A_34 = tpu.memref_slice %arg9[%dma_start3A_32, %dma_start3A_33] : memref<80x125xi32, #tpu.memory_space<vmem>> -> memref<1x125xi32, #tpu.memory_space<vmem>>
      %dma_start3A_35 = tpu.memref_squeeze %dma_start3A_34 : memref<1x125xi32, #tpu.memory_space<vmem>> -> memref<125xi32, #tpu.memory_space<vmem>>
      %dma_start3A_36 = arith.constant 0 : i32
      %dma_start3A_37 = arith.constant 0 : i32
      %dma_start3A_38 = tpu.memref_slice %arg5[%dma_start3A_36, %dma_start3A_37] : memref<10000x160xbf16, #tpu.memory_space<hbm>> -> memref<10000x160xbf16, #tpu.memory_space<hbm>>
      tpu.enqueue_indirect_dma source(%dma_start3A_38 : memref<10000x160xbf16, #tpu.memory_space<hbm>>) target(%arg13 : memref<125x160xbf16, #tpu.memory_space<vmem>>) offsets(%dma_start3A_35 : memref<125xi32, #tpu.memory_space<vmem>>) semaphore(%arg18 : memref<!tpu.dma_semaphore, #tpu.memory_space<semaphore_mem>>)
      %scan3A = arith.constant 0 : i32
      %scan3A_39 = arith.constant 0 : i32
      %scan3A_40 = arith.constant 20 : i32
      %scan3A_41 = arith.addi %scan3A_39, %scan3A_40 : i32
      %scan3A_42 = arith.constant 1 : i32
      scf.for %scan3A_44 = %scan3A_39 to %scan3A_41 step %scan3A_42  : i32 {
        %mul3A_45 = arith.constant 4 : i32
        %mul3A_46 = arith.muli %scan3A_44, %mul3A_45 : i32
        %add3A = arith.constant 0 : i32
        %add3A_47 = arith.addi %mul3A_46, %add3A : i32
        %dma_wait3A = arith.constant 0 : i32
        %dma_wait3A_48 = tpu.memref_slice %arg9[%add3A_47, %dma_wait3A] : memref<80x125xi32, #tpu.memory_space<vmem>> -> memref<1x125xi32, #tpu.memory_space<vmem>>
        %dma_wait3A_49 = tpu.memref_squeeze %dma_wait3A_48 : memref<1x125xi32, #tpu.memory_space<vmem>> -> memref<125xi32, #tpu.memory_space<vmem>>
        %dma_wait3A_50 = arith.constant 0 : i32
        %dma_wait3A_51 = arith.constant 0 : i32
        %dma_wait3A_52 = tpu.memref_slice %arg5[%dma_wait3A_50, %dma_wait3A_51] : memref<10000x160xbf16, #tpu.memory_space<hbm>> -> memref<10000x160xbf16, #tpu.memory_space<hbm>>
        tpu.wait_indirect_dma semaphore(%arg16 : memref<!tpu.dma_semaphore, #tpu.memory_space<semaphore_mem>>) src(%dma_wait3A_52 : memref<10000x160xbf16, #tpu.memory_space<hbm>>) dst(%arg11 : memref<125x160xbf16, #tpu.memory_space<vmem>>)
        %add3A_53 = arith.constant 4 : i32
        %add3A_54 = arith.addi %add3A_47, %add3A_53 : i32
        %sub3A = arith.constant 1 : i32
        %sub3A_55 = arith.subi %add3A_54, %sub3A : i32
        %lt3A = arith.constant 80 : i32
        %lt3A_56 = arith.cmpi slt, %sub3A_55, %lt3A : i32
        %convert_element_type3A_57 = arith.extui %lt3A_56 : i1 to i32
        %cond3A_58 = arith.constant 0 : i32
        %cond3A_59 = arith.cmpi ne, %convert_element_type3A_57, %cond3A_58 : i32
        scf.if %cond3A_59 {
          %add3A_117 = arith.constant 4 : i32
          %add3A_118 = arith.addi %add3A_47, %add3A_117 : i32
          %sub3A_119 = arith.constant 1 : i32
          %sub3A_120 = arith.subi %add3A_118, %sub3A_119 : i32
          %dma_start3A_121 = arith.constant 0 : i32
          %dma_start3A_122 = tpu.memref_slice %arg9[%sub3A_120, %dma_start3A_121] : memref<80x125xi32, #tpu.memory_space<vmem>> -> memref<1x125xi32, #tpu.memory_space<vmem>>
          %dma_start3A_123 = tpu.memref_squeeze %dma_start3A_122 : memref<1x125xi32, #tpu.memory_space<vmem>> -> memref<125xi32, #tpu.memory_space<vmem>>
          %dma_start3A_124 = arith.constant 0 : i32
          %dma_start3A_125 = arith.constant 0 : i32
          %dma_start3A_126 = tpu.memref_slice %arg5[%dma_start3A_124, %dma_start3A_125] : memref<10000x160xbf16, #tpu.memory_space<hbm>> -> memref<10000x160xbf16, #tpu.memory_space<hbm>>
          tpu.enqueue_indirect_dma source(%dma_start3A_126 : memref<10000x160xbf16, #tpu.memory_space<hbm>>) target(%arg14 : memref<125x160xbf16, #tpu.memory_space<vmem>>) offsets(%dma_start3A_123 : memref<125xi32, #tpu.memory_space<vmem>>) semaphore(%arg19 : memref<!tpu.dma_semaphore, #tpu.memory_space<semaphore_mem>>)
        } else {
        }
        "tpu.region"() ({
          %run_scoped3A = tpu.sem_alloc : memref<!tpu.dma_semaphore, #tpu.memory_space<semaphore_mem>>
          %dma_start3A_117 = arith.constant 0 : i32
          %dma_start3A_118 = tpu.memref_slice %arg10[%add3A_47, %dma_start3A_117] : memref<80x125xi32, #tpu.memory_space<vmem>> -> memref<1x125xi32, #tpu.memory_space<vmem>>
          %dma_start3A_119 = tpu.memref_squeeze %dma_start3A_118 : memref<1x125xi32, #tpu.memory_space<vmem>> -> memref<125xi32, #tpu.memory_space<vmem>>
          %dma_start3A_120 = arith.constant 0 : i32
          %dma_start3A_121 = arith.constant 0 : i32
          %dma_start3A_122 = tpu.memref_slice %arg15[%dma_start3A_120, %dma_start3A_121] : memref<10000x160xbf16, #tpu.memory_space<vmem_shared>> -> memref<10000x160xbf16, #tpu.memory_space<vmem_shared>>
          tpu.enqueue_indirect_dma source(%arg11 : memref<125x160xbf16, #tpu.memory_space<vmem>>) target(%dma_start3A_122 : memref<10000x160xbf16, #tpu.memory_space<vmem_shared>>) offsets(%dma_start3A_119 : memref<125xi32, #tpu.memory_space<vmem>>) semaphore(%run_scoped3A : memref<!tpu.dma_semaphore, #tpu.memory_space<semaphore_mem>>) {add = true}
          %dma_wait3A_123 = arith.constant 0 : i32
          %dma_wait3A_124 = tpu.memref_slice %arg10[%add3A_47, %dma_wait3A_123] : memref<80x125xi32, #tpu.memory_space<vmem>> -> memref<1x125xi32, #tpu.memory_space<vmem>>
          %dma_wait3A_125 = tpu.memref_squeeze %dma_wait3A_124 : memref<1x125xi32, #tpu.memory_space<vmem>> -> memref<125xi32, #tpu.memory_space<vmem>>
          %dma_wait3A_126 = arith.constant 0 : i32
          %dma_wait3A_127 = arith.constant 0 : i32
          %dma_wait3A_128 = tpu.memref_slice %arg15[%dma_wait3A_126, %dma_wait3A_127] : memref<10000x160xbf16, #tpu.memory_space<vmem_shared>> -> memref<10000x160xbf16, #tpu.memory_space<vmem_shared>>
          tpu.wait_indirect_dma semaphore(%run_scoped3A : memref<!tpu.dma_semaphore, #tpu.memory_space<semaphore_mem>>) src(%arg11 : memref<125x160xbf16, #tpu.memory_space<vmem>>) dst(%dma_wait3A_128 : memref<10000x160xbf16, #tpu.memory_space<vmem_shared>>)
          tpu.yield
        }) : () -> ()
        %mul3A_60 = arith.constant 4 : i32
        %mul3A_61 = arith.muli %scan3A_44, %mul3A_60 : i32
        %add3A_62 = arith.constant 1 : i32
        %add3A_63 = arith.addi %mul3A_61, %add3A_62 : i32
        %dma_wait3A_64 = arith.constant 0 : i32
        %dma_wait3A_65 = tpu.memref_slice %arg9[%add3A_63, %dma_wait3A_64] : memref<80x125xi32, #tpu.memory_space<vmem>> -> memref<1x125xi32, #tpu.memory_space<vmem>>
        %dma_wait3A_66 = tpu.memref_squeeze %dma_wait3A_65 : memref<1x125xi32, #tpu.memory_space<vmem>> -> memref<125xi32, #tpu.memory_space<vmem>>
        %dma_wait3A_67 = arith.constant 0 : i32
        %dma_wait3A_68 = arith.constant 0 : i32
        %dma_wait3A_69 = tpu.memref_slice %arg5[%dma_wait3A_67, %dma_wait3A_68] : memref<10000x160xbf16, #tpu.memory_space<hbm>> -> memref<10000x160xbf16, #tpu.memory_space<hbm>>
        tpu.wait_indirect_dma semaphore(%arg17 : memref<!tpu.dma_semaphore, #tpu.memory_space<semaphore_mem>>) src(%dma_wait3A_69 : memref<10000x160xbf16, #tpu.memory_space<hbm>>) dst(%arg12 : memref<125x160xbf16, #tpu.memory_space<vmem>>)
        %add3A_70 = arith.constant 4 : i32
        %add3A_71 = arith.addi %add3A_63, %add3A_70 : i32
        %sub3A_72 = arith.constant 1 : i32
        %sub3A_73 = arith.subi %add3A_71, %sub3A_72 : i32
        %lt3A_74 = arith.constant 80 : i32
        %lt3A_75 = arith.cmpi slt, %sub3A_73, %lt3A_74 : i32
        %convert_element_type3A_76 = arith.extui %lt3A_75 : i1 to i32
        %cond3A_77 = arith.constant 0 : i32
        %cond3A_78 = arith.cmpi ne, %convert_element_type3A_76, %cond3A_77 : i32
        scf.if %cond3A_78 {
          %add3A_117 = arith.constant 4 : i32
          %add3A_118 = arith.addi %add3A_63, %add3A_117 : i32
          %sub3A_119 = arith.constant 1 : i32
          %sub3A_120 = arith.subi %add3A_118, %sub3A_119 : i32
          %dma_start3A_121 = arith.constant 0 : i32
          %dma_start3A_122 = tpu.memref_slice %arg9[%sub3A_120, %dma_start3A_121] : memref<80x125xi32, #tpu.memory_space<vmem>> -> memref<1x125xi32, #tpu.memory_space<vmem>>
          %dma_start3A_123 = tpu.memref_squeeze %dma_start3A_122 : memref<1x125xi32, #tpu.memory_space<vmem>> -> memref<125xi32, #tpu.memory_space<vmem>>
          %dma_start3A_124 = arith.constant 0 : i32
          %dma_start3A_125 = arith.constant 0 : i32
          %dma_start3A_126 = tpu.memref_slice %arg5[%dma_start3A_124, %dma_start3A_125] : memref<10000x160xbf16, #tpu.memory_space<hbm>> -> memref<10000x160xbf16, #tpu.memory_space<hbm>>
          tpu.enqueue_indirect_dma source(%dma_start3A_126 : memref<10000x160xbf16, #tpu.memory_space<hbm>>) target(%arg11 : memref<125x160xbf16, #tpu.memory_space<vmem>>) offsets(%dma_start3A_123 : memref<125xi32, #tpu.memory_space<vmem>>) semaphore(%arg16 : memref<!tpu.dma_semaphore, #tpu.memory_space<semaphore_mem>>)
        } else {
        }
        "tpu.region"() ({
          %run_scoped3A = tpu.sem_alloc : memref<!tpu.dma_semaphore, #tpu.memory_space<semaphore_mem>>
          %dma_start3A_117 = arith.constant 0 : i32
          %dma_start3A_118 = tpu.memref_slice %arg10[%add3A_63, %dma_start3A_117] : memref<80x125xi32, #tpu.memory_space<vmem>> -> memref<1x125xi32, #tpu.memory_space<vmem>>
          %dma_start3A_119 = tpu.memref_squeeze %dma_start3A_118 : memref<1x125xi32, #tpu.memory_space<vmem>> -> memref<125xi32, #tpu.memory_space<vmem>>
          %dma_start3A_120 = arith.constant 0 : i32
          %dma_start3A_121 = arith.constant 0 : i32
          %dma_start3A_122 = tpu.memref_slice %arg15[%dma_start3A_120, %dma_start3A_121] : memref<10000x160xbf16, #tpu.memory_space<vmem_shared>> -> memref<10000x160xbf16, #tpu.memory_space<vmem_shared>>
          tpu.enqueue_indirect_dma source(%arg12 : memref<125x160xbf16, #tpu.memory_space<vmem>>) target(%dma_start3A_122 : memref<10000x160xbf16, #tpu.memory_space<vmem_shared>>) offsets(%dma_start3A_119 : memref<125xi32, #tpu.memory_space<vmem>>) semaphore(%run_scoped3A : memref<!tpu.dma_semaphore, #tpu.memory_space<semaphore_mem>>) {add = true}
          %dma_wait3A_123 = arith.constant 0 : i32
          %dma_wait3A_124 = tpu.memref_slice %arg10[%add3A_63, %dma_wait3A_123] : memref<80x125xi32, #tpu.memory_space<vmem>> -> memref<1x125xi32, #tpu.memory_space<vmem>>
          %dma_wait3A_125 = tpu.memref_squeeze %dma_wait3A_124 : memref<1x125xi32, #tpu.memory_space<vmem>> -> memref<125xi32, #tpu.memory_space<vmem>>
          %dma_wait3A_126 = arith.constant 0 : i32
          %dma_wait3A_127 = arith.constant 0 : i32
          %dma_wait3A_128 = tpu.memref_slice %arg15[%dma_wait3A_126, %dma_wait3A_127] : memref<10000x160xbf16, #tpu.memory_space<vmem_shared>> -> memref<10000x160xbf16, #tpu.memory_space<vmem_shared>>
          tpu.wait_indirect_dma semaphore(%run_scoped3A : memref<!tpu.dma_semaphore, #tpu.memory_space<semaphore_mem>>) src(%arg12 : memref<125x160xbf16, #tpu.memory_space<vmem>>) dst(%dma_wait3A_128 : memref<10000x160xbf16, #tpu.memory_space<vmem_shared>>)
          tpu.yield
        }) : () -> ()
        %mul3A_79 = arith.constant 4 : i32
        %mul3A_80 = arith.muli %scan3A_44, %mul3A_79 : i32
        %add3A_81 = arith.constant 2 : i32
        %add3A_82 = arith.addi %mul3A_80, %add3A_81 : i32
        %dma_wait3A_83 = arith.constant 0 : i32
        %dma_wait3A_84 = tpu.memref_slice %arg9[%add3A_82, %dma_wait3A_83] : memref<80x125xi32, #tpu.memory_space<vmem>> -> memref<1x125xi32, #tpu.memory_space<vmem>>
        %dma_wait3A_85 = tpu.memref_squeeze %dma_wait3A_84 : memref<1x125xi32, #tpu.memory_space<vmem>> -> memref<125xi32, #tpu.memory_space<vmem>>
        %dma_wait3A_86 = arith.constant 0 : i32
        %dma_wait3A_87 = arith.constant 0 : i32
        %dma_wait3A_88 = tpu.memref_slice %arg5[%dma_wait3A_86, %dma_wait3A_87] : memref<10000x160xbf16, #tpu.memory_space<hbm>> -> memref<10000x160xbf16, #tpu.memory_space<hbm>>
        tpu.wait_indirect_dma semaphore(%arg18 : memref<!tpu.dma_semaphore, #tpu.memory_space<semaphore_mem>>) src(%dma_wait3A_88 : memref<10000x160xbf16, #tpu.memory_space<hbm>>) dst(%arg13 : memref<125x160xbf16, #tpu.memory_space<vmem>>)
        %add3A_89 = arith.constant 4 : i32
        %add3A_90 = arith.addi %add3A_82, %add3A_89 : i32
        %sub3A_91 = arith.constant 1 : i32
        %sub3A_92 = arith.subi %add3A_90, %sub3A_91 : i32
        %lt3A_93 = arith.constant 80 : i32
        %lt3A_94 = arith.cmpi slt, %sub3A_92, %lt3A_93 : i32
        %convert_element_type3A_95 = arith.extui %lt3A_94 : i1 to i32
        %cond3A_96 = arith.constant 0 : i32
        %cond3A_97 = arith.cmpi ne, %convert_element_type3A_95, %cond3A_96 : i32
        scf.if %cond3A_97 {
          %add3A_117 = arith.constant 4 : i32
          %add3A_118 = arith.addi %add3A_82, %add3A_117 : i32
          %sub3A_119 = arith.constant 1 : i32
          %sub3A_120 = arith.subi %add3A_118, %sub3A_119 : i32
          %dma_start3A_121 = arith.constant 0 : i32
          %dma_start3A_122 = tpu.memref_slice %arg9[%sub3A_120, %dma_start3A_121] : memref<80x125xi32, #tpu.memory_space<vmem>> -> memref<1x125xi32, #tpu.memory_space<vmem>>
          %dma_start3A_123 = tpu.memref_squeeze %dma_start3A_122 : memref<1x125xi32, #tpu.memory_space<vmem>> -> memref<125xi32, #tpu.memory_space<vmem>>
          %dma_start3A_124 = arith.constant 0 : i32
          %dma_start3A_125 = arith.constant 0 : i32
          %dma_start3A_126 = tpu.memref_slice %arg5[%dma_start3A_124, %dma_start3A_125] : memref<10000x160xbf16, #tpu.memory_space<hbm>> -> memref<10000x160xbf16, #tpu.memory_space<hbm>>
          tpu.enqueue_indirect_dma source(%dma_start3A_126 : memref<10000x160xbf16, #tpu.memory_space<hbm>>) target(%arg12 : memref<125x160xbf16, #tpu.memory_space<vmem>>) offsets(%dma_start3A_123 : memref<125xi32, #tpu.memory_space<vmem>>) semaphore(%arg17 : memref<!tpu.dma_semaphore, #tpu.memory_space<semaphore_mem>>)
        } else {
        }
        "tpu.region"() ({
          %run_scoped3A = tpu.sem_alloc : memref<!tpu.dma_semaphore, #tpu.memory_space<semaphore_mem>>
          %dma_start3A_117 = arith.constant 0 : i32
          %dma_start3A_118 = tpu.memref_slice %arg10[%add3A_82, %dma_start3A_117] : memref<80x125xi32, #tpu.memory_space<vmem>> -> memref<1x125xi32, #tpu.memory_space<vmem>>
          %dma_start3A_119 = tpu.memref_squeeze %dma_start3A_118 : memref<1x125xi32, #tpu.memory_space<vmem>> -> memref<125xi32, #tpu.memory_space<vmem>>
          %dma_start3A_120 = arith.constant 0 : i32
          %dma_start3A_121 = arith.constant 0 : i32
          %dma_start3A_122 = tpu.memref_slice %arg15[%dma_start3A_120, %dma_start3A_121] : memref<10000x160xbf16, #tpu.memory_space<vmem_shared>> -> memref<10000x160xbf16, #tpu.memory_space<vmem_shared>>
          tpu.enqueue_indirect_dma source(%arg13 : memref<125x160xbf16, #tpu.memory_space<vmem>>) target(%dma_start3A_122 : memref<10000x160xbf16, #tpu.memory_space<vmem_shared>>) offsets(%dma_start3A_119 : memref<125xi32, #tpu.memory_space<vmem>>) semaphore(%run_scoped3A : memref<!tpu.dma_semaphore, #tpu.memory_space<semaphore_mem>>) {add = true}
          %dma_wait3A_123 = arith.constant 0 : i32
          %dma_wait3A_124 = tpu.memref_slice %arg10[%add3A_82, %dma_wait3A_123] : memref<80x125xi32, #tpu.memory_space<vmem>> -> memref<1x125xi32, #tpu.memory_space<vmem>>
          %dma_wait3A_125 = tpu.memref_squeeze %dma_wait3A_124 : memref<1x125xi32, #tpu.memory_space<vmem>> -> memref<125xi32, #tpu.memory_space<vmem>>
          %dma_wait3A_126 = arith.constant 0 : i32
          %dma_wait3A_127 = arith.constant 0 : i32
          %dma_wait3A_128 = tpu.memref_slice %arg15[%dma_wait3A_126, %dma_wait3A_127] : memref<10000x160xbf16, #tpu.memory_space<vmem_shared>> -> memref<10000x160xbf16, #tpu.memory_space<vmem_shared>>
          tpu.wait_indirect_dma semaphore(%run_scoped3A : memref<!tpu.dma_semaphore, #tpu.memory_space<semaphore_mem>>) src(%arg13 : memref<125x160xbf16, #tpu.memory_space<vmem>>) dst(%dma_wait3A_128 : memref<10000x160xbf16, #tpu.memory_space<vmem_shared>>)
          tpu.yield
        }) : () -> ()
        %mul3A_98 = arith.constant 4 : i32
        %mul3A_99 = arith.muli %scan3A_44, %mul3A_98 : i32
        %add3A_100 = arith.constant 3 : i32
        %add3A_101 = arith.addi %mul3A_99, %add3A_100 : i32
        %dma_wait3A_102 = arith.constant 0 : i32
        %dma_wait3A_103 = tpu.memref_slice %arg9[%add3A_101, %dma_wait3A_102] : memref<80x125xi32, #tpu.memory_space<vmem>> -> memref<1x125xi32, #tpu.memory_space<vmem>>
        %dma_wait3A_104 = tpu.memref_squeeze %dma_wait3A_103 : memref<1x125xi32, #tpu.memory_space<vmem>> -> memref<125xi32, #tpu.memory_space<vmem>>
        %dma_wait3A_105 = arith.constant 0 : i32
        %dma_wait3A_106 = arith.constant 0 : i32
        %dma_wait3A_107 = tpu.memref_slice %arg5[%dma_wait3A_105, %dma_wait3A_106] : memref<10000x160xbf16, #tpu.memory_space<hbm>> -> memref<10000x160xbf16, #tpu.memory_space<hbm>>
        tpu.wait_indirect_dma semaphore(%arg19 : memref<!tpu.dma_semaphore, #tpu.memory_space<semaphore_mem>>) src(%dma_wait3A_107 : memref<10000x160xbf16, #tpu.memory_space<hbm>>) dst(%arg14 : memref<125x160xbf16, #tpu.memory_space<vmem>>)
        %add3A_108 = arith.constant 4 : i32
        %add3A_109 = arith.addi %add3A_101, %add3A_108 : i32
        %sub3A_110 = arith.constant 1 : i32
        %sub3A_111 = arith.subi %add3A_109, %sub3A_110 : i32
        %lt3A_112 = arith.constant 80 : i32
        %lt3A_113 = arith.cmpi slt, %sub3A_111, %lt3A_112 : i32
        %convert_element_type3A_114 = arith.extui %lt3A_113 : i1 to i32
        %cond3A_115 = arith.constant 0 : i32
        %cond3A_116 = arith.cmpi ne, %convert_element_type3A_114, %cond3A_115 : i32
        scf.if %cond3A_116 {
          %add3A_117 = arith.constant 4 : i32
          %add3A_118 = arith.addi %add3A_101, %add3A_117 : i32
          %sub3A_119 = arith.constant 1 : i32
          %sub3A_120 = arith.subi %add3A_118, %sub3A_119 : i32
          %dma_start3A_121 = arith.constant 0 : i32
          %dma_start3A_122 = tpu.memref_slice %arg9[%sub3A_120, %dma_start3A_121] : memref<80x125xi32, #tpu.memory_space<vmem>> -> memref<1x125xi32, #tpu.memory_space<vmem>>
          %dma_start3A_123 = tpu.memref_squeeze %dma_start3A_122 : memref<1x125xi32, #tpu.memory_space<vmem>> -> memref<125xi32, #tpu.memory_space<vmem>>
          %dma_start3A_124 = arith.constant 0 : i32
          %dma_start3A_125 = arith.constant 0 : i32
          %dma_start3A_126 = tpu.memref_slice %arg5[%dma_start3A_124, %dma_start3A_125] : memref<10000x160xbf16, #tpu.memory_space<hbm>> -> memref<10000x160xbf16, #tpu.memory_space<hbm>>
          tpu.enqueue_indirect_dma source(%dma_start3A_126 : memref<10000x160xbf16, #tpu.memory_space<hbm>>) target(%arg13 : memref<125x160xbf16, #tpu.memory_space<vmem>>) offsets(%dma_start3A_123 : memref<125xi32, #tpu.memory_space<vmem>>) semaphore(%arg18 : memref<!tpu.dma_semaphore, #tpu.memory_space<semaphore_mem>>)
        } else {
        }
        "tpu.region"() ({
          %run_scoped3A = tpu.sem_alloc : memref<!tpu.dma_semaphore, #tpu.memory_space<semaphore_mem>>
          %dma_start3A_117 = arith.constant 0 : i32
          %dma_start3A_118 = tpu.memref_slice %arg10[%add3A_101, %dma_start3A_117] : memref<80x125xi32, #tpu.memory_space<vmem>> -> memref<1x125xi32, #tpu.memory_space<vmem>>
          %dma_start3A_119 = tpu.memref_squeeze %dma_start3A_118 : memref<1x125xi32, #tpu.memory_space<vmem>> -> memref<125xi32, #tpu.memory_space<vmem>>
          %dma_start3A_120 = arith.constant 0 : i32
          %dma_start3A_121 = arith.constant 0 : i32
          %dma_start3A_122 = tpu.memref_slice %arg15[%dma_start3A_120, %dma_start3A_121] : memref<10000x160xbf16, #tpu.memory_space<vmem_shared>> -> memref<10000x160xbf16, #tpu.memory_space<vmem_shared>>
          tpu.enqueue_indirect_dma source(%arg14 : memref<125x160xbf16, #tpu.memory_space<vmem>>) target(%dma_start3A_122 : memref<10000x160xbf16, #tpu.memory_space<vmem_shared>>) offsets(%dma_start3A_119 : memref<125xi32, #tpu.memory_space<vmem>>) semaphore(%run_scoped3A : memref<!tpu.dma_semaphore, #tpu.memory_space<semaphore_mem>>) {add = true}
          %dma_wait3A_123 = arith.constant 0 : i32
          %dma_wait3A_124 = tpu.memref_slice %arg10[%add3A_101, %dma_wait3A_123] : memref<80x125xi32, #tpu.memory_space<vmem>> -> memref<1x125xi32, #tpu.memory_space<vmem>>
          %dma_wait3A_125 = tpu.memref_squeeze %dma_wait3A_124 : memref<1x125xi32, #tpu.memory_space<vmem>> -> memref<125xi32, #tpu.memory_space<vmem>>
          %dma_wait3A_126 = arith.constant 0 : i32
          %dma_wait3A_127 = arith.constant 0 : i32
          %dma_wait3A_128 = tpu.memref_slice %arg15[%dma_wait3A_126, %dma_wait3A_127] : memref<10000x160xbf16, #tpu.memory_space<vmem_shared>> -> memref<10000x160xbf16, #tpu.memory_space<vmem_shared>>
          tpu.wait_indirect_dma semaphore(%run_scoped3A : memref<!tpu.dma_semaphore, #tpu.memory_space<semaphore_mem>>) src(%arg14 : memref<125x160xbf16, #tpu.memory_space<vmem>>) dst(%dma_wait3A_128 : memref<10000x160xbf16, #tpu.memory_space<vmem_shared>>)
          tpu.yield
        }) : () -> ()
      }
      %scan3A_43 = arith.constant 20 : i32
    } else {
    }
    %eq3A_3 = arith.constant 1 : i32
    %eq3A_4 = arith.cmpi eq, %arg0, %eq3A_3 : i32
    %convert_element_type3A_5 = arith.extui %eq3A_4 : i1 to i32
    %cond3A_6 = arith.constant 0 : i32
    %cond3A_7 = arith.cmpi ne, %convert_element_type3A_5, %cond3A_6 : i32
    scf.if %cond3A_7 {
      "tpu.region"() ({
        %run_scoped3A = tpu.sem_alloc : memref<!tpu.dma_semaphore, #tpu.memory_space<semaphore_mem>>
        %dma_start3A_44 = arith.constant 0 : i32
        %dma_start3A_45 = arith.constant 0 : i32
        %dma_start3A_46 = tpu.memref_slice %arg2[%arg1, %dma_start3A_44, %dma_start3A_45] : memref<16x80x125xi32, #tpu.memory_space<hbm>> -> memref<1x80x125xi32, #tpu.memory_space<hbm>>
        %dma_start3A_47 = tpu.memref_squeeze %dma_start3A_46 : memref<1x80x125xi32, #tpu.memory_space<hbm>> -> memref<80x125xi32, #tpu.memory_space<hbm>>
        %dma_start3A_48 = arith.constant 0 : i32
        %dma_start3A_49 = arith.constant 0 : i32
        %dma_start3A_50 = tpu.memref_slice %arg2[%arg1, %dma_start3A_48, %dma_start3A_49] : memref<16x80x125xi32, #tpu.memory_space<hbm>> -> memref<1x80x125xi32, #tpu.memory_space<hbm>>
        %dma_start3A_51 = tpu.memref_squeeze %dma_start3A_50 : memref<1x80x125xi32, #tpu.memory_space<hbm>> -> memref<80x125xi32, #tpu.memory_space<hbm>>
        tpu.enqueue_dma source(%dma_start3A_51 : memref<80x125xi32, #tpu.memory_space<hbm>>) target(%arg9 : memref<80x125xi32, #tpu.memory_space<vmem>>) target_semaphore(%run_scoped3A : memref<!tpu.dma_semaphore, #tpu.memory_space<semaphore_mem>>)
        %dma_wait3A = arith.constant 0 : i32
        %dma_wait3A_52 = arith.constant 0 : i32
        %dma_wait3A_53 = tpu.memref_slice %arg2[%arg1, %dma_wait3A, %dma_wait3A_52] : memref<16x80x125xi32, #tpu.memory_space<hbm>> -> memref<1x80x125xi32, #tpu.memory_space<hbm>>
        %dma_wait3A_54 = tpu.memref_squeeze %dma_wait3A_53 : memref<1x80x125xi32, #tpu.memory_space<hbm>> -> memref<80x125xi32, #tpu.memory_space<hbm>>
        %dma_wait3A_55 = arith.constant 0 : i32
        %dma_wait3A_56 = arith.constant 0 : i32
        %dma_wait3A_57 = tpu.memref_slice %arg2[%arg1, %dma_wait3A_55, %dma_wait3A_56] : memref<16x80x125xi32, #tpu.memory_space<hbm>> -> memref<1x80x125xi32, #tpu.memory_space<hbm>>
        %dma_wait3A_58 = tpu.memref_squeeze %dma_wait3A_57 : memref<1x80x125xi32, #tpu.memory_space<hbm>> -> memref<80x125xi32, #tpu.memory_space<hbm>>
        tpu.wait_dma2 semaphore(%run_scoped3A : memref<!tpu.dma_semaphore, #tpu.memory_space<semaphore_mem>>) src(%dma_wait3A_58 : memref<80x125xi32, #tpu.memory_space<hbm>>) dst(%arg9 : memref<80x125xi32, #tpu.memory_space<vmem>>)
        tpu.yield
      }) : () -> ()
      "tpu.region"() ({
        %run_scoped3A = tpu.sem_alloc : memref<!tpu.dma_semaphore, #tpu.memory_space<semaphore_mem>>
        %dma_start3A_44 = arith.constant 0 : i32
        %dma_start3A_45 = arith.constant 0 : i32
        %dma_start3A_46 = tpu.memref_slice %arg3[%arg1, %dma_start3A_44, %dma_start3A_45] : memref<16x80x125xi32, #tpu.memory_space<hbm>> -> memref<1x80x125xi32, #tpu.memory_space<hbm>>
        %dma_start3A_47 = tpu.memref_squeeze %dma_start3A_46 : memref<1x80x125xi32, #tpu.memory_space<hbm>> -> memref<80x125xi32, #tpu.memory_space<hbm>>
        %dma_start3A_48 = arith.constant 0 : i32
        %dma_start3A_49 = arith.constant 0 : i32
        %dma_start3A_50 = tpu.memref_slice %arg3[%arg1, %dma_start3A_48, %dma_start3A_49] : memref<16x80x125xi32, #tpu.memory_space<hbm>> -> memref<1x80x125xi32, #tpu.memory_space<hbm>>
        %dma_start3A_51 = tpu.memref_squeeze %dma_start3A_50 : memref<1x80x125xi32, #tpu.memory_space<hbm>> -> memref<80x125xi32, #tpu.memory_space<hbm>>
        tpu.enqueue_dma source(%dma_start3A_51 : memref<80x125xi32, #tpu.memory_space<hbm>>) target(%arg10 : memref<80x125xi32, #tpu.memory_space<vmem>>) target_semaphore(%run_scoped3A : memref<!tpu.dma_semaphore, #tpu.memory_space<semaphore_mem>>)
        %dma_wait3A = arith.constant 0 : i32
        %dma_wait3A_52 = arith.constant 0 : i32
        %dma_wait3A_53 = tpu.memref_slice %arg3[%arg1, %dma_wait3A, %dma_wait3A_52] : memref<16x80x125xi32, #tpu.memory_space<hbm>> -> memref<1x80x125xi32, #tpu.memory_space<hbm>>
        %dma_wait3A_54 = tpu.memref_squeeze %dma_wait3A_53 : memref<1x80x125xi32, #tpu.memory_space<hbm>> -> memref<80x125xi32, #tpu.memory_space<hbm>>
        %dma_wait3A_55 = arith.constant 0 : i32
        %dma_wait3A_56 = arith.constant 0 : i32
        %dma_wait3A_57 = tpu.memref_slice %arg3[%arg1, %dma_wait3A_55, %dma_wait3A_56] : memref<16x80x125xi32, #tpu.memory_space<hbm>> -> memref<1x80x125xi32, #tpu.memory_space<hbm>>
        %dma_wait3A_58 = tpu.memref_squeeze %dma_wait3A_57 : memref<1x80x125xi32, #tpu.memory_space<hbm>> -> memref<80x125xi32, #tpu.memory_space<hbm>>
        tpu.wait_dma2 semaphore(%run_scoped3A : memref<!tpu.dma_semaphore, #tpu.memory_space<semaphore_mem>>) src(%dma_wait3A_58 : memref<80x125xi32, #tpu.memory_space<hbm>>) dst(%arg10 : memref<80x125xi32, #tpu.memory_space<vmem>>)
        tpu.yield
      }) : () -> ()
      %dma_start3A = arith.constant 0 : i32
      %dma_start3A_19 = arith.constant 0 : i32
      %dma_start3A_20 = tpu.memref_slice %arg9[%dma_start3A, %dma_start3A_19] : memref<80x125xi32, #tpu.memory_space<vmem>> -> memref<1x125xi32, #tpu.memory_space<vmem>>
      %dma_start3A_21 = tpu.memref_squeeze %dma_start3A_20 : memref<1x125xi32, #tpu.memory_space<vmem>> -> memref<125xi32, #tpu.memory_space<vmem>>
      %dma_start3A_22 = arith.constant 0 : i32
      %dma_start3A_23 = arith.constant 0 : i32
      %dma_start3A_24 = tpu.memref_slice %arg6[%dma_start3A_22, %dma_start3A_23] : memref<10000x160xbf16, #tpu.memory_space<hbm>> -> memref<10000x160xbf16, #tpu.memory_space<hbm>>
      tpu.enqueue_indirect_dma source(%dma_start3A_24 : memref<10000x160xbf16, #tpu.memory_space<hbm>>) target(%arg11 : memref<125x160xbf16, #tpu.memory_space<vmem>>) offsets(%dma_start3A_21 : memref<125xi32, #tpu.memory_space<vmem>>) semaphore(%arg16 : memref<!tpu.dma_semaphore, #tpu.memory_space<semaphore_mem>>)
      %dma_start3A_25 = arith.constant 1 : i32
      %dma_start3A_26 = arith.constant 0 : i32
      %dma_start3A_27 = tpu.memref_slice %arg9[%dma_start3A_25, %dma_start3A_26] : memref<80x125xi32, #tpu.memory_space<vmem>> -> memref<1x125xi32, #tpu.memory_space<vmem>>
      %dma_start3A_28 = tpu.memref_squeeze %dma_start3A_27 : memref<1x125xi32, #tpu.memory_space<vmem>> -> memref<125xi32, #tpu.memory_space<vmem>>
      %dma_start3A_29 = arith.constant 0 : i32
      %dma_start3A_30 = arith.constant 0 : i32
      %dma_start3A_31 = tpu.memref_slice %arg6[%dma_start3A_29, %dma_start3A_30] : memref<10000x160xbf16, #tpu.memory_space<hbm>> -> memref<10000x160xbf16, #tpu.memory_space<hbm>>
      tpu.enqueue_indirect_dma source(%dma_start3A_31 : memref<10000x160xbf16, #tpu.memory_space<hbm>>) target(%arg12 : memref<125x160xbf16, #tpu.memory_space<vmem>>) offsets(%dma_start3A_28 : memref<125xi32, #tpu.memory_space<vmem>>) semaphore(%arg17 : memref<!tpu.dma_semaphore, #tpu.memory_space<semaphore_mem>>)
      %dma_start3A_32 = arith.constant 2 : i32
      %dma_start3A_33 = arith.constant 0 : i32
      %dma_start3A_34 = tpu.memref_slice %arg9[%dma_start3A_32, %dma_start3A_33] : memref<80x125xi32, #tpu.memory_space<vmem>> -> memref<1x125xi32, #tpu.memory_space<vmem>>
      %dma_start3A_35 = tpu.memref_squeeze %dma_start3A_34 : memref<1x125xi32, #tpu.memory_space<vmem>> -> memref<125xi32, #tpu.memory_space<vmem>>
      %dma_start3A_36 = arith.constant 0 : i32
      %dma_start3A_37 = arith.constant 0 : i32
      %dma_start3A_38 = tpu.memref_slice %arg6[%dma_start3A_36, %dma_start3A_37] : memref<10000x160xbf16, #tpu.memory_space<hbm>> -> memref<10000x160xbf16, #tpu.memory_space<hbm>>
      tpu.enqueue_indirect_dma source(%dma_start3A_38 : memref<10000x160xbf16, #tpu.memory_space<hbm>>) target(%arg13 : memref<125x160xbf16, #tpu.memory_space<vmem>>) offsets(%dma_start3A_35 : memref<125xi32, #tpu.memory_space<vmem>>) semaphore(%arg18 : memref<!tpu.dma_semaphore, #tpu.memory_space<semaphore_mem>>)
      %scan3A = arith.constant 0 : i32
      %scan3A_39 = arith.constant 0 : i32
      %scan3A_40 = arith.constant 20 : i32
      %scan3A_41 = arith.addi %scan3A_39, %scan3A_40 : i32
      %scan3A_42 = arith.constant 1 : i32
      scf.for %scan3A_44 = %scan3A_39 to %scan3A_41 step %scan3A_42  : i32 {
        %mul3A_45 = arith.constant 4 : i32
        %mul3A_46 = arith.muli %scan3A_44, %mul3A_45 : i32
        %add3A = arith.constant 0 : i32
        %add3A_47 = arith.addi %mul3A_46, %add3A : i32
        %dma_wait3A = arith.constant 0 : i32
        %dma_wait3A_48 = tpu.memref_slice %arg9[%add3A_47, %dma_wait3A] : memref<80x125xi32, #tpu.memory_space<vmem>> -> memref<1x125xi32, #tpu.memory_space<vmem>>
        %dma_wait3A_49 = tpu.memref_squeeze %dma_wait3A_48 : memref<1x125xi32, #tpu.memory_space<vmem>> -> memref<125xi32, #tpu.memory_space<vmem>>
        %dma_wait3A_50 = arith.constant 0 : i32
        %dma_wait3A_51 = arith.constant 0 : i32
        %dma_wait3A_52 = tpu.memref_slice %arg6[%dma_wait3A_50, %dma_wait3A_51] : memref<10000x160xbf16, #tpu.memory_space<hbm>> -> memref<10000x160xbf16, #tpu.memory_space<hbm>>
        tpu.wait_indirect_dma semaphore(%arg16 : memref<!tpu.dma_semaphore, #tpu.memory_space<semaphore_mem>>) src(%dma_wait3A_52 : memref<10000x160xbf16, #tpu.memory_space<hbm>>) dst(%arg11 : memref<125x160xbf16, #tpu.memory_space<vmem>>)
        %add3A_53 = arith.constant 4 : i32
        %add3A_54 = arith.addi %add3A_47, %add3A_53 : i32
        %sub3A = arith.constant 1 : i32
        %sub3A_55 = arith.subi %add3A_54, %sub3A : i32
        %lt3A = arith.constant 80 : i32
        %lt3A_56 = arith.cmpi slt, %sub3A_55, %lt3A : i32
        %convert_element_type3A_57 = arith.extui %lt3A_56 : i1 to i32
        %cond3A_58 = arith.constant 0 : i32
        %cond3A_59 = arith.cmpi ne, %convert_element_type3A_57, %cond3A_58 : i32
        scf.if %cond3A_59 {
          %add3A_117 = arith.constant 4 : i32
          %add3A_118 = arith.addi %add3A_47, %add3A_117 : i32
          %sub3A_119 = arith.constant 1 : i32
          %sub3A_120 = arith.subi %add3A_118, %sub3A_119 : i32
          %dma_start3A_121 = arith.constant 0 : i32
          %dma_start3A_122 = tpu.memref_slice %arg9[%sub3A_120, %dma_start3A_121] : memref<80x125xi32, #tpu.memory_space<vmem>> -> memref<1x125xi32, #tpu.memory_space<vmem>>
          %dma_start3A_123 = tpu.memref_squeeze %dma_start3A_122 : memref<1x125xi32, #tpu.memory_space<vmem>> -> memref<125xi32, #tpu.memory_space<vmem>>
          %dma_start3A_124 = arith.constant 0 : i32
          %dma_start3A_125 = arith.constant 0 : i32
          %dma_start3A_126 = tpu.memref_slice %arg6[%dma_start3A_124, %dma_start3A_125] : memref<10000x160xbf16, #tpu.memory_space<hbm>> -> memref<10000x160xbf16, #tpu.memory_space<hbm>>
          tpu.enqueue_indirect_dma source(%dma_start3A_126 : memref<10000x160xbf16, #tpu.memory_space<hbm>>) target(%arg14 : memref<125x160xbf16, #tpu.memory_space<vmem>>) offsets(%dma_start3A_123 : memref<125xi32, #tpu.memory_space<vmem>>) semaphore(%arg19 : memref<!tpu.dma_semaphore, #tpu.memory_space<semaphore_mem>>)
        } else {
        }
        "tpu.region"() ({
          %run_scoped3A = tpu.sem_alloc : memref<!tpu.dma_semaphore, #tpu.memory_space<semaphore_mem>>
          %dma_start3A_117 = arith.constant 0 : i32
          %dma_start3A_118 = tpu.memref_slice %arg10[%add3A_47, %dma_start3A_117] : memref<80x125xi32, #tpu.memory_space<vmem>> -> memref<1x125xi32, #tpu.memory_space<vmem>>
          %dma_start3A_119 = tpu.memref_squeeze %dma_start3A_118 : memref<1x125xi32, #tpu.memory_space<vmem>> -> memref<125xi32, #tpu.memory_space<vmem>>
          %dma_start3A_120 = arith.constant 0 : i32
          %dma_start3A_121 = arith.constant 0 : i32
          %dma_start3A_122 = tpu.memref_slice %arg15[%dma_start3A_120, %dma_start3A_121] : memref<10000x160xbf16, #tpu.memory_space<vmem_shared>> -> memref<10000x160xbf16, #tpu.memory_space<vmem_shared>>
          tpu.enqueue_indirect_dma source(%arg11 : memref<125x160xbf16, #tpu.memory_space<vmem>>) target(%dma_start3A_122 : memref<10000x160xbf16, #tpu.memory_space<vmem_shared>>) offsets(%dma_start3A_119 : memref<125xi32, #tpu.memory_space<vmem>>) semaphore(%run_scoped3A : memref<!tpu.dma_semaphore, #tpu.memory_space<semaphore_mem>>) {add = true}
          %dma_wait3A_123 = arith.constant 0 : i32
          %dma_wait3A_124 = tpu.memref_slice %arg10[%add3A_47, %dma_wait3A_123] : memref<80x125xi32, #tpu.memory_space<vmem>> -> memref<1x125xi32, #tpu.memory_space<vmem>>
          %dma_wait3A_125 = tpu.memref_squeeze %dma_wait3A_124 : memref<1x125xi32, #tpu.memory_space<vmem>> -> memref<125xi32, #tpu.memory_space<vmem>>
          %dma_wait3A_126 = arith.constant 0 : i32
          %dma_wait3A_127 = arith.constant 0 : i32
          %dma_wait3A_128 = tpu.memref_slice %arg15[%dma_wait3A_126, %dma_wait3A_127] : memref<10000x160xbf16, #tpu.memory_space<vmem_shared>> -> memref<10000x160xbf16, #tpu.memory_space<vmem_shared>>
          tpu.wait_indirect_dma semaphore(%run_scoped3A : memref<!tpu.dma_semaphore, #tpu.memory_space<semaphore_mem>>) src(%arg11 : memref<125x160xbf16, #tpu.memory_space<vmem>>) dst(%dma_wait3A_128 : memref<10000x160xbf16, #tpu.memory_space<vmem_shared>>)
          tpu.yield
        }) : () -> ()
        %mul3A_60 = arith.constant 4 : i32
        %mul3A_61 = arith.muli %scan3A_44, %mul3A_60 : i32
        %add3A_62 = arith.constant 1 : i32
        %add3A_63 = arith.addi %mul3A_61, %add3A_62 : i32
        %dma_wait3A_64 = arith.constant 0 : i32
        %dma_wait3A_65 = tpu.memref_slice %arg9[%add3A_63, %dma_wait3A_64] : memref<80x125xi32, #tpu.memory_space<vmem>> -> memref<1x125xi32, #tpu.memory_space<vmem>>
        %dma_wait3A_66 = tpu.memref_squeeze %dma_wait3A_65 : memref<1x125xi32, #tpu.memory_space<vmem>> -> memref<125xi32, #tpu.memory_space<vmem>>
        %dma_wait3A_67 = arith.constant 0 : i32
        %dma_wait3A_68 = arith.constant 0 : i32
        %dma_wait3A_69 = tpu.memref_slice %arg6[%dma_wait3A_67, %dma_wait3A_68] : memref<10000x160xbf16, #tpu.memory_space<hbm>> -> memref<10000x160xbf16, #tpu.memory_space<hbm>>
        tpu.wait_indirect_dma semaphore(%arg17 : memref<!tpu.dma_semaphore, #tpu.memory_space<semaphore_mem>>) src(%dma_wait3A_69 : memref<10000x160xbf16, #tpu.memory_space<hbm>>) dst(%arg12 : memref<125x160xbf16, #tpu.memory_space<vmem>>)
        %add3A_70 = arith.constant 4 : i32
        %add3A_71 = arith.addi %add3A_63, %add3A_70 : i32
        %sub3A_72 = arith.constant 1 : i32
        %sub3A_73 = arith.subi %add3A_71, %sub3A_72 : i32
        %lt3A_74 = arith.constant 80 : i32
        %lt3A_75 = arith.cmpi slt, %sub3A_73, %lt3A_74 : i32
        %convert_element_type3A_76 = arith.extui %lt3A_75 : i1 to i32
        %cond3A_77 = arith.constant 0 : i32
        %cond3A_78 = arith.cmpi ne, %convert_element_type3A_76, %cond3A_77 : i32
        scf.if %cond3A_78 {
          %add3A_117 = arith.constant 4 : i32
          %add3A_118 = arith.addi %add3A_63, %add3A_117 : i32
          %sub3A_119 = arith.constant 1 : i32
          %sub3A_120 = arith.subi %add3A_118, %sub3A_119 : i32
          %dma_start3A_121 = arith.constant 0 : i32
          %dma_start3A_122 = tpu.memref_slice %arg9[%sub3A_120, %dma_start3A_121] : memref<80x125xi32, #tpu.memory_space<vmem>> -> memref<1x125xi32, #tpu.memory_space<vmem>>
          %dma_start3A_123 = tpu.memref_squeeze %dma_start3A_122 : memref<1x125xi32, #tpu.memory_space<vmem>> -> memref<125xi32, #tpu.memory_space<vmem>>
          %dma_start3A_124 = arith.constant 0 : i32
          %dma_start3A_125 = arith.constant 0 : i32
          %dma_start3A_126 = tpu.memref_slice %arg6[%dma_start3A_124, %dma_start3A_125] : memref<10000x160xbf16, #tpu.memory_space<hbm>> -> memref<10000x160xbf16, #tpu.memory_space<hbm>>
          tpu.enqueue_indirect_dma source(%dma_start3A_126 : memref<10000x160xbf16, #tpu.memory_space<hbm>>) target(%arg11 : memref<125x160xbf16, #tpu.memory_space<vmem>>) offsets(%dma_start3A_123 : memref<125xi32, #tpu.memory_space<vmem>>) semaphore(%arg16 : memref<!tpu.dma_semaphore, #tpu.memory_space<semaphore_mem>>)
        } else {
        }
        "tpu.region"() ({
          %run_scoped3A = tpu.sem_alloc : memref<!tpu.dma_semaphore, #tpu.memory_space<semaphore_mem>>
          %dma_start3A_117 = arith.constant 0 : i32
          %dma_start3A_118 = tpu.memref_slice %arg10[%add3A_63, %dma_start3A_117] : memref<80x125xi32, #tpu.memory_space<vmem>> -> memref<1x125xi32, #tpu.memory_space<vmem>>
          %dma_start3A_119 = tpu.memref_squeeze %dma_start3A_118 : memref<1x125xi32, #tpu.memory_space<vmem>> -> memref<125xi32, #tpu.memory_space<vmem>>
          %dma_start3A_120 = arith.constant 0 : i32
          %dma_start3A_121 = arith.constant 0 : i32
          %dma_start3A_122 = tpu.memref_slice %arg15[%dma_start3A_120, %dma_start3A_121] : memref<10000x160xbf16, #tpu.memory_space<vmem_shared>> -> memref<10000x160xbf16, #tpu.memory_space<vmem_shared>>
          tpu.enqueue_indirect_dma source(%arg12 : memref<125x160xbf16, #tpu.memory_space<vmem>>) target(%dma_start3A_122 : memref<10000x160xbf16, #tpu.memory_space<vmem_shared>>) offsets(%dma_start3A_119 : memref<125xi32, #tpu.memory_space<vmem>>) semaphore(%run_scoped3A : memref<!tpu.dma_semaphore, #tpu.memory_space<semaphore_mem>>) {add = true}
          %dma_wait3A_123 = arith.constant 0 : i32
          %dma_wait3A_124 = tpu.memref_slice %arg10[%add3A_63, %dma_wait3A_123] : memref<80x125xi32, #tpu.memory_space<vmem>> -> memref<1x125xi32, #tpu.memory_space<vmem>>
          %dma_wait3A_125 = tpu.memref_squeeze %dma_wait3A_124 : memref<1x125xi32, #tpu.memory_space<vmem>> -> memref<125xi32, #tpu.memory_space<vmem>>
          %dma_wait3A_126 = arith.constant 0 : i32
          %dma_wait3A_127 = arith.constant 0 : i32
          %dma_wait3A_128 = tpu.memref_slice %arg15[%dma_wait3A_126, %dma_wait3A_127] : memref<10000x160xbf16, #tpu.memory_space<vmem_shared>> -> memref<10000x160xbf16, #tpu.memory_space<vmem_shared>>
          tpu.wait_indirect_dma semaphore(%run_scoped3A : memref<!tpu.dma_semaphore, #tpu.memory_space<semaphore_mem>>) src(%arg12 : memref<125x160xbf16, #tpu.memory_space<vmem>>) dst(%dma_wait3A_128 : memref<10000x160xbf16, #tpu.memory_space<vmem_shared>>)
          tpu.yield
        }) : () -> ()
        %mul3A_79 = arith.constant 4 : i32
        %mul3A_80 = arith.muli %scan3A_44, %mul3A_79 : i32
        %add3A_81 = arith.constant 2 : i32
        %add3A_82 = arith.addi %mul3A_80, %add3A_81 : i32
        %dma_wait3A_83 = arith.constant 0 : i32
        %dma_wait3A_84 = tpu.memref_slice %arg9[%add3A_82, %dma_wait3A_83] : memref<80x125xi32, #tpu.memory_space<vmem>> -> memref<1x125xi32, #tpu.memory_space<vmem>>
        %dma_wait3A_85 = tpu.memref_squeeze %dma_wait3A_84 : memref<1x125xi32, #tpu.memory_space<vmem>> -> memref<125xi32, #tpu.memory_space<vmem>>
        %dma_wait3A_86 = arith.constant 0 : i32
        %dma_wait3A_87 = arith.constant 0 : i32
        %dma_wait3A_88 = tpu.memref_slice %arg6[%dma_wait3A_86, %dma_wait3A_87] : memref<10000x160xbf16, #tpu.memory_space<hbm>> -> memref<10000x160xbf16, #tpu.memory_space<hbm>>
        tpu.wait_indirect_dma semaphore(%arg18 : memref<!tpu.dma_semaphore, #tpu.memory_space<semaphore_mem>>) src(%dma_wait3A_88 : memref<10000x160xbf16, #tpu.memory_space<hbm>>) dst(%arg13 : memref<125x160xbf16, #tpu.memory_space<vmem>>)
        %add3A_89 = arith.constant 4 : i32
        %add3A_90 = arith.addi %add3A_82, %add3A_89 : i32
        %sub3A_91 = arith.constant 1 : i32
        %sub3A_92 = arith.subi %add3A_90, %sub3A_91 : i32
        %lt3A_93 = arith.constant 80 : i32
        %lt3A_94 = arith.cmpi slt, %sub3A_92, %lt3A_93 : i32
        %convert_element_type3A_95 = arith.extui %lt3A_94 : i1 to i32
        %cond3A_96 = arith.constant 0 : i32
        %cond3A_97 = arith.cmpi ne, %convert_element_type3A_95, %cond3A_96 : i32
        scf.if %cond3A_97 {
          %add3A_117 = arith.constant 4 : i32
          %add3A_118 = arith.addi %add3A_82, %add3A_117 : i32
          %sub3A_119 = arith.constant 1 : i32
          %sub3A_120 = arith.subi %add3A_118, %sub3A_119 : i32
          %dma_start3A_121 = arith.constant 0 : i32
          %dma_start3A_122 = tpu.memref_slice %arg9[%sub3A_120, %dma_start3A_121] : memref<80x125xi32, #tpu.memory_space<vmem>> -> memref<1x125xi32, #tpu.memory_space<vmem>>
          %dma_start3A_123 = tpu.memref_squeeze %dma_start3A_122 : memref<1x125xi32, #tpu.memory_space<vmem>> -> memref<125xi32, #tpu.memory_space<vmem>>
          %dma_start3A_124 = arith.constant 0 : i32
          %dma_start3A_125 = arith.constant 0 : i32
          %dma_start3A_126 = tpu.memref_slice %arg6[%dma_start3A_124, %dma_start3A_125] : memref<10000x160xbf16, #tpu.memory_space<hbm>> -> memref<10000x160xbf16, #tpu.memory_space<hbm>>
          tpu.enqueue_indirect_dma source(%dma_start3A_126 : memref<10000x160xbf16, #tpu.memory_space<hbm>>) target(%arg12 : memref<125x160xbf16, #tpu.memory_space<vmem>>) offsets(%dma_start3A_123 : memref<125xi32, #tpu.memory_space<vmem>>) semaphore(%arg17 : memref<!tpu.dma_semaphore, #tpu.memory_space<semaphore_mem>>)
        } else {
        }
        "tpu.region"() ({
          %run_scoped3A = tpu.sem_alloc : memref<!tpu.dma_semaphore, #tpu.memory_space<semaphore_mem>>
          %dma_start3A_117 = arith.constant 0 : i32
          %dma_start3A_118 = tpu.memref_slice %arg10[%add3A_82, %dma_start3A_117] : memref<80x125xi32, #tpu.memory_space<vmem>> -> memref<1x125xi32, #tpu.memory_space<vmem>>
          %dma_start3A_119 = tpu.memref_squeeze %dma_start3A_118 : memref<1x125xi32, #tpu.memory_space<vmem>> -> memref<125xi32, #tpu.memory_space<vmem>>
          %dma_start3A_120 = arith.constant 0 : i32
          %dma_start3A_121 = arith.constant 0 : i32
          %dma_start3A_122 = tpu.memref_slice %arg15[%dma_start3A_120, %dma_start3A_121] : memref<10000x160xbf16, #tpu.memory_space<vmem_shared>> -> memref<10000x160xbf16, #tpu.memory_space<vmem_shared>>
          tpu.enqueue_indirect_dma source(%arg13 : memref<125x160xbf16, #tpu.memory_space<vmem>>) target(%dma_start3A_122 : memref<10000x160xbf16, #tpu.memory_space<vmem_shared>>) offsets(%dma_start3A_119 : memref<125xi32, #tpu.memory_space<vmem>>) semaphore(%run_scoped3A : memref<!tpu.dma_semaphore, #tpu.memory_space<semaphore_mem>>) {add = true}
          %dma_wait3A_123 = arith.constant 0 : i32
          %dma_wait3A_124 = tpu.memref_slice %arg10[%add3A_82, %dma_wait3A_123] : memref<80x125xi32, #tpu.memory_space<vmem>> -> memref<1x125xi32, #tpu.memory_space<vmem>>
          %dma_wait3A_125 = tpu.memref_squeeze %dma_wait3A_124 : memref<1x125xi32, #tpu.memory_space<vmem>> -> memref<125xi32, #tpu.memory_space<vmem>>
          %dma_wait3A_126 = arith.constant 0 : i32
          %dma_wait3A_127 = arith.constant 0 : i32
          %dma_wait3A_128 = tpu.memref_slice %arg15[%dma_wait3A_126, %dma_wait3A_127] : memref<10000x160xbf16, #tpu.memory_space<vmem_shared>> -> memref<10000x160xbf16, #tpu.memory_space<vmem_shared>>
          tpu.wait_indirect_dma semaphore(%run_scoped3A : memref<!tpu.dma_semaphore, #tpu.memory_space<semaphore_mem>>) src(%arg13 : memref<125x160xbf16, #tpu.memory_space<vmem>>) dst(%dma_wait3A_128 : memref<10000x160xbf16, #tpu.memory_space<vmem_shared>>)
          tpu.yield
        }) : () -> ()
        %mul3A_98 = arith.constant 4 : i32
        %mul3A_99 = arith.muli %scan3A_44, %mul3A_98 : i32
        %add3A_100 = arith.constant 3 : i32
        %add3A_101 = arith.addi %mul3A_99, %add3A_100 : i32
        %dma_wait3A_102 = arith.constant 0 : i32
        %dma_wait3A_103 = tpu.memref_slice %arg9[%add3A_101, %dma_wait3A_102] : memref<80x125xi32, #tpu.memory_space<vmem>> -> memref<1x125xi32, #tpu.memory_space<vmem>>
        %dma_wait3A_104 = tpu.memref_squeeze %dma_wait3A_103 : memref<1x125xi32, #tpu.memory_space<vmem>> -> memref<125xi32, #tpu.memory_space<vmem>>
        %dma_wait3A_105 = arith.constant 0 : i32
        %dma_wait3A_106 = arith.constant 0 : i32
        %dma_wait3A_107 = tpu.memref_slice %arg6[%dma_wait3A_105, %dma_wait3A_106] : memref<10000x160xbf16, #tpu.memory_space<hbm>> -> memref<10000x160xbf16, #tpu.memory_space<hbm>>
        tpu.wait_indirect_dma semaphore(%arg19 : memref<!tpu.dma_semaphore, #tpu.memory_space<semaphore_mem>>) src(%dma_wait3A_107 : memref<10000x160xbf16, #tpu.memory_space<hbm>>) dst(%arg14 : memref<125x160xbf16, #tpu.memory_space<vmem>>)
        %add3A_108 = arith.constant 4 : i32
        %add3A_109 = arith.addi %add3A_101, %add3A_108 : i32
        %sub3A_110 = arith.constant 1 : i32
        %sub3A_111 = arith.subi %add3A_109, %sub3A_110 : i32
        %lt3A_112 = arith.constant 80 : i32
        %lt3A_113 = arith.cmpi slt, %sub3A_111, %lt3A_112 : i32
        %convert_element_type3A_114 = arith.extui %lt3A_113 : i1 to i32
        %cond3A_115 = arith.constant 0 : i32
        %cond3A_116 = arith.cmpi ne, %convert_element_type3A_114, %cond3A_115 : i32
        scf.if %cond3A_116 {
          %add3A_117 = arith.constant 4 : i32
          %add3A_118 = arith.addi %add3A_101, %add3A_117 : i32
          %sub3A_119 = arith.constant 1 : i32
          %sub3A_120 = arith.subi %add3A_118, %sub3A_119 : i32
          %dma_start3A_121 = arith.constant 0 : i32
          %dma_start3A_122 = tpu.memref_slice %arg9[%sub3A_120, %dma_start3A_121] : memref<80x125xi32, #tpu.memory_space<vmem>> -> memref<1x125xi32, #tpu.memory_space<vmem>>
          %dma_start3A_123 = tpu.memref_squeeze %dma_start3A_122 : memref<1x125xi32, #tpu.memory_space<vmem>> -> memref<125xi32, #tpu.memory_space<vmem>>
          %dma_start3A_124 = arith.constant 0 : i32
          %dma_start3A_125 = arith.constant 0 : i32
          %dma_start3A_126 = tpu.memref_slice %arg6[%dma_start3A_124, %dma_start3A_125] : memref<10000x160xbf16, #tpu.memory_space<hbm>> -> memref<10000x160xbf16, #tpu.memory_space<hbm>>
          tpu.enqueue_indirect_dma source(%dma_start3A_126 : memref<10000x160xbf16, #tpu.memory_space<hbm>>) target(%arg13 : memref<125x160xbf16, #tpu.memory_space<vmem>>) offsets(%dma_start3A_123 : memref<125xi32, #tpu.memory_space<vmem>>) semaphore(%arg18 : memref<!tpu.dma_semaphore, #tpu.memory_space<semaphore_mem>>)
        } else {
        }
        "tpu.region"() ({
          %run_scoped3A = tpu.sem_alloc : memref<!tpu.dma_semaphore, #tpu.memory_space<semaphore_mem>>
          %dma_start3A_117 = arith.constant 0 : i32
          %dma_start3A_118 = tpu.memref_slice %arg10[%add3A_101, %dma_start3A_117] : memref<80x125xi32, #tpu.memory_space<vmem>> -> memref<1x125xi32, #tpu.memory_space<vmem>>
          %dma_start3A_119 = tpu.memref_squeeze %dma_start3A_118 : memref<1x125xi32, #tpu.memory_space<vmem>> -> memref<125xi32, #tpu.memory_space<vmem>>
          %dma_start3A_120 = arith.constant 0 : i32
          %dma_start3A_121 = arith.constant 0 : i32
          %dma_start3A_122 = tpu.memref_slice %arg15[%dma_start3A_120, %dma_start3A_121] : memref<10000x160xbf16, #tpu.memory_space<vmem_shared>> -> memref<10000x160xbf16, #tpu.memory_space<vmem_shared>>
          tpu.enqueue_indirect_dma source(%arg14 : memref<125x160xbf16, #tpu.memory_space<vmem>>) target(%dma_start3A_122 : memref<10000x160xbf16, #tpu.memory_space<vmem_shared>>) offsets(%dma_start3A_119 : memref<125xi32, #tpu.memory_space<vmem>>) semaphore(%run_scoped3A : memref<!tpu.dma_semaphore, #tpu.memory_space<semaphore_mem>>) {add = true}
          %dma_wait3A_123 = arith.constant 0 : i32
          %dma_wait3A_124 = tpu.memref_slice %arg10[%add3A_101, %dma_wait3A_123] : memref<80x125xi32, #tpu.memory_space<vmem>> -> memref<1x125xi32, #tpu.memory_space<vmem>>
          %dma_wait3A_125 = tpu.memref_squeeze %dma_wait3A_124 : memref<1x125xi32, #tpu.memory_space<vmem>> -> memref<125xi32, #tpu.memory_space<vmem>>
          %dma_wait3A_126 = arith.constant 0 : i32
          %dma_wait3A_127 = arith.constant 0 : i32
          %dma_wait3A_128 = tpu.memref_slice %arg15[%dma_wait3A_126, %dma_wait3A_127] : memref<10000x160xbf16, #tpu.memory_space<vmem_shared>> -> memref<10000x160xbf16, #tpu.memory_space<vmem_shared>>
          tpu.wait_indirect_dma semaphore(%run_scoped3A : memref<!tpu.dma_semaphore, #tpu.memory_space<semaphore_mem>>) src(%arg14 : memref<125x160xbf16, #tpu.memory_space<vmem>>) dst(%dma_wait3A_128 : memref<10000x160xbf16, #tpu.memory_space<vmem_shared>>)
          tpu.yield
        }) : () -> ()
      }
      %scan3A_43 = arith.constant 20 : i32
    } else {
    }
    %barrier3A_8 = arith.constant 0 : index
    tpu.barrier barrier_id(%barrier3A_8)
    %eq3A_9 = arith.constant 0 : i32
    %eq3A_10 = arith.cmpi eq, %arg0, %eq3A_9 : i32
    %convert_element_type3A_11 = arith.extui %eq3A_10 : i1 to i32
    %cond3A_12 = arith.constant 0 : i32
    %cond3A_13 = arith.cmpi ne, %convert_element_type3A_11, %cond3A_12 : i32
    scf.if %cond3A_13 {
      %mul3A_19 = arith.constant 625 : i32
      %mul3A_20 = arith.muli %arg1, %mul3A_19 : i32
      %mul3A_21 = arith.constant 625 : i32
      %mul3A_22 = arith.muli %arg1, %mul3A_21 : i32
      "tpu.region"() ({
        %run_scoped3A = tpu.sem_alloc : memref<!tpu.dma_semaphore, #tpu.memory_space<semaphore_mem>>
        %dma_start3A = arith.constant 0 : i32
        %dma_start3A_23 = tpu.memref_slice %arg7[%mul3A_22, %dma_start3A] : memref<10000x160xbf16, #tpu.memory_space<hbm>> -> memref<625x160xbf16, #tpu.memory_space<hbm>>
        %dma_start3A_24 = arith.constant 0 : i32
        %dma_start3A_25 = tpu.memref_slice %arg15[%mul3A_20, %dma_start3A_24] : memref<10000x160xbf16, #tpu.memory_space<vmem_shared>> -> memref<625x160xbf16, #tpu.memory_space<vmem_shared>>
        tpu.enqueue_dma source(%dma_start3A_25 : memref<625x160xbf16, #tpu.memory_space<vmem_shared>>) target(%dma_start3A_23 : memref<625x160xbf16, #tpu.memory_space<hbm>>) target_semaphore(%run_scoped3A : memref<!tpu.dma_semaphore, #tpu.memory_space<semaphore_mem>>)
        %dma_wait3A = arith.constant 0 : i32
        %dma_wait3A_26 = tpu.memref_slice %arg7[%mul3A_22, %dma_wait3A] : memref<10000x160xbf16, #tpu.memory_space<hbm>> -> memref<625x160xbf16, #tpu.memory_space<hbm>>
        %dma_wait3A_27 = arith.constant 0 : i32
        %dma_wait3A_28 = tpu.memref_slice %arg15[%mul3A_20, %dma_wait3A_27] : memref<10000x160xbf16, #tpu.memory_space<vmem_shared>> -> memref<625x160xbf16, #tpu.memory_space<vmem_shared>>
        tpu.wait_dma2 semaphore(%run_scoped3A : memref<!tpu.dma_semaphore, #tpu.memory_space<semaphore_mem>>) src(%dma_wait3A_28 : memref<625x160xbf16, #tpu.memory_space<vmem_shared>>) dst(%dma_wait3A_26 : memref<625x160xbf16, #tpu.memory_space<hbm>>)
        tpu.yield
      }) : () -> ()
    } else {
    }
    %eq3A_14 = arith.constant 1 : i32
    %eq3A_15 = arith.cmpi eq, %arg0, %eq3A_14 : i32
    %convert_element_type3A_16 = arith.extui %eq3A_15 : i1 to i32
    %cond3A_17 = arith.constant 0 : i32
    %cond3A_18 = arith.cmpi ne, %convert_element_type3A_16, %cond3A_17 : i32
    scf.if %cond3A_18 {
      %mul3A_19 = arith.constant 625 : i32
      %mul3A_20 = arith.muli %arg1, %mul3A_19 : i32
      %mul3A_21 = arith.constant 625 : i32
      %mul3A_22 = arith.muli %arg1, %mul3A_21 : i32
      "tpu.region"() ({
        %run_scoped3A = tpu.sem_alloc : memref<!tpu.dma_semaphore, #tpu.memory_space<semaphore_mem>>
        %dma_start3A = arith.constant 0 : i32
        %dma_start3A_23 = tpu.memref_slice %arg8[%mul3A_22, %dma_start3A] : memref<10000x160xbf16, #tpu.memory_space<hbm>> -> memref<625x160xbf16, #tpu.memory_space<hbm>>
        %dma_start3A_24 = arith.constant 0 : i32
        %dma_start3A_25 = tpu.memref_slice %arg15[%mul3A_20, %dma_start3A_24] : memref<10000x160xbf16, #tpu.memory_space<vmem_shared>> -> memref<625x160xbf16, #tpu.memory_space<vmem_shared>>
        tpu.enqueue_dma source(%dma_start3A_25 : memref<625x160xbf16, #tpu.memory_space<vmem_shared>>) target(%dma_start3A_23 : memref<625x160xbf16, #tpu.memory_space<hbm>>) target_semaphore(%run_scoped3A : memref<!tpu.dma_semaphore, #tpu.memory_space<semaphore_mem>>)
        %dma_wait3A = arith.constant 0 : i32
        %dma_wait3A_26 = tpu.memref_slice %arg8[%mul3A_22, %dma_wait3A] : memref<10000x160xbf16, #tpu.memory_space<hbm>> -> memref<625x160xbf16, #tpu.memory_space<hbm>>
        %dma_wait3A_27 = arith.constant 0 : i32
        %dma_wait3A_28 = tpu.memref_slice %arg15[%mul3A_20, %dma_wait3A_27] : memref<10000x160xbf16, #tpu.memory_space<vmem_shared>> -> memref<625x160xbf16, #tpu.memory_space<vmem_shared>>
        tpu.wait_dma2 semaphore(%run_scoped3A : memref<!tpu.dma_semaphore, #tpu.memory_space<semaphore_mem>>) src(%dma_wait3A_28 : memref<625x160xbf16, #tpu.memory_space<vmem_shared>>) dst(%dma_wait3A_26 : memref<625x160xbf16, #tpu.memory_space<hbm>>)
        tpu.yield
      }) : () -> ()
    } else {
    }
    return
  }
}

#map = affine_map<(d0, d1) -> (0, 0, 0)>
#map1 = affine_map<(d0, d1) -> (0, 0)>
module attributes {stable_mosaic.version = 14 : i64} {
  func.func @_sc_body(%arg0: i32, %arg1: i32, %arg2: memref<16x80x125xi32, #tpu.memory_space<hbm>>, %arg3: memref<16x80x125xi32, #tpu.memory_space<hbm>>, %arg4: memref<625x160xbf16, #tpu.memory_space<hbm>>, %arg5: memref<10000x160xbf16, #tpu.memory_space<hbm>>, %arg6: memref<10000x160xbf16, #tpu.memory_space<hbm>>, %arg7: memref<10000x160xbf16, #tpu.memory_space<hbm>>, %arg8: memref<10000x160xbf16, #tpu.memory_space<hbm>>, %arg9: memref<80x125xi32, #tpu.memory_space<vmem>>, %arg10: memref<80x125xi32, #tpu.memory_space<vmem>>, %arg11: memref<125x160xbf16, #tpu.memory_space<vmem>>, %arg12: memref<125x160xbf16, #tpu.memory_space<vmem>>, %arg13: memref<125x160xbf16, #tpu.memory_space<vmem>>, %arg14: memref<125x160xbf16, #tpu.memory_space<vmem>>, %arg15: memref<10000x160xbf16, #tpu.memory_space<vmem_shared>>, %arg16: memref<!tpu.dma_semaphore, #tpu.memory_space<semaphore_mem>>, %arg17: memref<!tpu.dma_semaphore, #tpu.memory_space<semaphore_mem>>, %arg18: memref<!tpu.dma_semaphore, #tpu.memory_space<semaphore_mem>>, %arg19: memref<!tpu.dma_semaphore, #tpu.memory_space<semaphore_mem>>) attributes {dimension_semantics = [#tpu.dimension_semantics<core_parallel>, #tpu.dimension_semantics<subcore_parallel>], iteration_bounds = array<i64: 2, 16>, scalar_prefetch = 0 : i64, scratch_operands = 11 : i64, tpu.core_type = #tpu.core_type<sc_vector_subcore>, window_params = [{transform_indices = #map}, {transform_indices = #map}, {transform_indices = #map1}, {transform_indices = #map1}, {transform_indices = #map1}, {transform_indices = #map1}, {transform_indices = #map1}]} {
    %mul3A = arith.constant 625 : i32
    %mul3A_0 = arith.muli %arg1, %mul3A : i32
    "tpu.region"() ({
      %run_scoped3A = tpu.sem_alloc : memref<!tpu.dma_semaphore, #tpu.memory_space<semaphore_mem>>
      %dma_start3A = arith.constant 0 : i32
      %dma_start3A_19 = tpu.memref_slice %arg15[%mul3A_0, %dma_start3A] : memref<10000x160xbf16, #tpu.memory_space<vmem_shared>> -> memref<625x160xbf16, #tpu.memory_space<vmem_shared>>
      tpu.enqueue_dma source(%arg4 : memref<625x160xbf16, #tpu.memory_space<hbm>>) target(%dma_start3A_19 : memref<625x160xbf16, #tpu.memory_space<vmem_shared>>) target_semaphore(%run_scoped3A : memref<!tpu.dma_semaphore, #tpu.memory_space<semaphore_mem>>)
      %dma_wait3A = arith.constant 0 : i32
      %dma_wait3A_20 = tpu.memref_slice %arg15[%mul3A_0, %dma_wait3A] : memref<10000x160xbf16, #tpu.memory_space<vmem_shared>> -> memref<625x160xbf16, #tpu.memory_space<vmem_shared>>
      tpu.wait_dma2 semaphore(%run_scoped3A : memref<!tpu.dma_semaphore, #tpu.memory_space<semaphore_mem>>) src(%arg4 : memref<625x160xbf16, #tpu.memory_space<hbm>>) dst(%dma_wait3A_20 : memref<625x160xbf16, #tpu.memory_space<vmem_shared>>)
      tpu.yield
    }) : () -> ()
    %barrier3A = arith.constant 0 : index
    tpu.barrier barrier_id(%barrier3A)
    %eq3A = arith.constant 0 : i32
    %eq3A_1 = arith.cmpi eq, %arg0, %eq3A : i32
    %convert_element_type3A = arith.extui %eq3A_1 : i1 to i32
    %cond3A = arith.constant 0 : i32
    %cond3A_2 = arith.cmpi ne, %convert_element_type3A, %cond3A : i32
    scf.if %cond3A_2 {
      "tpu.region"() ({
        %run_scoped3A = tpu.sem_alloc : memref<!tpu.dma_semaphore, #tpu.memory_space<semaphore_mem>>
        %dma_start3A_44 = arith.constant 0 : i32
        %dma_start3A_45 = arith.constant 0 : i32
        %dma_start3A_46 = tpu.memref_slice %arg2[%arg1, %dma_start3A_44, %dma_start3A_45] : memref<16x80x125xi32, #tpu.memory_space<hbm>> -> memref<1x80x125xi32, #tpu.memory_space<hbm>>
        %dma_start3A_47 = tpu.memref_squeeze %dma_start3A_46 : memref<1x80x125xi32, #tpu.memory_space<hbm>> -> memref<80x125xi32, #tpu.memory_space<hbm>>
        %dma_start3A_48 = arith.constant 0 : i32
        %dma_start3A_49 = arith.constant 0 : i32
        %dma_start3A_50 = tpu.memref_slice %arg2[%arg1, %dma_start3A_48, %dma_start3A_49] : memref<16x80x125xi32, #tpu.memory_space<hbm>> -> memref<1x80x125xi32, #tpu.memory_space<hbm>>
        %dma_start3A_51 = tpu.memref_squeeze %dma_start3A_50 : memref<1x80x125xi32, #tpu.memory_space<hbm>> -> memref<80x125xi32, #tpu.memory_space<hbm>>
        tpu.enqueue_dma source(%dma_start3A_51 : memref<80x125xi32, #tpu.memory_space<hbm>>) target(%arg9 : memref<80x125xi32, #tpu.memory_space<vmem>>) target_semaphore(%run_scoped3A : memref<!tpu.dma_semaphore, #tpu.memory_space<semaphore_mem>>)
        %dma_wait3A = arith.constant 0 : i32
        %dma_wait3A_52 = arith.constant 0 : i32
        %dma_wait3A_53 = tpu.memref_slice %arg2[%arg1, %dma_wait3A, %dma_wait3A_52] : memref<16x80x125xi32, #tpu.memory_space<hbm>> -> memref<1x80x125xi32, #tpu.memory_space<hbm>>
        %dma_wait3A_54 = tpu.memref_squeeze %dma_wait3A_53 : memref<1x80x125xi32, #tpu.memory_space<hbm>> -> memref<80x125xi32, #tpu.memory_space<hbm>>
        %dma_wait3A_55 = arith.constant 0 : i32
        %dma_wait3A_56 = arith.constant 0 : i32
        %dma_wait3A_57 = tpu.memref_slice %arg2[%arg1, %dma_wait3A_55, %dma_wait3A_56] : memref<16x80x125xi32, #tpu.memory_space<hbm>> -> memref<1x80x125xi32, #tpu.memory_space<hbm>>
        %dma_wait3A_58 = tpu.memref_squeeze %dma_wait3A_57 : memref<1x80x125xi32, #tpu.memory_space<hbm>> -> memref<80x125xi32, #tpu.memory_space<hbm>>
        tpu.wait_dma2 semaphore(%run_scoped3A : memref<!tpu.dma_semaphore, #tpu.memory_space<semaphore_mem>>) src(%dma_wait3A_58 : memref<80x125xi32, #tpu.memory_space<hbm>>) dst(%arg9 : memref<80x125xi32, #tpu.memory_space<vmem>>)
        tpu.yield
      }) : () -> ()
      "tpu.region"() ({
        %run_scoped3A = tpu.sem_alloc : memref<!tpu.dma_semaphore, #tpu.memory_space<semaphore_mem>>
        %dma_start3A_44 = arith.constant 0 : i32
        %dma_start3A_45 = arith.constant 0 : i32
        %dma_start3A_46 = tpu.memref_slice %arg3[%arg1, %dma_start3A_44, %dma_start3A_45] : memref<16x80x125xi32, #tpu.memory_space<hbm>> -> memref<1x80x125xi32, #tpu.memory_space<hbm>>
        %dma_start3A_47 = tpu.memref_squeeze %dma_start3A_46 : memref<1x80x125xi32, #tpu.memory_space<hbm>> -> memref<80x125xi32, #tpu.memory_space<hbm>>
        %dma_start3A_48 = arith.constant 0 : i32
        %dma_start3A_49 = arith.constant 0 : i32
        %dma_start3A_50 = tpu.memref_slice %arg3[%arg1, %dma_start3A_48, %dma_start3A_49] : memref<16x80x125xi32, #tpu.memory_space<hbm>> -> memref<1x80x125xi32, #tpu.memory_space<hbm>>
        %dma_start3A_51 = tpu.memref_squeeze %dma_start3A_50 : memref<1x80x125xi32, #tpu.memory_space<hbm>> -> memref<80x125xi32, #tpu.memory_space<hbm>>
        tpu.enqueue_dma source(%dma_start3A_51 : memref<80x125xi32, #tpu.memory_space<hbm>>) target(%arg10 : memref<80x125xi32, #tpu.memory_space<vmem>>) target_semaphore(%run_scoped3A : memref<!tpu.dma_semaphore, #tpu.memory_space<semaphore_mem>>)
        %dma_wait3A = arith.constant 0 : i32
        %dma_wait3A_52 = arith.constant 0 : i32
        %dma_wait3A_53 = tpu.memref_slice %arg3[%arg1, %dma_wait3A, %dma_wait3A_52] : memref<16x80x125xi32, #tpu.memory_space<hbm>> -> memref<1x80x125xi32, #tpu.memory_space<hbm>>
        %dma_wait3A_54 = tpu.memref_squeeze %dma_wait3A_53 : memref<1x80x125xi32, #tpu.memory_space<hbm>> -> memref<80x125xi32, #tpu.memory_space<hbm>>
        %dma_wait3A_55 = arith.constant 0 : i32
        %dma_wait3A_56 = arith.constant 0 : i32
        %dma_wait3A_57 = tpu.memref_slice %arg3[%arg1, %dma_wait3A_55, %dma_wait3A_56] : memref<16x80x125xi32, #tpu.memory_space<hbm>> -> memref<1x80x125xi32, #tpu.memory_space<hbm>>
        %dma_wait3A_58 = tpu.memref_squeeze %dma_wait3A_57 : memref<1x80x125xi32, #tpu.memory_space<hbm>> -> memref<80x125xi32, #tpu.memory_space<hbm>>
        tpu.wait_dma2 semaphore(%run_scoped3A : memref<!tpu.dma_semaphore, #tpu.memory_space<semaphore_mem>>) src(%dma_wait3A_58 : memref<80x125xi32, #tpu.memory_space<hbm>>) dst(%arg10 : memref<80x125xi32, #tpu.memory_space<vmem>>)
        tpu.yield
      }) : () -> ()
      %dma_start3A = arith.constant 0 : i32
      %dma_start3A_19 = arith.constant 0 : i32
      %dma_start3A_20 = tpu.memref_slice %arg9[%dma_start3A, %dma_start3A_19] : memref<80x125xi32, #tpu.memory_space<vmem>> -> memref<1x125xi32, #tpu.memory_space<vmem>>
      %dma_start3A_21 = tpu.memref_squeeze %dma_start3A_20 : memref<1x125xi32, #tpu.memory_space<vmem>> -> memref<125xi32, #tpu.memory_space<vmem>>
      %dma_start3A_22 = arith.constant 0 : i32
      %dma_start3A_23 = arith.constant 0 : i32
      %dma_start3A_24 = tpu.memref_slice %arg5[%dma_start3A_22, %dma_start3A_23] : memref<10000x160xbf16, #tpu.memory_space<hbm>> -> memref<10000x160xbf16, #tpu.memory_space<hbm>>
      tpu.enqueue_indirect_dma source(%dma_start3A_24 : memref<10000x160xbf16, #tpu.memory_space<hbm>>) target(%arg11 : memref<125x160xbf16, #tpu.memory_space<vmem>>) offsets(%dma_start3A_21 : memref<125xi32, #tpu.memory_space<vmem>>) semaphore(%arg16 : memref<!tpu.dma_semaphore, #tpu.memory_space<semaphore_mem>>)
      %dma_start3A_25 = arith.constant 1 : i32
      %dma_start3A_26 = arith.constant 0 : i32
      %dma_start3A_27 = tpu.memref_slice %arg9[%dma_start3A_25, %dma_start3A_26] : memref<80x125xi32, #tpu.memory_space<vmem>> -> memref<1x125xi32, #tpu.memory_space<vmem>>
      %dma_start3A_28 = tpu.memref_squeeze %dma_start3A_27 : memref<1x125xi32, #tpu.memory_space<vmem>> -> memref<125xi32, #tpu.memory_space<vmem>>
      %dma_start3A_29 = arith.constant 0 : i32
      %dma_start3A_30 = arith.constant 0 : i32
      %dma_start3A_31 = tpu.memref_slice %arg5[%dma_start3A_29, %dma_start3A_30] : memref<10000x160xbf16, #tpu.memory_space<hbm>> -> memref<10000x160xbf16, #tpu.memory_space<hbm>>
      tpu.enqueue_indirect_dma source(%dma_start3A_31 : memref<10000x160xbf16, #tpu.memory_space<hbm>>) target(%arg12 : memref<125x160xbf16, #tpu.memory_space<vmem>>) offsets(%dma_start3A_28 : memref<125xi32, #tpu.memory_space<vmem>>) semaphore(%arg17 : memref<!tpu.dma_semaphore, #tpu.memory_space<semaphore_mem>>)
      %dma_start3A_32 = arith.constant 2 : i32
      %dma_start3A_33 = arith.constant 0 : i32
      %dma_start3A_34 = tpu.memref_slice %arg9[%dma_start3A_32, %dma_start3A_33] : memref<80x125xi32, #tpu.memory_space<vmem>> -> memref<1x125xi32, #tpu.memory_space<vmem>>
      %dma_start3A_35 = tpu.memref_squeeze %dma_start3A_34 : memref<1x125xi32, #tpu.memory_space<vmem>> -> memref<125xi32, #tpu.memory_space<vmem>>
      %dma_start3A_36 = arith.constant 0 : i32
      %dma_start3A_37 = arith.constant 0 : i32
      %dma_start3A_38 = tpu.memref_slice %arg5[%dma_start3A_36, %dma_start3A_37] : memref<10000x160xbf16, #tpu.memory_space<hbm>> -> memref<10000x160xbf16, #tpu.memory_space<hbm>>
      tpu.enqueue_indirect_dma source(%dma_start3A_38 : memref<10000x160xbf16, #tpu.memory_space<hbm>>) target(%arg13 : memref<125x160xbf16, #tpu.memory_space<vmem>>) offsets(%dma_start3A_35 : memref<125xi32, #tpu.memory_space<vmem>>) semaphore(%arg18 : memref<!tpu.dma_semaphore, #tpu.memory_space<semaphore_mem>>)
      %scan3A = arith.constant 0 : i32
      %scan3A_39 = arith.constant 0 : i32
      %scan3A_40 = arith.constant 20 : i32
      %scan3A_41 = arith.addi %scan3A_39, %scan3A_40 : i32
      %scan3A_42 = arith.constant 1 : i32
      scf.for %scan3A_44 = %scan3A_39 to %scan3A_41 step %scan3A_42  : i32 {
        %mul3A_45 = arith.constant 4 : i32
        %mul3A_46 = arith.muli %scan3A_44, %mul3A_45 : i32
        %add3A = arith.constant 0 : i32
        %add3A_47 = arith.addi %mul3A_46, %add3A : i32
        %dma_wait3A = arith.constant 0 : i32
        %dma_wait3A_48 = tpu.memref_slice %arg9[%add3A_47, %dma_wait3A] : memref<80x125xi32, #tpu.memory_space<vmem>> -> memref<1x125xi32, #tpu.memory_space<vmem>>
        %dma_wait3A_49 = tpu.memref_squeeze %dma_wait3A_48 : memref<1x125xi32, #tpu.memory_space<vmem>> -> memref<125xi32, #tpu.memory_space<vmem>>
        %dma_wait3A_50 = arith.constant 0 : i32
        %dma_wait3A_51 = arith.constant 0 : i32
        %dma_wait3A_52 = tpu.memref_slice %arg5[%dma_wait3A_50, %dma_wait3A_51] : memref<10000x160xbf16, #tpu.memory_space<hbm>> -> memref<10000x160xbf16, #tpu.memory_space<hbm>>
        tpu.wait_indirect_dma semaphore(%arg16 : memref<!tpu.dma_semaphore, #tpu.memory_space<semaphore_mem>>) src(%dma_wait3A_52 : memref<10000x160xbf16, #tpu.memory_space<hbm>>) dst(%arg11 : memref<125x160xbf16, #tpu.memory_space<vmem>>)
        %add3A_53 = arith.constant 4 : i32
        %add3A_54 = arith.addi %add3A_47, %add3A_53 : i32
        %sub3A = arith.constant 1 : i32
        %sub3A_55 = arith.subi %add3A_54, %sub3A : i32
        %lt3A = arith.constant 80 : i32
        %lt3A_56 = arith.cmpi slt, %sub3A_55, %lt3A : i32
        %convert_element_type3A_57 = arith.extui %lt3A_56 : i1 to i32
        %cond3A_58 = arith.constant 0 : i32
        %cond3A_59 = arith.cmpi ne, %convert_element_type3A_57, %cond3A_58 : i32
        scf.if %cond3A_59 {
          %add3A_117 = arith.constant 4 : i32
          %add3A_118 = arith.addi %add3A_47, %add3A_117 : i32
          %sub3A_119 = arith.constant 1 : i32
          %sub3A_120 = arith.subi %add3A_118, %sub3A_119 : i32
          %dma_start3A_121 = arith.constant 0 : i32
          %dma_start3A_122 = tpu.memref_slice %arg9[%sub3A_120, %dma_start3A_121] : memref<80x125xi32, #tpu.memory_space<vmem>> -> memref<1x125xi32, #tpu.memory_space<vmem>>
          %dma_start3A_123 = tpu.memref_squeeze %dma_start3A_122 : memref<1x125xi32, #tpu.memory_space<vmem>> -> memref<125xi32, #tpu.memory_space<vmem>>
          %dma_start3A_124 = arith.constant 0 : i32
          %dma_start3A_125 = arith.constant 0 : i32
          %dma_start3A_126 = tpu.memref_slice %arg5[%dma_start3A_124, %dma_start3A_125] : memref<10000x160xbf16, #tpu.memory_space<hbm>> -> memref<10000x160xbf16, #tpu.memory_space<hbm>>
          tpu.enqueue_indirect_dma source(%dma_start3A_126 : memref<10000x160xbf16, #tpu.memory_space<hbm>>) target(%arg14 : memref<125x160xbf16, #tpu.memory_space<vmem>>) offsets(%dma_start3A_123 : memref<125xi32, #tpu.memory_space<vmem>>) semaphore(%arg19 : memref<!tpu.dma_semaphore, #tpu.memory_space<semaphore_mem>>)
        } else {
        }
        "tpu.region"() ({
          %run_scoped3A = tpu.sem_alloc : memref<!tpu.dma_semaphore, #tpu.memory_space<semaphore_mem>>
          %dma_start3A_117 = arith.constant 0 : i32
          %dma_start3A_118 = tpu.memref_slice %arg10[%add3A_47, %dma_start3A_117] : memref<80x125xi32, #tpu.memory_space<vmem>> -> memref<1x125xi32, #tpu.memory_space<vmem>>
          %dma_start3A_119 = tpu.memref_squeeze %dma_start3A_118 : memref<1x125xi32, #tpu.memory_space<vmem>> -> memref<125xi32, #tpu.memory_space<vmem>>
          %dma_start3A_120 = arith.constant 0 : i32
          %dma_start3A_121 = arith.constant 0 : i32
          %dma_start3A_122 = tpu.memref_slice %arg15[%dma_start3A_120, %dma_start3A_121] : memref<10000x160xbf16, #tpu.memory_space<vmem_shared>> -> memref<10000x160xbf16, #tpu.memory_space<vmem_shared>>
          tpu.enqueue_indirect_dma source(%arg11 : memref<125x160xbf16, #tpu.memory_space<vmem>>) target(%dma_start3A_122 : memref<10000x160xbf16, #tpu.memory_space<vmem_shared>>) offsets(%dma_start3A_119 : memref<125xi32, #tpu.memory_space<vmem>>) semaphore(%run_scoped3A : memref<!tpu.dma_semaphore, #tpu.memory_space<semaphore_mem>>) {add = true}
          %dma_wait3A_123 = arith.constant 0 : i32
          %dma_wait3A_124 = tpu.memref_slice %arg10[%add3A_47, %dma_wait3A_123] : memref<80x125xi32, #tpu.memory_space<vmem>> -> memref<1x125xi32, #tpu.memory_space<vmem>>
          %dma_wait3A_125 = tpu.memref_squeeze %dma_wait3A_124 : memref<1x125xi32, #tpu.memory_space<vmem>> -> memref<125xi32, #tpu.memory_space<vmem>>
          %dma_wait3A_126 = arith.constant 0 : i32
          %dma_wait3A_127 = arith.constant 0 : i32
          %dma_wait3A_128 = tpu.memref_slice %arg15[%dma_wait3A_126, %dma_wait3A_127] : memref<10000x160xbf16, #tpu.memory_space<vmem_shared>> -> memref<10000x160xbf16, #tpu.memory_space<vmem_shared>>
          tpu.wait_indirect_dma semaphore(%run_scoped3A : memref<!tpu.dma_semaphore, #tpu.memory_space<semaphore_mem>>) src(%arg11 : memref<125x160xbf16, #tpu.memory_space<vmem>>) dst(%dma_wait3A_128 : memref<10000x160xbf16, #tpu.memory_space<vmem_shared>>)
          tpu.yield
        }) : () -> ()
        %mul3A_60 = arith.constant 4 : i32
        %mul3A_61 = arith.muli %scan3A_44, %mul3A_60 : i32
        %add3A_62 = arith.constant 1 : i32
        %add3A_63 = arith.addi %mul3A_61, %add3A_62 : i32
        %dma_wait3A_64 = arith.constant 0 : i32
        %dma_wait3A_65 = tpu.memref_slice %arg9[%add3A_63, %dma_wait3A_64] : memref<80x125xi32, #tpu.memory_space<vmem>> -> memref<1x125xi32, #tpu.memory_space<vmem>>
        %dma_wait3A_66 = tpu.memref_squeeze %dma_wait3A_65 : memref<1x125xi32, #tpu.memory_space<vmem>> -> memref<125xi32, #tpu.memory_space<vmem>>
        %dma_wait3A_67 = arith.constant 0 : i32
        %dma_wait3A_68 = arith.constant 0 : i32
        %dma_wait3A_69 = tpu.memref_slice %arg5[%dma_wait3A_67, %dma_wait3A_68] : memref<10000x160xbf16, #tpu.memory_space<hbm>> -> memref<10000x160xbf16, #tpu.memory_space<hbm>>
        tpu.wait_indirect_dma semaphore(%arg17 : memref<!tpu.dma_semaphore, #tpu.memory_space<semaphore_mem>>) src(%dma_wait3A_69 : memref<10000x160xbf16, #tpu.memory_space<hbm>>) dst(%arg12 : memref<125x160xbf16, #tpu.memory_space<vmem>>)
        %add3A_70 = arith.constant 4 : i32
        %add3A_71 = arith.addi %add3A_63, %add3A_70 : i32
        %sub3A_72 = arith.constant 1 : i32
        %sub3A_73 = arith.subi %add3A_71, %sub3A_72 : i32
        %lt3A_74 = arith.constant 80 : i32
        %lt3A_75 = arith.cmpi slt, %sub3A_73, %lt3A_74 : i32
        %convert_element_type3A_76 = arith.extui %lt3A_75 : i1 to i32
        %cond3A_77 = arith.constant 0 : i32
        %cond3A_78 = arith.cmpi ne, %convert_element_type3A_76, %cond3A_77 : i32
        scf.if %cond3A_78 {
          %add3A_117 = arith.constant 4 : i32
          %add3A_118 = arith.addi %add3A_63, %add3A_117 : i32
          %sub3A_119 = arith.constant 1 : i32
          %sub3A_120 = arith.subi %add3A_118, %sub3A_119 : i32
          %dma_start3A_121 = arith.constant 0 : i32
          %dma_start3A_122 = tpu.memref_slice %arg9[%sub3A_120, %dma_start3A_121] : memref<80x125xi32, #tpu.memory_space<vmem>> -> memref<1x125xi32, #tpu.memory_space<vmem>>
          %dma_start3A_123 = tpu.memref_squeeze %dma_start3A_122 : memref<1x125xi32, #tpu.memory_space<vmem>> -> memref<125xi32, #tpu.memory_space<vmem>>
          %dma_start3A_124 = arith.constant 0 : i32
          %dma_start3A_125 = arith.constant 0 : i32
          %dma_start3A_126 = tpu.memref_slice %arg5[%dma_start3A_124, %dma_start3A_125] : memref<10000x160xbf16, #tpu.memory_space<hbm>> -> memref<10000x160xbf16, #tpu.memory_space<hbm>>
          tpu.enqueue_indirect_dma source(%dma_start3A_126 : memref<10000x160xbf16, #tpu.memory_space<hbm>>) target(%arg11 : memref<125x160xbf16, #tpu.memory_space<vmem>>) offsets(%dma_start3A_123 : memref<125xi32, #tpu.memory_space<vmem>>) semaphore(%arg16 : memref<!tpu.dma_semaphore, #tpu.memory_space<semaphore_mem>>)
        } else {
        }
        "tpu.region"() ({
          %run_scoped3A = tpu.sem_alloc : memref<!tpu.dma_semaphore, #tpu.memory_space<semaphore_mem>>
          %dma_start3A_117 = arith.constant 0 : i32
          %dma_start3A_118 = tpu.memref_slice %arg10[%add3A_63, %dma_start3A_117] : memref<80x125xi32, #tpu.memory_space<vmem>> -> memref<1x125xi32, #tpu.memory_space<vmem>>
          %dma_start3A_119 = tpu.memref_squeeze %dma_start3A_118 : memref<1x125xi32, #tpu.memory_space<vmem>> -> memref<125xi32, #tpu.memory_space<vmem>>
          %dma_start3A_120 = arith.constant 0 : i32
          %dma_start3A_121 = arith.constant 0 : i32
          %dma_start3A_122 = tpu.memref_slice %arg15[%dma_start3A_120, %dma_start3A_121] : memref<10000x160xbf16, #tpu.memory_space<vmem_shared>> -> memref<10000x160xbf16, #tpu.memory_space<vmem_shared>>
          tpu.enqueue_indirect_dma source(%arg12 : memref<125x160xbf16, #tpu.memory_space<vmem>>) target(%dma_start3A_122 : memref<10000x160xbf16, #tpu.memory_space<vmem_shared>>) offsets(%dma_start3A_119 : memref<125xi32, #tpu.memory_space<vmem>>) semaphore(%run_scoped3A : memref<!tpu.dma_semaphore, #tpu.memory_space<semaphore_mem>>) {add = true}
          %dma_wait3A_123 = arith.constant 0 : i32
          %dma_wait3A_124 = tpu.memref_slice %arg10[%add3A_63, %dma_wait3A_123] : memref<80x125xi32, #tpu.memory_space<vmem>> -> memref<1x125xi32, #tpu.memory_space<vmem>>
          %dma_wait3A_125 = tpu.memref_squeeze %dma_wait3A_124 : memref<1x125xi32, #tpu.memory_space<vmem>> -> memref<125xi32, #tpu.memory_space<vmem>>
          %dma_wait3A_126 = arith.constant 0 : i32
          %dma_wait3A_127 = arith.constant 0 : i32
          %dma_wait3A_128 = tpu.memref_slice %arg15[%dma_wait3A_126, %dma_wait3A_127] : memref<10000x160xbf16, #tpu.memory_space<vmem_shared>> -> memref<10000x160xbf16, #tpu.memory_space<vmem_shared>>
          tpu.wait_indirect_dma semaphore(%run_scoped3A : memref<!tpu.dma_semaphore, #tpu.memory_space<semaphore_mem>>) src(%arg12 : memref<125x160xbf16, #tpu.memory_space<vmem>>) dst(%dma_wait3A_128 : memref<10000x160xbf16, #tpu.memory_space<vmem_shared>>)
          tpu.yield
        }) : () -> ()
        %mul3A_79 = arith.constant 4 : i32
        %mul3A_80 = arith.muli %scan3A_44, %mul3A_79 : i32
        %add3A_81 = arith.constant 2 : i32
        %add3A_82 = arith.addi %mul3A_80, %add3A_81 : i32
        %dma_wait3A_83 = arith.constant 0 : i32
        %dma_wait3A_84 = tpu.memref_slice %arg9[%add3A_82, %dma_wait3A_83] : memref<80x125xi32, #tpu.memory_space<vmem>> -> memref<1x125xi32, #tpu.memory_space<vmem>>
        %dma_wait3A_85 = tpu.memref_squeeze %dma_wait3A_84 : memref<1x125xi32, #tpu.memory_space<vmem>> -> memref<125xi32, #tpu.memory_space<vmem>>
        %dma_wait3A_86 = arith.constant 0 : i32
        %dma_wait3A_87 = arith.constant 0 : i32
        %dma_wait3A_88 = tpu.memref_slice %arg5[%dma_wait3A_86, %dma_wait3A_87] : memref<10000x160xbf16, #tpu.memory_space<hbm>> -> memref<10000x160xbf16, #tpu.memory_space<hbm>>
        tpu.wait_indirect_dma semaphore(%arg18 : memref<!tpu.dma_semaphore, #tpu.memory_space<semaphore_mem>>) src(%dma_wait3A_88 : memref<10000x160xbf16, #tpu.memory_space<hbm>>) dst(%arg13 : memref<125x160xbf16, #tpu.memory_space<vmem>>)
        %add3A_89 = arith.constant 4 : i32
        %add3A_90 = arith.addi %add3A_82, %add3A_89 : i32
        %sub3A_91 = arith.constant 1 : i32
        %sub3A_92 = arith.subi %add3A_90, %sub3A_91 : i32
        %lt3A_93 = arith.constant 80 : i32
        %lt3A_94 = arith.cmpi slt, %sub3A_92, %lt3A_93 : i32
        %convert_element_type3A_95 = arith.extui %lt3A_94 : i1 to i32
        %cond3A_96 = arith.constant 0 : i32
        %cond3A_97 = arith.cmpi ne, %convert_element_type3A_95, %cond3A_96 : i32
        scf.if %cond3A_97 {
          %add3A_117 = arith.constant 4 : i32
          %add3A_118 = arith.addi %add3A_82, %add3A_117 : i32
          %sub3A_119 = arith.constant 1 : i32
          %sub3A_120 = arith.subi %add3A_118, %sub3A_119 : i32
          %dma_start3A_121 = arith.constant 0 : i32
          %dma_start3A_122 = tpu.memref_slice %arg9[%sub3A_120, %dma_start3A_121] : memref<80x125xi32, #tpu.memory_space<vmem>> -> memref<1x125xi32, #tpu.memory_space<vmem>>
          %dma_start3A_123 = tpu.memref_squeeze %dma_start3A_122 : memref<1x125xi32, #tpu.memory_space<vmem>> -> memref<125xi32, #tpu.memory_space<vmem>>
          %dma_start3A_124 = arith.constant 0 : i32
          %dma_start3A_125 = arith.constant 0 : i32
          %dma_start3A_126 = tpu.memref_slice %arg5[%dma_start3A_124, %dma_start3A_125] : memref<10000x160xbf16, #tpu.memory_space<hbm>> -> memref<10000x160xbf16, #tpu.memory_space<hbm>>
          tpu.enqueue_indirect_dma source(%dma_start3A_126 : memref<10000x160xbf16, #tpu.memory_space<hbm>>) target(%arg12 : memref<125x160xbf16, #tpu.memory_space<vmem>>) offsets(%dma_start3A_123 : memref<125xi32, #tpu.memory_space<vmem>>) semaphore(%arg17 : memref<!tpu.dma_semaphore, #tpu.memory_space<semaphore_mem>>)
        } else {
        }
        "tpu.region"() ({
          %run_scoped3A = tpu.sem_alloc : memref<!tpu.dma_semaphore, #tpu.memory_space<semaphore_mem>>
          %dma_start3A_117 = arith.constant 0 : i32
          %dma_start3A_118 = tpu.memref_slice %arg10[%add3A_82, %dma_start3A_117] : memref<80x125xi32, #tpu.memory_space<vmem>> -> memref<1x125xi32, #tpu.memory_space<vmem>>
          %dma_start3A_119 = tpu.memref_squeeze %dma_start3A_118 : memref<1x125xi32, #tpu.memory_space<vmem>> -> memref<125xi32, #tpu.memory_space<vmem>>
          %dma_start3A_120 = arith.constant 0 : i32
          %dma_start3A_121 = arith.constant 0 : i32
          %dma_start3A_122 = tpu.memref_slice %arg15[%dma_start3A_120, %dma_start3A_121] : memref<10000x160xbf16, #tpu.memory_space<vmem_shared>> -> memref<10000x160xbf16, #tpu.memory_space<vmem_shared>>
          tpu.enqueue_indirect_dma source(%arg13 : memref<125x160xbf16, #tpu.memory_space<vmem>>) target(%dma_start3A_122 : memref<10000x160xbf16, #tpu.memory_space<vmem_shared>>) offsets(%dma_start3A_119 : memref<125xi32, #tpu.memory_space<vmem>>) semaphore(%run_scoped3A : memref<!tpu.dma_semaphore, #tpu.memory_space<semaphore_mem>>) {add = true}
          %dma_wait3A_123 = arith.constant 0 : i32
          %dma_wait3A_124 = tpu.memref_slice %arg10[%add3A_82, %dma_wait3A_123] : memref<80x125xi32, #tpu.memory_space<vmem>> -> memref<1x125xi32, #tpu.memory_space<vmem>>
          %dma_wait3A_125 = tpu.memref_squeeze %dma_wait3A_124 : memref<1x125xi32, #tpu.memory_space<vmem>> -> memref<125xi32, #tpu.memory_space<vmem>>
          %dma_wait3A_126 = arith.constant 0 : i32
          %dma_wait3A_127 = arith.constant 0 : i32
          %dma_wait3A_128 = tpu.memref_slice %arg15[%dma_wait3A_126, %dma_wait3A_127] : memref<10000x160xbf16, #tpu.memory_space<vmem_shared>> -> memref<10000x160xbf16, #tpu.memory_space<vmem_shared>>
          tpu.wait_indirect_dma semaphore(%run_scoped3A : memref<!tpu.dma_semaphore, #tpu.memory_space<semaphore_mem>>) src(%arg13 : memref<125x160xbf16, #tpu.memory_space<vmem>>) dst(%dma_wait3A_128 : memref<10000x160xbf16, #tpu.memory_space<vmem_shared>>)
          tpu.yield
        }) : () -> ()
        %mul3A_98 = arith.constant 4 : i32
        %mul3A_99 = arith.muli %scan3A_44, %mul3A_98 : i32
        %add3A_100 = arith.constant 3 : i32
        %add3A_101 = arith.addi %mul3A_99, %add3A_100 : i32
        %dma_wait3A_102 = arith.constant 0 : i32
        %dma_wait3A_103 = tpu.memref_slice %arg9[%add3A_101, %dma_wait3A_102] : memref<80x125xi32, #tpu.memory_space<vmem>> -> memref<1x125xi32, #tpu.memory_space<vmem>>
        %dma_wait3A_104 = tpu.memref_squeeze %dma_wait3A_103 : memref<1x125xi32, #tpu.memory_space<vmem>> -> memref<125xi32, #tpu.memory_space<vmem>>
        %dma_wait3A_105 = arith.constant 0 : i32
        %dma_wait3A_106 = arith.constant 0 : i32
        %dma_wait3A_107 = tpu.memref_slice %arg5[%dma_wait3A_105, %dma_wait3A_106] : memref<10000x160xbf16, #tpu.memory_space<hbm>> -> memref<10000x160xbf16, #tpu.memory_space<hbm>>
        tpu.wait_indirect_dma semaphore(%arg19 : memref<!tpu.dma_semaphore, #tpu.memory_space<semaphore_mem>>) src(%dma_wait3A_107 : memref<10000x160xbf16, #tpu.memory_space<hbm>>) dst(%arg14 : memref<125x160xbf16, #tpu.memory_space<vmem>>)
        %add3A_108 = arith.constant 4 : i32
        %add3A_109 = arith.addi %add3A_101, %add3A_108 : i32
        %sub3A_110 = arith.constant 1 : i32
        %sub3A_111 = arith.subi %add3A_109, %sub3A_110 : i32
        %lt3A_112 = arith.constant 80 : i32
        %lt3A_113 = arith.cmpi slt, %sub3A_111, %lt3A_112 : i32
        %convert_element_type3A_114 = arith.extui %lt3A_113 : i1 to i32
        %cond3A_115 = arith.constant 0 : i32
        %cond3A_116 = arith.cmpi ne, %convert_element_type3A_114, %cond3A_115 : i32
        scf.if %cond3A_116 {
          %add3A_117 = arith.constant 4 : i32
          %add3A_118 = arith.addi %add3A_101, %add3A_117 : i32
          %sub3A_119 = arith.constant 1 : i32
          %sub3A_120 = arith.subi %add3A_118, %sub3A_119 : i32
          %dma_start3A_121 = arith.constant 0 : i32
          %dma_start3A_122 = tpu.memref_slice %arg9[%sub3A_120, %dma_start3A_121] : memref<80x125xi32, #tpu.memory_space<vmem>> -> memref<1x125xi32, #tpu.memory_space<vmem>>
          %dma_start3A_123 = tpu.memref_squeeze %dma_start3A_122 : memref<1x125xi32, #tpu.memory_space<vmem>> -> memref<125xi32, #tpu.memory_space<vmem>>
          %dma_start3A_124 = arith.constant 0 : i32
          %dma_start3A_125 = arith.constant 0 : i32
          %dma_start3A_126 = tpu.memref_slice %arg5[%dma_start3A_124, %dma_start3A_125] : memref<10000x160xbf16, #tpu.memory_space<hbm>> -> memref<10000x160xbf16, #tpu.memory_space<hbm>>
          tpu.enqueue_indirect_dma source(%dma_start3A_126 : memref<10000x160xbf16, #tpu.memory_space<hbm>>) target(%arg13 : memref<125x160xbf16, #tpu.memory_space<vmem>>) offsets(%dma_start3A_123 : memref<125xi32, #tpu.memory_space<vmem>>) semaphore(%arg18 : memref<!tpu.dma_semaphore, #tpu.memory_space<semaphore_mem>>)
        } else {
        }
        "tpu.region"() ({
          %run_scoped3A = tpu.sem_alloc : memref<!tpu.dma_semaphore, #tpu.memory_space<semaphore_mem>>
          %dma_start3A_117 = arith.constant 0 : i32
          %dma_start3A_118 = tpu.memref_slice %arg10[%add3A_101, %dma_start3A_117] : memref<80x125xi32, #tpu.memory_space<vmem>> -> memref<1x125xi32, #tpu.memory_space<vmem>>
          %dma_start3A_119 = tpu.memref_squeeze %dma_start3A_118 : memref<1x125xi32, #tpu.memory_space<vmem>> -> memref<125xi32, #tpu.memory_space<vmem>>
          %dma_start3A_120 = arith.constant 0 : i32
          %dma_start3A_121 = arith.constant 0 : i32
          %dma_start3A_122 = tpu.memref_slice %arg15[%dma_start3A_120, %dma_start3A_121] : memref<10000x160xbf16, #tpu.memory_space<vmem_shared>> -> memref<10000x160xbf16, #tpu.memory_space<vmem_shared>>
          tpu.enqueue_indirect_dma source(%arg14 : memref<125x160xbf16, #tpu.memory_space<vmem>>) target(%dma_start3A_122 : memref<10000x160xbf16, #tpu.memory_space<vmem_shared>>) offsets(%dma_start3A_119 : memref<125xi32, #tpu.memory_space<vmem>>) semaphore(%run_scoped3A : memref<!tpu.dma_semaphore, #tpu.memory_space<semaphore_mem>>) {add = true}
          %dma_wait3A_123 = arith.constant 0 : i32
          %dma_wait3A_124 = tpu.memref_slice %arg10[%add3A_101, %dma_wait3A_123] : memref<80x125xi32, #tpu.memory_space<vmem>> -> memref<1x125xi32, #tpu.memory_space<vmem>>
          %dma_wait3A_125 = tpu.memref_squeeze %dma_wait3A_124 : memref<1x125xi32, #tpu.memory_space<vmem>> -> memref<125xi32, #tpu.memory_space<vmem>>
          %dma_wait3A_126 = arith.constant 0 : i32
          %dma_wait3A_127 = arith.constant 0 : i32
          %dma_wait3A_128 = tpu.memref_slice %arg15[%dma_wait3A_126, %dma_wait3A_127] : memref<10000x160xbf16, #tpu.memory_space<vmem_shared>> -> memref<10000x160xbf16, #tpu.memory_space<vmem_shared>>
          tpu.wait_indirect_dma semaphore(%run_scoped3A : memref<!tpu.dma_semaphore, #tpu.memory_space<semaphore_mem>>) src(%arg14 : memref<125x160xbf16, #tpu.memory_space<vmem>>) dst(%dma_wait3A_128 : memref<10000x160xbf16, #tpu.memory_space<vmem_shared>>)
          tpu.yield
        }) : () -> ()
      }
      %scan3A_43 = arith.constant 20 : i32
    } else {
    }
    %eq3A_3 = arith.constant 1 : i32
    %eq3A_4 = arith.cmpi eq, %arg0, %eq3A_3 : i32
    %convert_element_type3A_5 = arith.extui %eq3A_4 : i1 to i32
    %cond3A_6 = arith.constant 0 : i32
    %cond3A_7 = arith.cmpi ne, %convert_element_type3A_5, %cond3A_6 : i32
    scf.if %cond3A_7 {
      "tpu.region"() ({
        %run_scoped3A = tpu.sem_alloc : memref<!tpu.dma_semaphore, #tpu.memory_space<semaphore_mem>>
        %dma_start3A_44 = arith.constant 0 : i32
        %dma_start3A_45 = arith.constant 0 : i32
        %dma_start3A_46 = tpu.memref_slice %arg2[%arg1, %dma_start3A_44, %dma_start3A_45] : memref<16x80x125xi32, #tpu.memory_space<hbm>> -> memref<1x80x125xi32, #tpu.memory_space<hbm>>
        %dma_start3A_47 = tpu.memref_squeeze %dma_start3A_46 : memref<1x80x125xi32, #tpu.memory_space<hbm>> -> memref<80x125xi32, #tpu.memory_space<hbm>>
        %dma_start3A_48 = arith.constant 0 : i32
        %dma_start3A_49 = arith.constant 0 : i32
        %dma_start3A_50 = tpu.memref_slice %arg2[%arg1, %dma_start3A_48, %dma_start3A_49] : memref<16x80x125xi32, #tpu.memory_space<hbm>> -> memref<1x80x125xi32, #tpu.memory_space<hbm>>
        %dma_start3A_51 = tpu.memref_squeeze %dma_start3A_50 : memref<1x80x125xi32, #tpu.memory_space<hbm>> -> memref<80x125xi32, #tpu.memory_space<hbm>>
        tpu.enqueue_dma source(%dma_start3A_51 : memref<80x125xi32, #tpu.memory_space<hbm>>) target(%arg9 : memref<80x125xi32, #tpu.memory_space<vmem>>) target_semaphore(%run_scoped3A : memref<!tpu.dma_semaphore, #tpu.memory_space<semaphore_mem>>)
        %dma_wait3A = arith.constant 0 : i32
        %dma_wait3A_52 = arith.constant 0 : i32
        %dma_wait3A_53 = tpu.memref_slice %arg2[%arg1, %dma_wait3A, %dma_wait3A_52] : memref<16x80x125xi32, #tpu.memory_space<hbm>> -> memref<1x80x125xi32, #tpu.memory_space<hbm>>
        %dma_wait3A_54 = tpu.memref_squeeze %dma_wait3A_53 : memref<1x80x125xi32, #tpu.memory_space<hbm>> -> memref<80x125xi32, #tpu.memory_space<hbm>>
        %dma_wait3A_55 = arith.constant 0 : i32
        %dma_wait3A_56 = arith.constant 0 : i32
        %dma_wait3A_57 = tpu.memref_slice %arg2[%arg1, %dma_wait3A_55, %dma_wait3A_56] : memref<16x80x125xi32, #tpu.memory_space<hbm>> -> memref<1x80x125xi32, #tpu.memory_space<hbm>>
        %dma_wait3A_58 = tpu.memref_squeeze %dma_wait3A_57 : memref<1x80x125xi32, #tpu.memory_space<hbm>> -> memref<80x125xi32, #tpu.memory_space<hbm>>
        tpu.wait_dma2 semaphore(%run_scoped3A : memref<!tpu.dma_semaphore, #tpu.memory_space<semaphore_mem>>) src(%dma_wait3A_58 : memref<80x125xi32, #tpu.memory_space<hbm>>) dst(%arg9 : memref<80x125xi32, #tpu.memory_space<vmem>>)
        tpu.yield
      }) : () -> ()
      "tpu.region"() ({
        %run_scoped3A = tpu.sem_alloc : memref<!tpu.dma_semaphore, #tpu.memory_space<semaphore_mem>>
        %dma_start3A_44 = arith.constant 0 : i32
        %dma_start3A_45 = arith.constant 0 : i32
        %dma_start3A_46 = tpu.memref_slice %arg3[%arg1, %dma_start3A_44, %dma_start3A_45] : memref<16x80x125xi32, #tpu.memory_space<hbm>> -> memref<1x80x125xi32, #tpu.memory_space<hbm>>
        %dma_start3A_47 = tpu.memref_squeeze %dma_start3A_46 : memref<1x80x125xi32, #tpu.memory_space<hbm>> -> memref<80x125xi32, #tpu.memory_space<hbm>>
        %dma_start3A_48 = arith.constant 0 : i32
        %dma_start3A_49 = arith.constant 0 : i32
        %dma_start3A_50 = tpu.memref_slice %arg3[%arg1, %dma_start3A_48, %dma_start3A_49] : memref<16x80x125xi32, #tpu.memory_space<hbm>> -> memref<1x80x125xi32, #tpu.memory_space<hbm>>
        %dma_start3A_51 = tpu.memref_squeeze %dma_start3A_50 : memref<1x80x125xi32, #tpu.memory_space<hbm>> -> memref<80x125xi32, #tpu.memory_space<hbm>>
        tpu.enqueue_dma source(%dma_start3A_51 : memref<80x125xi32, #tpu.memory_space<hbm>>) target(%arg10 : memref<80x125xi32, #tpu.memory_space<vmem>>) target_semaphore(%run_scoped3A : memref<!tpu.dma_semaphore, #tpu.memory_space<semaphore_mem>>)
        %dma_wait3A = arith.constant 0 : i32
        %dma_wait3A_52 = arith.constant 0 : i32
        %dma_wait3A_53 = tpu.memref_slice %arg3[%arg1, %dma_wait3A, %dma_wait3A_52] : memref<16x80x125xi32, #tpu.memory_space<hbm>> -> memref<1x80x125xi32, #tpu.memory_space<hbm>>
        %dma_wait3A_54 = tpu.memref_squeeze %dma_wait3A_53 : memref<1x80x125xi32, #tpu.memory_space<hbm>> -> memref<80x125xi32, #tpu.memory_space<hbm>>
        %dma_wait3A_55 = arith.constant 0 : i32
        %dma_wait3A_56 = arith.constant 0 : i32
        %dma_wait3A_57 = tpu.memref_slice %arg3[%arg1, %dma_wait3A_55, %dma_wait3A_56] : memref<16x80x125xi32, #tpu.memory_space<hbm>> -> memref<1x80x125xi32, #tpu.memory_space<hbm>>
        %dma_wait3A_58 = tpu.memref_squeeze %dma_wait3A_57 : memref<1x80x125xi32, #tpu.memory_space<hbm>> -> memref<80x125xi32, #tpu.memory_space<hbm>>
        tpu.wait_dma2 semaphore(%run_scoped3A : memref<!tpu.dma_semaphore, #tpu.memory_space<semaphore_mem>>) src(%dma_wait3A_58 : memref<80x125xi32, #tpu.memory_space<hbm>>) dst(%arg10 : memref<80x125xi32, #tpu.memory_space<vmem>>)
        tpu.yield
      }) : () -> ()
      %dma_start3A = arith.constant 0 : i32
      %dma_start3A_19 = arith.constant 0 : i32
      %dma_start3A_20 = tpu.memref_slice %arg9[%dma_start3A, %dma_start3A_19] : memref<80x125xi32, #tpu.memory_space<vmem>> -> memref<1x125xi32, #tpu.memory_space<vmem>>
      %dma_start3A_21 = tpu.memref_squeeze %dma_start3A_20 : memref<1x125xi32, #tpu.memory_space<vmem>> -> memref<125xi32, #tpu.memory_space<vmem>>
      %dma_start3A_22 = arith.constant 0 : i32
      %dma_start3A_23 = arith.constant 0 : i32
      %dma_start3A_24 = tpu.memref_slice %arg6[%dma_start3A_22, %dma_start3A_23] : memref<10000x160xbf16, #tpu.memory_space<hbm>> -> memref<10000x160xbf16, #tpu.memory_space<hbm>>
      tpu.enqueue_indirect_dma source(%dma_start3A_24 : memref<10000x160xbf16, #tpu.memory_space<hbm>>) target(%arg11 : memref<125x160xbf16, #tpu.memory_space<vmem>>) offsets(%dma_start3A_21 : memref<125xi32, #tpu.memory_space<vmem>>) semaphore(%arg16 : memref<!tpu.dma_semaphore, #tpu.memory_space<semaphore_mem>>)
      %dma_start3A_25 = arith.constant 1 : i32
      %dma_start3A_26 = arith.constant 0 : i32
      %dma_start3A_27 = tpu.memref_slice %arg9[%dma_start3A_25, %dma_start3A_26] : memref<80x125xi32, #tpu.memory_space<vmem>> -> memref<1x125xi32, #tpu.memory_space<vmem>>
      %dma_start3A_28 = tpu.memref_squeeze %dma_start3A_27 : memref<1x125xi32, #tpu.memory_space<vmem>> -> memref<125xi32, #tpu.memory_space<vmem>>
      %dma_start3A_29 = arith.constant 0 : i32
      %dma_start3A_30 = arith.constant 0 : i32
      %dma_start3A_31 = tpu.memref_slice %arg6[%dma_start3A_29, %dma_start3A_30] : memref<10000x160xbf16, #tpu.memory_space<hbm>> -> memref<10000x160xbf16, #tpu.memory_space<hbm>>
      tpu.enqueue_indirect_dma source(%dma_start3A_31 : memref<10000x160xbf16, #tpu.memory_space<hbm>>) target(%arg12 : memref<125x160xbf16, #tpu.memory_space<vmem>>) offsets(%dma_start3A_28 : memref<125xi32, #tpu.memory_space<vmem>>) semaphore(%arg17 : memref<!tpu.dma_semaphore, #tpu.memory_space<semaphore_mem>>)
      %dma_start3A_32 = arith.constant 2 : i32
      %dma_start3A_33 = arith.constant 0 : i32
      %dma_start3A_34 = tpu.memref_slice %arg9[%dma_start3A_32, %dma_start3A_33] : memref<80x125xi32, #tpu.memory_space<vmem>> -> memref<1x125xi32, #tpu.memory_space<vmem>>
      %dma_start3A_35 = tpu.memref_squeeze %dma_start3A_34 : memref<1x125xi32, #tpu.memory_space<vmem>> -> memref<125xi32, #tpu.memory_space<vmem>>
      %dma_start3A_36 = arith.constant 0 : i32
      %dma_start3A_37 = arith.constant 0 : i32
      %dma_start3A_38 = tpu.memref_slice %arg6[%dma_start3A_36, %dma_start3A_37] : memref<10000x160xbf16, #tpu.memory_space<hbm>> -> memref<10000x160xbf16, #tpu.memory_space<hbm>>
      tpu.enqueue_indirect_dma source(%dma_start3A_38 : memref<10000x160xbf16, #tpu.memory_space<hbm>>) target(%arg13 : memref<125x160xbf16, #tpu.memory_space<vmem>>) offsets(%dma_start3A_35 : memref<125xi32, #tpu.memory_space<vmem>>) semaphore(%arg18 : memref<!tpu.dma_semaphore, #tpu.memory_space<semaphore_mem>>)
      %scan3A = arith.constant 0 : i32
      %scan3A_39 = arith.constant 0 : i32
      %scan3A_40 = arith.constant 20 : i32
      %scan3A_41 = arith.addi %scan3A_39, %scan3A_40 : i32
      %scan3A_42 = arith.constant 1 : i32
      scf.for %scan3A_44 = %scan3A_39 to %scan3A_41 step %scan3A_42  : i32 {
        %mul3A_45 = arith.constant 4 : i32
        %mul3A_46 = arith.muli %scan3A_44, %mul3A_45 : i32
        %add3A = arith.constant 0 : i32
        %add3A_47 = arith.addi %mul3A_46, %add3A : i32
        %dma_wait3A = arith.constant 0 : i32
        %dma_wait3A_48 = tpu.memref_slice %arg9[%add3A_47, %dma_wait3A] : memref<80x125xi32, #tpu.memory_space<vmem>> -> memref<1x125xi32, #tpu.memory_space<vmem>>
        %dma_wait3A_49 = tpu.memref_squeeze %dma_wait3A_48 : memref<1x125xi32, #tpu.memory_space<vmem>> -> memref<125xi32, #tpu.memory_space<vmem>>
        %dma_wait3A_50 = arith.constant 0 : i32
        %dma_wait3A_51 = arith.constant 0 : i32
        %dma_wait3A_52 = tpu.memref_slice %arg6[%dma_wait3A_50, %dma_wait3A_51] : memref<10000x160xbf16, #tpu.memory_space<hbm>> -> memref<10000x160xbf16, #tpu.memory_space<hbm>>
        tpu.wait_indirect_dma semaphore(%arg16 : memref<!tpu.dma_semaphore, #tpu.memory_space<semaphore_mem>>) src(%dma_wait3A_52 : memref<10000x160xbf16, #tpu.memory_space<hbm>>) dst(%arg11 : memref<125x160xbf16, #tpu.memory_space<vmem>>)
        %add3A_53 = arith.constant 4 : i32
        %add3A_54 = arith.addi %add3A_47, %add3A_53 : i32
        %sub3A = arith.constant 1 : i32
        %sub3A_55 = arith.subi %add3A_54, %sub3A : i32
        %lt3A = arith.constant 80 : i32
        %lt3A_56 = arith.cmpi slt, %sub3A_55, %lt3A : i32
        %convert_element_type3A_57 = arith.extui %lt3A_56 : i1 to i32
        %cond3A_58 = arith.constant 0 : i32
        %cond3A_59 = arith.cmpi ne, %convert_element_type3A_57, %cond3A_58 : i32
        scf.if %cond3A_59 {
          %add3A_117 = arith.constant 4 : i32
          %add3A_118 = arith.addi %add3A_47, %add3A_117 : i32
          %sub3A_119 = arith.constant 1 : i32
          %sub3A_120 = arith.subi %add3A_118, %sub3A_119 : i32
          %dma_start3A_121 = arith.constant 0 : i32
          %dma_start3A_122 = tpu.memref_slice %arg9[%sub3A_120, %dma_start3A_121] : memref<80x125xi32, #tpu.memory_space<vmem>> -> memref<1x125xi32, #tpu.memory_space<vmem>>
          %dma_start3A_123 = tpu.memref_squeeze %dma_start3A_122 : memref<1x125xi32, #tpu.memory_space<vmem>> -> memref<125xi32, #tpu.memory_space<vmem>>
          %dma_start3A_124 = arith.constant 0 : i32
          %dma_start3A_125 = arith.constant 0 : i32
          %dma_start3A_126 = tpu.memref_slice %arg6[%dma_start3A_124, %dma_start3A_125] : memref<10000x160xbf16, #tpu.memory_space<hbm>> -> memref<10000x160xbf16, #tpu.memory_space<hbm>>
          tpu.enqueue_indirect_dma source(%dma_start3A_126 : memref<10000x160xbf16, #tpu.memory_space<hbm>>) target(%arg14 : memref<125x160xbf16, #tpu.memory_space<vmem>>) offsets(%dma_start3A_123 : memref<125xi32, #tpu.memory_space<vmem>>) semaphore(%arg19 : memref<!tpu.dma_semaphore, #tpu.memory_space<semaphore_mem>>)
        } else {
        }
        "tpu.region"() ({
          %run_scoped3A = tpu.sem_alloc : memref<!tpu.dma_semaphore, #tpu.memory_space<semaphore_mem>>
          %dma_start3A_117 = arith.constant 0 : i32
          %dma_start3A_118 = tpu.memref_slice %arg10[%add3A_47, %dma_start3A_117] : memref<80x125xi32, #tpu.memory_space<vmem>> -> memref<1x125xi32, #tpu.memory_space<vmem>>
          %dma_start3A_119 = tpu.memref_squeeze %dma_start3A_118 : memref<1x125xi32, #tpu.memory_space<vmem>> -> memref<125xi32, #tpu.memory_space<vmem>>
          %dma_start3A_120 = arith.constant 0 : i32
          %dma_start3A_121 = arith.constant 0 : i32
          %dma_start3A_122 = tpu.memref_slice %arg15[%dma_start3A_120, %dma_start3A_121] : memref<10000x160xbf16, #tpu.memory_space<vmem_shared>> -> memref<10000x160xbf16, #tpu.memory_space<vmem_shared>>
          tpu.enqueue_indirect_dma source(%arg11 : memref<125x160xbf16, #tpu.memory_space<vmem>>) target(%dma_start3A_122 : memref<10000x160xbf16, #tpu.memory_space<vmem_shared>>) offsets(%dma_start3A_119 : memref<125xi32, #tpu.memory_space<vmem>>) semaphore(%run_scoped3A : memref<!tpu.dma_semaphore, #tpu.memory_space<semaphore_mem>>) {add = true}
          %dma_wait3A_123 = arith.constant 0 : i32
          %dma_wait3A_124 = tpu.memref_slice %arg10[%add3A_47, %dma_wait3A_123] : memref<80x125xi32, #tpu.memory_space<vmem>> -> memref<1x125xi32, #tpu.memory_space<vmem>>
          %dma_wait3A_125 = tpu.memref_squeeze %dma_wait3A_124 : memref<1x125xi32, #tpu.memory_space<vmem>> -> memref<125xi32, #tpu.memory_space<vmem>>
          %dma_wait3A_126 = arith.constant 0 : i32
          %dma_wait3A_127 = arith.constant 0 : i32
          %dma_wait3A_128 = tpu.memref_slice %arg15[%dma_wait3A_126, %dma_wait3A_127] : memref<10000x160xbf16, #tpu.memory_space<vmem_shared>> -> memref<10000x160xbf16, #tpu.memory_space<vmem_shared>>
          tpu.wait_indirect_dma semaphore(%run_scoped3A : memref<!tpu.dma_semaphore, #tpu.memory_space<semaphore_mem>>) src(%arg11 : memref<125x160xbf16, #tpu.memory_space<vmem>>) dst(%dma_wait3A_128 : memref<10000x160xbf16, #tpu.memory_space<vmem_shared>>)
          tpu.yield
        }) : () -> ()
        %mul3A_60 = arith.constant 4 : i32
        %mul3A_61 = arith.muli %scan3A_44, %mul3A_60 : i32
        %add3A_62 = arith.constant 1 : i32
        %add3A_63 = arith.addi %mul3A_61, %add3A_62 : i32
        %dma_wait3A_64 = arith.constant 0 : i32
        %dma_wait3A_65 = tpu.memref_slice %arg9[%add3A_63, %dma_wait3A_64] : memref<80x125xi32, #tpu.memory_space<vmem>> -> memref<1x125xi32, #tpu.memory_space<vmem>>
        %dma_wait3A_66 = tpu.memref_squeeze %dma_wait3A_65 : memref<1x125xi32, #tpu.memory_space<vmem>> -> memref<125xi32, #tpu.memory_space<vmem>>
        %dma_wait3A_67 = arith.constant 0 : i32
        %dma_wait3A_68 = arith.constant 0 : i32
        %dma_wait3A_69 = tpu.memref_slice %arg6[%dma_wait3A_67, %dma_wait3A_68] : memref<10000x160xbf16, #tpu.memory_space<hbm>> -> memref<10000x160xbf16, #tpu.memory_space<hbm>>
        tpu.wait_indirect_dma semaphore(%arg17 : memref<!tpu.dma_semaphore, #tpu.memory_space<semaphore_mem>>) src(%dma_wait3A_69 : memref<10000x160xbf16, #tpu.memory_space<hbm>>) dst(%arg12 : memref<125x160xbf16, #tpu.memory_space<vmem>>)
        %add3A_70 = arith.constant 4 : i32
        %add3A_71 = arith.addi %add3A_63, %add3A_70 : i32
        %sub3A_72 = arith.constant 1 : i32
        %sub3A_73 = arith.subi %add3A_71, %sub3A_72 : i32
        %lt3A_74 = arith.constant 80 : i32
        %lt3A_75 = arith.cmpi slt, %sub3A_73, %lt3A_74 : i32
        %convert_element_type3A_76 = arith.extui %lt3A_75 : i1 to i32
        %cond3A_77 = arith.constant 0 : i32
        %cond3A_78 = arith.cmpi ne, %convert_element_type3A_76, %cond3A_77 : i32
        scf.if %cond3A_78 {
          %add3A_117 = arith.constant 4 : i32
          %add3A_118 = arith.addi %add3A_63, %add3A_117 : i32
          %sub3A_119 = arith.constant 1 : i32
          %sub3A_120 = arith.subi %add3A_118, %sub3A_119 : i32
          %dma_start3A_121 = arith.constant 0 : i32
          %dma_start3A_122 = tpu.memref_slice %arg9[%sub3A_120, %dma_start3A_121] : memref<80x125xi32, #tpu.memory_space<vmem>> -> memref<1x125xi32, #tpu.memory_space<vmem>>
          %dma_start3A_123 = tpu.memref_squeeze %dma_start3A_122 : memref<1x125xi32, #tpu.memory_space<vmem>> -> memref<125xi32, #tpu.memory_space<vmem>>
          %dma_start3A_124 = arith.constant 0 : i32
          %dma_start3A_125 = arith.constant 0 : i32
          %dma_start3A_126 = tpu.memref_slice %arg6[%dma_start3A_124, %dma_start3A_125] : memref<10000x160xbf16, #tpu.memory_space<hbm>> -> memref<10000x160xbf16, #tpu.memory_space<hbm>>
          tpu.enqueue_indirect_dma source(%dma_start3A_126 : memref<10000x160xbf16, #tpu.memory_space<hbm>>) target(%arg11 : memref<125x160xbf16, #tpu.memory_space<vmem>>) offsets(%dma_start3A_123 : memref<125xi32, #tpu.memory_space<vmem>>) semaphore(%arg16 : memref<!tpu.dma_semaphore, #tpu.memory_space<semaphore_mem>>)
        } else {
        }
        "tpu.region"() ({
          %run_scoped3A = tpu.sem_alloc : memref<!tpu.dma_semaphore, #tpu.memory_space<semaphore_mem>>
          %dma_start3A_117 = arith.constant 0 : i32
          %dma_start3A_118 = tpu.memref_slice %arg10[%add3A_63, %dma_start3A_117] : memref<80x125xi32, #tpu.memory_space<vmem>> -> memref<1x125xi32, #tpu.memory_space<vmem>>
          %dma_start3A_119 = tpu.memref_squeeze %dma_start3A_118 : memref<1x125xi32, #tpu.memory_space<vmem>> -> memref<125xi32, #tpu.memory_space<vmem>>
          %dma_start3A_120 = arith.constant 0 : i32
          %dma_start3A_121 = arith.constant 0 : i32
          %dma_start3A_122 = tpu.memref_slice %arg15[%dma_start3A_120, %dma_start3A_121] : memref<10000x160xbf16, #tpu.memory_space<vmem_shared>> -> memref<10000x160xbf16, #tpu.memory_space<vmem_shared>>
          tpu.enqueue_indirect_dma source(%arg12 : memref<125x160xbf16, #tpu.memory_space<vmem>>) target(%dma_start3A_122 : memref<10000x160xbf16, #tpu.memory_space<vmem_shared>>) offsets(%dma_start3A_119 : memref<125xi32, #tpu.memory_space<vmem>>) semaphore(%run_scoped3A : memref<!tpu.dma_semaphore, #tpu.memory_space<semaphore_mem>>) {add = true}
          %dma_wait3A_123 = arith.constant 0 : i32
          %dma_wait3A_124 = tpu.memref_slice %arg10[%add3A_63, %dma_wait3A_123] : memref<80x125xi32, #tpu.memory_space<vmem>> -> memref<1x125xi32, #tpu.memory_space<vmem>>
          %dma_wait3A_125 = tpu.memref_squeeze %dma_wait3A_124 : memref<1x125xi32, #tpu.memory_space<vmem>> -> memref<125xi32, #tpu.memory_space<vmem>>
          %dma_wait3A_126 = arith.constant 0 : i32
          %dma_wait3A_127 = arith.constant 0 : i32
          %dma_wait3A_128 = tpu.memref_slice %arg15[%dma_wait3A_126, %dma_wait3A_127] : memref<10000x160xbf16, #tpu.memory_space<vmem_shared>> -> memref<10000x160xbf16, #tpu.memory_space<vmem_shared>>
          tpu.wait_indirect_dma semaphore(%run_scoped3A : memref<!tpu.dma_semaphore, #tpu.memory_space<semaphore_mem>>) src(%arg12 : memref<125x160xbf16, #tpu.memory_space<vmem>>) dst(%dma_wait3A_128 : memref<10000x160xbf16, #tpu.memory_space<vmem_shared>>)
          tpu.yield
        }) : () -> ()
        %mul3A_79 = arith.constant 4 : i32
        %mul3A_80 = arith.muli %scan3A_44, %mul3A_79 : i32
        %add3A_81 = arith.constant 2 : i32
        %add3A_82 = arith.addi %mul3A_80, %add3A_81 : i32
        %dma_wait3A_83 = arith.constant 0 : i32
        %dma_wait3A_84 = tpu.memref_slice %arg9[%add3A_82, %dma_wait3A_83] : memref<80x125xi32, #tpu.memory_space<vmem>> -> memref<1x125xi32, #tpu.memory_space<vmem>>
        %dma_wait3A_85 = tpu.memref_squeeze %dma_wait3A_84 : memref<1x125xi32, #tpu.memory_space<vmem>> -> memref<125xi32, #tpu.memory_space<vmem>>
        %dma_wait3A_86 = arith.constant 0 : i32
        %dma_wait3A_87 = arith.constant 0 : i32
        %dma_wait3A_88 = tpu.memref_slice %arg6[%dma_wait3A_86, %dma_wait3A_87] : memref<10000x160xbf16, #tpu.memory_space<hbm>> -> memref<10000x160xbf16, #tpu.memory_space<hbm>>
        tpu.wait_indirect_dma semaphore(%arg18 : memref<!tpu.dma_semaphore, #tpu.memory_space<semaphore_mem>>) src(%dma_wait3A_88 : memref<10000x160xbf16, #tpu.memory_space<hbm>>) dst(%arg13 : memref<125x160xbf16, #tpu.memory_space<vmem>>)
        %add3A_89 = arith.constant 4 : i32
        %add3A_90 = arith.addi %add3A_82, %add3A_89 : i32
        %sub3A_91 = arith.constant 1 : i32
        %sub3A_92 = arith.subi %add3A_90, %sub3A_91 : i32
        %lt3A_93 = arith.constant 80 : i32
        %lt3A_94 = arith.cmpi slt, %sub3A_92, %lt3A_93 : i32
        %convert_element_type3A_95 = arith.extui %lt3A_94 : i1 to i32
        %cond3A_96 = arith.constant 0 : i32
        %cond3A_97 = arith.cmpi ne, %convert_element_type3A_95, %cond3A_96 : i32
        scf.if %cond3A_97 {
          %add3A_117 = arith.constant 4 : i32
          %add3A_118 = arith.addi %add3A_82, %add3A_117 : i32
          %sub3A_119 = arith.constant 1 : i32
          %sub3A_120 = arith.subi %add3A_118, %sub3A_119 : i32
          %dma_start3A_121 = arith.constant 0 : i32
          %dma_start3A_122 = tpu.memref_slice %arg9[%sub3A_120, %dma_start3A_121] : memref<80x125xi32, #tpu.memory_space<vmem>> -> memref<1x125xi32, #tpu.memory_space<vmem>>
          %dma_start3A_123 = tpu.memref_squeeze %dma_start3A_122 : memref<1x125xi32, #tpu.memory_space<vmem>> -> memref<125xi32, #tpu.memory_space<vmem>>
          %dma_start3A_124 = arith.constant 0 : i32
          %dma_start3A_125 = arith.constant 0 : i32
          %dma_start3A_126 = tpu.memref_slice %arg6[%dma_start3A_124, %dma_start3A_125] : memref<10000x160xbf16, #tpu.memory_space<hbm>> -> memref<10000x160xbf16, #tpu.memory_space<hbm>>
          tpu.enqueue_indirect_dma source(%dma_start3A_126 : memref<10000x160xbf16, #tpu.memory_space<hbm>>) target(%arg12 : memref<125x160xbf16, #tpu.memory_space<vmem>>) offsets(%dma_start3A_123 : memref<125xi32, #tpu.memory_space<vmem>>) semaphore(%arg17 : memref<!tpu.dma_semaphore, #tpu.memory_space<semaphore_mem>>)
        } else {
        }
        "tpu.region"() ({
          %run_scoped3A = tpu.sem_alloc : memref<!tpu.dma_semaphore, #tpu.memory_space<semaphore_mem>>
          %dma_start3A_117 = arith.constant 0 : i32
          %dma_start3A_118 = tpu.memref_slice %arg10[%add3A_82, %dma_start3A_117] : memref<80x125xi32, #tpu.memory_space<vmem>> -> memref<1x125xi32, #tpu.memory_space<vmem>>
          %dma_start3A_119 = tpu.memref_squeeze %dma_start3A_118 : memref<1x125xi32, #tpu.memory_space<vmem>> -> memref<125xi32, #tpu.memory_space<vmem>>
          %dma_start3A_120 = arith.constant 0 : i32
          %dma_start3A_121 = arith.constant 0 : i32
          %dma_start3A_122 = tpu.memref_slice %arg15[%dma_start3A_120, %dma_start3A_121] : memref<10000x160xbf16, #tpu.memory_space<vmem_shared>> -> memref<10000x160xbf16, #tpu.memory_space<vmem_shared>>
          tpu.enqueue_indirect_dma source(%arg13 : memref<125x160xbf16, #tpu.memory_space<vmem>>) target(%dma_start3A_122 : memref<10000x160xbf16, #tpu.memory_space<vmem_shared>>) offsets(%dma_start3A_119 : memref<125xi32, #tpu.memory_space<vmem>>) semaphore(%run_scoped3A : memref<!tpu.dma_semaphore, #tpu.memory_space<semaphore_mem>>) {add = true}
          %dma_wait3A_123 = arith.constant 0 : i32
          %dma_wait3A_124 = tpu.memref_slice %arg10[%add3A_82, %dma_wait3A_123] : memref<80x125xi32, #tpu.memory_space<vmem>> -> memref<1x125xi32, #tpu.memory_space<vmem>>
          %dma_wait3A_125 = tpu.memref_squeeze %dma_wait3A_124 : memref<1x125xi32, #tpu.memory_space<vmem>> -> memref<125xi32, #tpu.memory_space<vmem>>
          %dma_wait3A_126 = arith.constant 0 : i32
          %dma_wait3A_127 = arith.constant 0 : i32
          %dma_wait3A_128 = tpu.memref_slice %arg15[%dma_wait3A_126, %dma_wait3A_127] : memref<10000x160xbf16, #tpu.memory_space<vmem_shared>> -> memref<10000x160xbf16, #tpu.memory_space<vmem_shared>>
          tpu.wait_indirect_dma semaphore(%run_scoped3A : memref<!tpu.dma_semaphore, #tpu.memory_space<semaphore_mem>>) src(%arg13 : memref<125x160xbf16, #tpu.memory_space<vmem>>) dst(%dma_wait3A_128 : memref<10000x160xbf16, #tpu.memory_space<vmem_shared>>)
          tpu.yield
        }) : () -> ()
        %mul3A_98 = arith.constant 4 : i32
        %mul3A_99 = arith.muli %scan3A_44, %mul3A_98 : i32
        %add3A_100 = arith.constant 3 : i32
        %add3A_101 = arith.addi %mul3A_99, %add3A_100 : i32
        %dma_wait3A_102 = arith.constant 0 : i32
        %dma_wait3A_103 = tpu.memref_slice %arg9[%add3A_101, %dma_wait3A_102] : memref<80x125xi32, #tpu.memory_space<vmem>> -> memref<1x125xi32, #tpu.memory_space<vmem>>
        %dma_wait3A_104 = tpu.memref_squeeze %dma_wait3A_103 : memref<1x125xi32, #tpu.memory_space<vmem>> -> memref<125xi32, #tpu.memory_space<vmem>>
        %dma_wait3A_105 = arith.constant 0 : i32
        %dma_wait3A_106 = arith.constant 0 : i32
        %dma_wait3A_107 = tpu.memref_slice %arg6[%dma_wait3A_105, %dma_wait3A_106] : memref<10000x160xbf16, #tpu.memory_space<hbm>> -> memref<10000x160xbf16, #tpu.memory_space<hbm>>
        tpu.wait_indirect_dma semaphore(%arg19 : memref<!tpu.dma_semaphore, #tpu.memory_space<semaphore_mem>>) src(%dma_wait3A_107 : memref<10000x160xbf16, #tpu.memory_space<hbm>>) dst(%arg14 : memref<125x160xbf16, #tpu.memory_space<vmem>>)
        %add3A_108 = arith.constant 4 : i32
        %add3A_109 = arith.addi %add3A_101, %add3A_108 : i32
        %sub3A_110 = arith.constant 1 : i32
        %sub3A_111 = arith.subi %add3A_109, %sub3A_110 : i32
        %lt3A_112 = arith.constant 80 : i32
        %lt3A_113 = arith.cmpi slt, %sub3A_111, %lt3A_112 : i32
        %convert_element_type3A_114 = arith.extui %lt3A_113 : i1 to i32
        %cond3A_115 = arith.constant 0 : i32
        %cond3A_116 = arith.cmpi ne, %convert_element_type3A_114, %cond3A_115 : i32
        scf.if %cond3A_116 {
          %add3A_117 = arith.constant 4 : i32
          %add3A_118 = arith.addi %add3A_101, %add3A_117 : i32
          %sub3A_119 = arith.constant 1 : i32
          %sub3A_120 = arith.subi %add3A_118, %sub3A_119 : i32
          %dma_start3A_121 = arith.constant 0 : i32
          %dma_start3A_122 = tpu.memref_slice %arg9[%sub3A_120, %dma_start3A_121] : memref<80x125xi32, #tpu.memory_space<vmem>> -> memref<1x125xi32, #tpu.memory_space<vmem>>
          %dma_start3A_123 = tpu.memref_squeeze %dma_start3A_122 : memref<1x125xi32, #tpu.memory_space<vmem>> -> memref<125xi32, #tpu.memory_space<vmem>>
          %dma_start3A_124 = arith.constant 0 : i32
          %dma_start3A_125 = arith.constant 0 : i32
          %dma_start3A_126 = tpu.memref_slice %arg6[%dma_start3A_124, %dma_start3A_125] : memref<10000x160xbf16, #tpu.memory_space<hbm>> -> memref<10000x160xbf16, #tpu.memory_space<hbm>>
          tpu.enqueue_indirect_dma source(%dma_start3A_126 : memref<10000x160xbf16, #tpu.memory_space<hbm>>) target(%arg13 : memref<125x160xbf16, #tpu.memory_space<vmem>>) offsets(%dma_start3A_123 : memref<125xi32, #tpu.memory_space<vmem>>) semaphore(%arg18 : memref<!tpu.dma_semaphore, #tpu.memory_space<semaphore_mem>>)
        } else {
        }
        "tpu.region"() ({
          %run_scoped3A = tpu.sem_alloc : memref<!tpu.dma_semaphore, #tpu.memory_space<semaphore_mem>>
          %dma_start3A_117 = arith.constant 0 : i32
          %dma_start3A_118 = tpu.memref_slice %arg10[%add3A_101, %dma_start3A_117] : memref<80x125xi32, #tpu.memory_space<vmem>> -> memref<1x125xi32, #tpu.memory_space<vmem>>
          %dma_start3A_119 = tpu.memref_squeeze %dma_start3A_118 : memref<1x125xi32, #tpu.memory_space<vmem>> -> memref<125xi32, #tpu.memory_space<vmem>>
          %dma_start3A_120 = arith.constant 0 : i32
          %dma_start3A_121 = arith.constant 0 : i32
          %dma_start3A_122 = tpu.memref_slice %arg15[%dma_start3A_120, %dma_start3A_121] : memref<10000x160xbf16, #tpu.memory_space<vmem_shared>> -> memref<10000x160xbf16, #tpu.memory_space<vmem_shared>>
          tpu.enqueue_indirect_dma source(%arg14 : memref<125x160xbf16, #tpu.memory_space<vmem>>) target(%dma_start3A_122 : memref<10000x160xbf16, #tpu.memory_space<vmem_shared>>) offsets(%dma_start3A_119 : memref<125xi32, #tpu.memory_space<vmem>>) semaphore(%run_scoped3A : memref<!tpu.dma_semaphore, #tpu.memory_space<semaphore_mem>>) {add = true}
          %dma_wait3A_123 = arith.constant 0 : i32
          %dma_wait3A_124 = tpu.memref_slice %arg10[%add3A_101, %dma_wait3A_123] : memref<80x125xi32, #tpu.memory_space<vmem>> -> memref<1x125xi32, #tpu.memory_space<vmem>>
          %dma_wait3A_125 = tpu.memref_squeeze %dma_wait3A_124 : memref<1x125xi32, #tpu.memory_space<vmem>> -> memref<125xi32, #tpu.memory_space<vmem>>
          %dma_wait3A_126 = arith.constant 0 : i32
          %dma_wait3A_127 = arith.constant 0 : i32
          %dma_wait3A_128 = tpu.memref_slice %arg15[%dma_wait3A_126, %dma_wait3A_127] : memref<10000x160xbf16, #tpu.memory_space<vmem_shared>> -> memref<10000x160xbf16, #tpu.memory_space<vmem_shared>>
          tpu.wait_indirect_dma semaphore(%run_scoped3A : memref<!tpu.dma_semaphore, #tpu.memory_space<semaphore_mem>>) src(%arg14 : memref<125x160xbf16, #tpu.memory_space<vmem>>) dst(%dma_wait3A_128 : memref<10000x160xbf16, #tpu.memory_space<vmem_shared>>)
          tpu.yield
        }) : () -> ()
      }
      %scan3A_43 = arith.constant 20 : i32
    } else {
    }
    %barrier3A_8 = arith.constant 0 : index
    tpu.barrier barrier_id(%barrier3A_8)
    %eq3A_9 = arith.constant 0 : i32
    %eq3A_10 = arith.cmpi eq, %arg0, %eq3A_9 : i32
    %convert_element_type3A_11 = arith.extui %eq3A_10 : i1 to i32
    %cond3A_12 = arith.constant 0 : i32
    %cond3A_13 = arith.cmpi ne, %convert_element_type3A_11, %cond3A_12 : i32
    scf.if %cond3A_13 {
      %mul3A_19 = arith.constant 625 : i32
      %mul3A_20 = arith.muli %arg1, %mul3A_19 : i32
      %mul3A_21 = arith.constant 625 : i32
      %mul3A_22 = arith.muli %arg1, %mul3A_21 : i32
      "tpu.region"() ({
        %run_scoped3A = tpu.sem_alloc : memref<!tpu.dma_semaphore, #tpu.memory_space<semaphore_mem>>
        %dma_start3A = arith.constant 0 : i32
        %dma_start3A_23 = tpu.memref_slice %arg7[%mul3A_22, %dma_start3A] : memref<10000x160xbf16, #tpu.memory_space<hbm>> -> memref<625x160xbf16, #tpu.memory_space<hbm>>
        %dma_start3A_24 = arith.constant 0 : i32
        %dma_start3A_25 = tpu.memref_slice %arg15[%mul3A_20, %dma_start3A_24] : memref<10000x160xbf16, #tpu.memory_space<vmem_shared>> -> memref<625x160xbf16, #tpu.memory_space<vmem_shared>>
        tpu.enqueue_dma source(%dma_start3A_25 : memref<625x160xbf16, #tpu.memory_space<vmem_shared>>) target(%dma_start3A_23 : memref<625x160xbf16, #tpu.memory_space<hbm>>) target_semaphore(%run_scoped3A : memref<!tpu.dma_semaphore, #tpu.memory_space<semaphore_mem>>)
        %dma_wait3A = arith.constant 0 : i32
        %dma_wait3A_26 = tpu.memref_slice %arg7[%mul3A_22, %dma_wait3A] : memref<10000x160xbf16, #tpu.memory_space<hbm>> -> memref<625x160xbf16, #tpu.memory_space<hbm>>
        %dma_wait3A_27 = arith.constant 0 : i32
        %dma_wait3A_28 = tpu.memref_slice %arg15[%mul3A_20, %dma_wait3A_27] : memref<10000x160xbf16, #tpu.memory_space<vmem_shared>> -> memref<625x160xbf16, #tpu.memory_space<vmem_shared>>
        tpu.wait_dma2 semaphore(%run_scoped3A : memref<!tpu.dma_semaphore, #tpu.memory_space<semaphore_mem>>) src(%dma_wait3A_28 : memref<625x160xbf16, #tpu.memory_space<vmem_shared>>) dst(%dma_wait3A_26 : memref<625x160xbf16, #tpu.memory_space<hbm>>)
        tpu.yield
      }) : () -> ()
    } else {
    }
    %eq3A_14 = arith.constant 1 : i32
    %eq3A_15 = arith.cmpi eq, %arg0, %eq3A_14 : i32
    %convert_element_type3A_16 = arith.extui %eq3A_15 : i1 to i32
    %cond3A_17 = arith.constant 0 : i32
    %cond3A_18 = arith.cmpi ne, %convert_element_type3A_16, %cond3A_17 : i32
    scf.if %cond3A_18 {
      %mul3A_19 = arith.constant 625 : i32
      %mul3A_20 = arith.muli %arg1, %mul3A_19 : i32
      %mul3A_21 = arith.constant 625 : i32
      %mul3A_22 = arith.muli %arg1, %mul3A_21 : i32
      "tpu.region"() ({
        %run_scoped3A = tpu.sem_alloc : memref<!tpu.dma_semaphore, #tpu.memory_space<semaphore_mem>>
        %dma_start3A = arith.constant 0 : i32
        %dma_start3A_23 = tpu.memref_slice %arg8[%mul3A_22, %dma_start3A] : memref<10000x160xbf16, #tpu.memory_space<hbm>> -> memref<625x160xbf16, #tpu.memory_space<hbm>>
        %dma_start3A_24 = arith.constant 0 : i32
        %dma_start3A_25 = tpu.memref_slice %arg15[%mul3A_20, %dma_start3A_24] : memref<10000x160xbf16, #tpu.memory_space<vmem_shared>> -> memref<625x160xbf16, #tpu.memory_space<vmem_shared>>
        tpu.enqueue_dma source(%dma_start3A_25 : memref<625x160xbf16, #tpu.memory_space<vmem_shared>>) target(%dma_start3A_23 : memref<625x160xbf16, #tpu.memory_space<hbm>>) target_semaphore(%run_scoped3A : memref<!tpu.dma_semaphore, #tpu.memory_space<semaphore_mem>>)
        %dma_wait3A = arith.constant 0 : i32
        %dma_wait3A_26 = tpu.memref_slice %arg8[%mul3A_22, %dma_wait3A] : memref<10000x160xbf16, #tpu.memory_space<hbm>> -> memref<625x160xbf16, #tpu.memory_space<hbm>>
        %dma_wait3A_27 = arith.constant 0 : i32
        %dma_wait3A_28 = tpu.memref_slice %arg15[%mul3A_20, %dma_wait3A_27] : memref<10000x160xbf16, #tpu.memory_space<vmem_shared>> -> memref<625x160xbf16, #tpu.memory_space<vmem_shared>>
        tpu.wait_dma2 semaphore(%run_scoped3A : memref<!tpu.dma_semaphore, #tpu.memory_space<semaphore_mem>>) src(%dma_wait3A_28 : memref<625x160xbf16, #tpu.memory_space<vmem_shared>>) dst(%dma_wait3A_26 : memref<625x160xbf16, #tpu.memory_space<hbm>>)
        tpu.yield
      }) : () -> ()
    } else {
    }
    return
  }
}

module attributes {stable_mosaic.version = 14 : i64} {
  func.func @_lift_msg_body(%arg0: i32, %arg1: memref<1000x119xf32, #tpu.memory_space<vmem>>, %arg2: memref<119x300xbf16, #tpu.memory_space<vmem>>, %arg3: memref<1x300xf32, #tpu.memory_space<vmem>>, %arg4: memref<300x160xbf16, #tpu.memory_space<vmem>>, %arg5: memref<1x160xf32, #tpu.memory_space<vmem>>, %arg6: memref<300x160xbf16, #tpu.memory_space<vmem>>, %arg7: memref<1x160xf32, #tpu.memory_space<vmem>>, %arg8: memref<1000x160xbf16, #tpu.memory_space<vmem>>, %arg9: memref<1000x160xbf16, #tpu.memory_space<vmem>>) attributes {dimension_semantics = [#tpu.dimension_semantics<arbitrary>], iteration_bounds = array<i64: 10>, scalar_prefetch = 0 : i64, scratch_operands = 0 : i64, tpu.core_type = #tpu.core_type<tc>, window_params = [{transform_indices = @transform_0, window_bounds = array<i64: 1000, 119>}, {pipeline_mode = #tpu.pipeline_mode<synchronous>, transform_indices = @transform_1, window_bounds = array<i64: 119, 300>}, {pipeline_mode = #tpu.pipeline_mode<synchronous>, transform_indices = @transform_2, window_bounds = array<i64: 1, 300>}, {pipeline_mode = #tpu.pipeline_mode<synchronous>, transform_indices = @transform_3, window_bounds = array<i64: 300, 160>}, {pipeline_mode = #tpu.pipeline_mode<synchronous>, transform_indices = @transform_4, window_bounds = array<i64: 1, 160>}, {pipeline_mode = #tpu.pipeline_mode<synchronous>, transform_indices = @transform_5, window_bounds = array<i64: 300, 160>}, {pipeline_mode = #tpu.pipeline_mode<synchronous>, transform_indices = @transform_6, window_bounds = array<i64: 1, 160>}, {transform_indices = @transform_7, window_bounds = array<i64: 1000, 160>}, {transform_indices = @transform_8, window_bounds = array<i64: 1000, 160>}]} {
    %get3A = arith.constant 0 : index
    %get3A_0 = arith.constant 0 : index
    %get3A_1 = vector.load %arg1[%get3A, %get3A_0] : memref<1000x119xf32, #tpu.memory_space<vmem>>, vector<1000x119xf32>
    %convert_element_type3A = arith.truncf %get3A_1 : vector<1000x119xf32> to vector<1000x119xbf16>
    %get3A_2 = arith.constant 0 : index
    %get3A_3 = arith.constant 0 : index
    %get3A_4 = vector.load %arg2[%get3A_2, %get3A_3] : memref<119x300xbf16, #tpu.memory_space<vmem>>, vector<119x300xbf16>
    %dot_general3A = arith.constant dense<0.000000e+00> : vector<1000x300xf32>
    %dot_general3A_5 = tpu.matmul %convert_element_type3A, %get3A_4, %dot_general3A {dimension_numbers = #tpu.dot_dimension_numbers<[1], [0], [0], [1], [0, 0, 1, 1], [], []>, transpose_lhs_hint = false} : vector<1000x119xbf16>, vector<119x300xbf16>, vector<1000x300xf32> -> vector<1000x300xf32>
    %get3A_6 = arith.constant 0 : index
    %get3A_7 = arith.constant 0 : index
    %get3A_8 = vector.load %arg3[%get3A_6, %get3A_7] : memref<1x300xf32, #tpu.memory_space<vmem>>, vector<1x300xf32>
    %add3A = vector.broadcast %get3A_8 : vector<1x300xf32> to vector<1000x300xf32>
    %add3A_9 = arith.addf %dot_general3A_5, %add3A : vector<1000x300xf32>
    %convert_element_type3A_10 = arith.truncf %add3A_9 : vector<1000x300xf32> to vector<1000x300xbf16>
    %get3A_11 = arith.constant 0 : index
    %get3A_12 = arith.constant 0 : index
    %get3A_13 = vector.load %arg4[%get3A_11, %get3A_12] : memref<300x160xbf16, #tpu.memory_space<vmem>>, vector<300x160xbf16>
    %dot_general3A_14 = arith.constant dense<0.000000e+00> : vector<1000x160xf32>
    %dot_general3A_15 = tpu.matmul %convert_element_type3A_10, %get3A_13, %dot_general3A_14 {dimension_numbers = #tpu.dot_dimension_numbers<[1], [0], [0], [1], [0, 0, 1, 1], [], []>, transpose_lhs_hint = false} : vector<1000x300xbf16>, vector<300x160xbf16>, vector<1000x160xf32> -> vector<1000x160xf32>
    %get3A_16 = arith.constant 0 : index
    %get3A_17 = arith.constant 0 : index
    %get3A_18 = vector.load %arg5[%get3A_16, %get3A_17] : memref<1x160xf32, #tpu.memory_space<vmem>>, vector<1x160xf32>
    %add3A_19 = vector.broadcast %get3A_18 : vector<1x160xf32> to vector<1000x160xf32>
    %add3A_20 = arith.addf %dot_general3A_15, %add3A_19 : vector<1000x160xf32>
    %max3A = arith.constant 0.000000e+00 : f32
    %max3A_21 = vector.broadcast %max3A : f32 to vector<1000x160xf32>
    %max3A_22 = arith.maximumf %add3A_20, %max3A_21 : vector<1000x160xf32>
    %convert_element_type3A_23 = arith.truncf %max3A_22 : vector<1000x160xf32> to vector<1000x160xbf16>
    %swap3A = arith.constant 0 : index
    %swap3A_24 = arith.constant 0 : index
    %swap3A_25 = vector.load %arg8[%swap3A, %swap3A_24] : memref<1000x160xbf16, #tpu.memory_space<vmem>>, vector<1000x160xbf16>
    tpu.vector_store %arg8[%swap3A, %swap3A_24], %convert_element_type3A_23 {strides = array<i32>} : memref<1000x160xbf16, #tpu.memory_space<vmem>>, vector<1000x160xbf16>,
    %get3A_26 = arith.constant 0 : index
    %get3A_27 = arith.constant 0 : index
    %get3A_28 = vector.load %arg6[%get3A_26, %get3A_27] : memref<300x160xbf16, #tpu.memory_space<vmem>>, vector<300x160xbf16>
    %dot_general3A_29 = arith.constant dense<0.000000e+00> : vector<1000x160xf32>
    %dot_general3A_30 = tpu.matmul %convert_element_type3A_10, %get3A_28, %dot_general3A_29 {dimension_numbers = #tpu.dot_dimension_numbers<[1], [0], [0], [1], [0, 0, 1, 1], [], []>, transpose_lhs_hint = false} : vector<1000x300xbf16>, vector<300x160xbf16>, vector<1000x160xf32> -> vector<1000x160xf32>
    %get3A_31 = arith.constant 0 : index
    %get3A_32 = arith.constant 0 : index
    %get3A_33 = vector.load %arg7[%get3A_31, %get3A_32] : memref<1x160xf32, #tpu.memory_space<vmem>>, vector<1x160xf32>
    %add3A_34 = vector.broadcast %get3A_33 : vector<1x160xf32> to vector<1000x160xf32>
    %add3A_35 = arith.addf %dot_general3A_30, %add3A_34 : vector<1000x160xf32>
    %max3A_36 = arith.constant 0.000000e+00 : f32
    %max3A_37 = vector.broadcast %max3A_36 : f32 to vector<1000x160xf32>
    %max3A_38 = arith.maximumf %add3A_35, %max3A_37 : vector<1000x160xf32>
    %convert_element_type3A_39 = arith.truncf %max3A_38 : vector<1000x160xf32> to vector<1000x160xbf16>
    %swap3A_40 = arith.constant 0 : index
    %swap3A_41 = arith.constant 0 : index
    %swap3A_42 = vector.load %arg9[%swap3A_40, %swap3A_41] : memref<1000x160xbf16, #tpu.memory_space<vmem>>, vector<1000x160xbf16>
    tpu.vector_store %arg9[%swap3A_40, %swap3A_41], %convert_element_type3A_39 {strides = array<i32>} : memref<1000x160xbf16, #tpu.memory_space<vmem>>, vector<1000x160xbf16>,
    return
  }
  func.func @transform_0(%arg0: i32) -> (i32, i32) {
    %c0_i32 = arith.constant 0 : i32
    %c0_i32_0 = arith.constant 0 : i32
    return %arg0, %c0_i32 : i32, i32
  }
  func.func @transform_1(%arg0: i32) -> (i32, i32) {
    %c0_i32 = arith.constant 0 : i32
    %c0_i32_0 = arith.constant 0 : i32
    %c0_i32_1 = arith.constant 0 : i32
    return %c0_i32, %c0_i32_0 : i32, i32
  }
  func.func @transform_2(%arg0: i32) -> (i32, i32) {
    %c0_i32 = arith.constant 0 : i32
    %c0_i32_0 = arith.constant 0 : i32
    %c0_i32_1 = arith.constant 0 : i32
    return %c0_i32, %c0_i32_0 : i32, i32
  }
  func.func @transform_3(%arg0: i32) -> (i32, i32) {
    %c0_i32 = arith.constant 0 : i32
    %c0_i32_0 = arith.constant 0 : i32
    %c0_i32_1 = arith.constant 0 : i32
    return %c0_i32, %c0_i32_0 : i32, i32
  }
  func.func @transform_4(%arg0: i32) -> (i32, i32) {
    %c0_i32 = arith.constant 0 : i32
    %c0_i32_0 = arith.constant 0 : i32
    %c0_i32_1 = arith.constant 0 : i32
    return %c0_i32, %c0_i32_0 : i32, i32
  }
  func.func @transform_5(%arg0: i32) -> (i32, i32) {
    %c0_i32 = arith.constant 0 : i32
    %c0_i32_0 = arith.constant 0 : i32
    %c0_i32_1 = arith.constant 0 : i32
    return %c0_i32, %c0_i32_0 : i32, i32
  }
  func.func @transform_6(%arg0: i32) -> (i32, i32) {
    %c0_i32 = arith.constant 0 : i32
    %c0_i32_0 = arith.constant 0 : i32
    %c0_i32_1 = arith.constant 0 : i32
    return %c0_i32, %c0_i32_0 : i32, i32
  }
  func.func @transform_7(%arg0: i32) -> (i32, i32) {
    %c0_i32 = arith.constant 0 : i32
    %c0_i32_0 = arith.constant 0 : i32
    return %arg0, %c0_i32 : i32, i32
  }
  func.func @transform_8(%arg0: i32) -> (i32, i32) {
    %c0_i32 = arith.constant 0 : i32
    %c0_i32_0 = arith.constant 0 : i32
    return %arg0, %c0_i32 : i32, i32
  }
}

module attributes {stable_mosaic.version = 14 : i64} {
  func.func @_mid_body(%arg0: i32, %arg1: memref<1000x160xbf16, #tpu.memory_space<vmem>>, %arg2: memref<1000x160xbf16, #tpu.memory_space<vmem>>, %arg3: memref<160x300xbf16, #tpu.memory_space<vmem>>, %arg4: memref<160x300xbf16, #tpu.memory_space<vmem>>, %arg5: memref<1x300xf32, #tpu.memory_space<vmem>>, %arg6: memref<300x160xbf16, #tpu.memory_space<vmem>>, %arg7: memref<1x160xf32, #tpu.memory_space<vmem>>, %arg8: memref<300x160xbf16, #tpu.memory_space<vmem>>, %arg9: memref<1x160xf32, #tpu.memory_space<vmem>>, %arg10: memref<1000x160xbf16, #tpu.memory_space<vmem>>, %arg11: memref<1000x160xbf16, #tpu.memory_space<vmem>>) attributes {dimension_semantics = [#tpu.dimension_semantics<arbitrary>], iteration_bounds = array<i64: 10>, scalar_prefetch = 0 : i64, scratch_operands = 0 : i64, tpu.core_type = #tpu.core_type<tc>, window_params = [{transform_indices = @transform_0, window_bounds = array<i64: 1000, 160>}, {transform_indices = @transform_1, window_bounds = array<i64: 1000, 160>}, {pipeline_mode = #tpu.pipeline_mode<synchronous>, transform_indices = @transform_2, window_bounds = array<i64: 160, 300>}, {pipeline_mode = #tpu.pipeline_mode<synchronous>, transform_indices = @transform_3, window_bounds = array<i64: 160, 300>}, {pipeline_mode = #tpu.pipeline_mode<synchronous>, transform_indices = @transform_4, window_bounds = array<i64: 1, 300>}, {pipeline_mode = #tpu.pipeline_mode<synchronous>, transform_indices = @transform_5, window_bounds = array<i64: 300, 160>}, {pipeline_mode = #tpu.pipeline_mode<synchronous>, transform_indices = @transform_6, window_bounds = array<i64: 1, 160>}, {pipeline_mode = #tpu.pipeline_mode<synchronous>, transform_indices = @transform_7, window_bounds = array<i64: 300, 160>}, {pipeline_mode = #tpu.pipeline_mode<synchronous>, transform_indices = @transform_8, window_bounds = array<i64: 1, 160>}, {transform_indices = @transform_9, window_bounds = array<i64: 1000, 160>}, {transform_indices = @transform_10, window_bounds = array<i64: 1000, 160>}]} {
    %get3A = arith.constant 0 : index
    %get3A_0 = arith.constant 0 : index
    %get3A_1 = vector.load %arg1[%get3A, %get3A_0] : memref<1000x160xbf16, #tpu.memory_space<vmem>>, vector<1000x160xbf16>
    %get3A_2 = arith.constant 0 : index
    %get3A_3 = arith.constant 0 : index
    %get3A_4 = vector.load %arg3[%get3A_2, %get3A_3] : memref<160x300xbf16, #tpu.memory_space<vmem>>, vector<160x300xbf16>
    %dot_general3A = arith.constant dense<0.000000e+00> : vector<1000x300xf32>
    %dot_general3A_5 = tpu.matmul %get3A_1, %get3A_4, %dot_general3A {dimension_numbers = #tpu.dot_dimension_numbers<[1], [0], [0], [1], [0, 0, 1, 1], [], []>, transpose_lhs_hint = false} : vector<1000x160xbf16>, vector<160x300xbf16>, vector<1000x300xf32> -> vector<1000x300xf32>
    %get3A_6 = arith.constant 0 : index
    %get3A_7 = arith.constant 0 : index
    %get3A_8 = vector.load %arg2[%get3A_6, %get3A_7] : memref<1000x160xbf16, #tpu.memory_space<vmem>>, vector<1000x160xbf16>
    %get3A_9 = arith.constant 0 : index
    %get3A_10 = arith.constant 0 : index
    %get3A_11 = vector.load %arg4[%get3A_9, %get3A_10] : memref<160x300xbf16, #tpu.memory_space<vmem>>, vector<160x300xbf16>
    %dot_general3A_12 = arith.constant dense<0.000000e+00> : vector<1000x300xf32>
    %dot_general3A_13 = tpu.matmul %get3A_8, %get3A_11, %dot_general3A_12 {dimension_numbers = #tpu.dot_dimension_numbers<[1], [0], [0], [1], [0, 0, 1, 1], [], []>, transpose_lhs_hint = false} : vector<1000x160xbf16>, vector<160x300xbf16>, vector<1000x300xf32> -> vector<1000x300xf32>
    %add3A = arith.addf %dot_general3A_5, %dot_general3A_13 : vector<1000x300xf32>
    %get3A_14 = arith.constant 0 : index
    %get3A_15 = arith.constant 0 : index
    %get3A_16 = vector.load %arg5[%get3A_14, %get3A_15] : memref<1x300xf32, #tpu.memory_space<vmem>>, vector<1x300xf32>
    %add3A_17 = vector.broadcast %get3A_16 : vector<1x300xf32> to vector<1000x300xf32>
    %add3A_18 = arith.addf %add3A, %add3A_17 : vector<1000x300xf32>
    %max3A = arith.constant 0.000000e+00 : f32
    %max3A_19 = vector.broadcast %max3A : f32 to vector<1000x300xf32>
    %max3A_20 = arith.maximumf %add3A_18, %max3A_19 : vector<1000x300xf32>
    %convert_element_type3A = arith.truncf %max3A_20 : vector<1000x300xf32> to vector<1000x300xbf16>
    %get3A_21 = arith.constant 0 : index
    %get3A_22 = arith.constant 0 : index
    %get3A_23 = vector.load %arg6[%get3A_21, %get3A_22] : memref<300x160xbf16, #tpu.memory_space<vmem>>, vector<300x160xbf16>
    %dot_general3A_24 = arith.constant dense<0.000000e+00> : vector<1000x160xf32>
    %dot_general3A_25 = tpu.matmul %convert_element_type3A, %get3A_23, %dot_general3A_24 {dimension_numbers = #tpu.dot_dimension_numbers<[1], [0], [0], [1], [0, 0, 1, 1], [], []>, transpose_lhs_hint = false} : vector<1000x300xbf16>, vector<300x160xbf16>, vector<1000x160xf32> -> vector<1000x160xf32>
    %get3A_26 = arith.constant 0 : index
    %get3A_27 = arith.constant 0 : index
    %get3A_28 = vector.load %arg7[%get3A_26, %get3A_27] : memref<1x160xf32, #tpu.memory_space<vmem>>, vector<1x160xf32>
    %add3A_29 = vector.broadcast %get3A_28 : vector<1x160xf32> to vector<1000x160xf32>
    %add3A_30 = arith.addf %dot_general3A_25, %add3A_29 : vector<1000x160xf32>
    %max3A_31 = arith.constant 0.000000e+00 : f32
    %max3A_32 = vector.broadcast %max3A_31 : f32 to vector<1000x160xf32>
    %max3A_33 = arith.maximumf %add3A_30, %max3A_32 : vector<1000x160xf32>
    %convert_element_type3A_34 = arith.truncf %max3A_33 : vector<1000x160xf32> to vector<1000x160xbf16>
    %swap3A = arith.constant 0 : index
    %swap3A_35 = arith.constant 0 : index
    %swap3A_36 = vector.load %arg10[%swap3A, %swap3A_35] : memref<1000x160xbf16, #tpu.memory_space<vmem>>, vector<1000x160xbf16>
    tpu.vector_store %arg10[%swap3A, %swap3A_35], %convert_element_type3A_34 {strides = array<i32>} : memref<1000x160xbf16, #tpu.memory_space<vmem>>, vector<1000x160xbf16>,
    %get3A_37 = arith.constant 0 : index
    %get3A_38 = arith.constant 0 : index
    %get3A_39 = vector.load %arg8[%get3A_37, %get3A_38] : memref<300x160xbf16, #tpu.memory_space<vmem>>, vector<300x160xbf16>
    %dot_general3A_40 = arith.constant dense<0.000000e+00> : vector<1000x160xf32>
    %dot_general3A_41 = tpu.matmul %convert_element_type3A, %get3A_39, %dot_general3A_40 {dimension_numbers = #tpu.dot_dimension_numbers<[1], [0], [0], [1], [0, 0, 1, 1], [], []>, transpose_lhs_hint = false} : vector<1000x300xbf16>, vector<300x160xbf16>, vector<1000x160xf32> -> vector<1000x160xf32>
    %get3A_42 = arith.constant 0 : index
    %get3A_43 = arith.constant 0 : index
    %get3A_44 = vector.load %arg9[%get3A_42, %get3A_43] : memref<1x160xf32, #tpu.memory_space<vmem>>, vector<1x160xf32>
    %add3A_45 = vector.broadcast %get3A_44 : vector<1x160xf32> to vector<1000x160xf32>
    %add3A_46 = arith.addf %dot_general3A_41, %add3A_45 : vector<1000x160xf32>
    %max3A_47 = arith.constant 0.000000e+00 : f32
    %max3A_48 = vector.broadcast %max3A_47 : f32 to vector<1000x160xf32>
    %max3A_49 = arith.maximumf %add3A_46, %max3A_48 : vector<1000x160xf32>
    %convert_element_type3A_50 = arith.truncf %max3A_49 : vector<1000x160xf32> to vector<1000x160xbf16>
    %swap3A_51 = arith.constant 0 : index
    %swap3A_52 = arith.constant 0 : index
    %swap3A_53 = vector.load %arg11[%swap3A_51, %swap3A_52] : memref<1000x160xbf16, #tpu.memory_space<vmem>>, vector<1000x160xbf16>
    tpu.vector_store %arg11[%swap3A_51, %swap3A_52], %convert_element_type3A_50 {strides = array<i32>} : memref<1000x160xbf16, #tpu.memory_space<vmem>>, vector<1000x160xbf16>,
    return
  }
  func.func @transform_0(%arg0: i32) -> (i32, i32) {
    %c0_i32 = arith.constant 0 : i32
    %c0_i32_0 = arith.constant 0 : i32
    return %arg0, %c0_i32 : i32, i32
  }
  func.func @transform_1(%arg0: i32) -> (i32, i32) {
    %c0_i32 = arith.constant 0 : i32
    %c0_i32_0 = arith.constant 0 : i32
    return %arg0, %c0_i32 : i32, i32
  }
  func.func @transform_2(%arg0: i32) -> (i32, i32) {
    %c0_i32 = arith.constant 0 : i32
    %c0_i32_0 = arith.constant 0 : i32
    %c0_i32_1 = arith.constant 0 : i32
    return %c0_i32, %c0_i32_0 : i32, i32
  }
  func.func @transform_3(%arg0: i32) -> (i32, i32) {
    %c0_i32 = arith.constant 0 : i32
    %c0_i32_0 = arith.constant 0 : i32
    %c0_i32_1 = arith.constant 0 : i32
    return %c0_i32, %c0_i32_0 : i32, i32
  }
  func.func @transform_4(%arg0: i32) -> (i32, i32) {
    %c0_i32 = arith.constant 0 : i32
    %c0_i32_0 = arith.constant 0 : i32
    %c0_i32_1 = arith.constant 0 : i32
    return %c0_i32, %c0_i32_0 : i32, i32
  }
  func.func @transform_5(%arg0: i32) -> (i32, i32) {
    %c0_i32 = arith.constant 0 : i32
    %c0_i32_0 = arith.constant 0 : i32
    %c0_i32_1 = arith.constant 0 : i32
    return %c0_i32, %c0_i32_0 : i32, i32
  }
  func.func @transform_6(%arg0: i32) -> (i32, i32) {
    %c0_i32 = arith.constant 0 : i32
    %c0_i32_0 = arith.constant 0 : i32
    %c0_i32_1 = arith.constant 0 : i32
    return %c0_i32, %c0_i32_0 : i32, i32
  }
  func.func @transform_7(%arg0: i32) -> (i32, i32) {
    %c0_i32 = arith.constant 0 : i32
    %c0_i32_0 = arith.constant 0 : i32
    %c0_i32_1 = arith.constant 0 : i32
    return %c0_i32, %c0_i32_0 : i32, i32
  }
  func.func @transform_8(%arg0: i32) -> (i32, i32) {
    %c0_i32 = arith.constant 0 : i32
    %c0_i32_0 = arith.constant 0 : i32
    %c0_i32_1 = arith.constant 0 : i32
    return %c0_i32, %c0_i32_0 : i32, i32
  }
  func.func @transform_9(%arg0: i32) -> (i32, i32) {
    %c0_i32 = arith.constant 0 : i32
    %c0_i32_0 = arith.constant 0 : i32
    return %arg0, %c0_i32 : i32, i32
  }
  func.func @transform_10(%arg0: i32) -> (i32, i32) {
    %c0_i32 = arith.constant 0 : i32
    %c0_i32_0 = arith.constant 0 : i32
    return %arg0, %c0_i32 : i32, i32
  }
}

module attributes {stable_mosaic.version = 14 : i64} {
  func.func @_readout_body(%arg0: i32, %arg1: memref<1000x160xbf16, #tpu.memory_space<vmem>>, %arg2: memref<1000x160xbf16, #tpu.memory_space<vmem>>, %arg3: memref<160x300xbf16, #tpu.memory_space<vmem>>, %arg4: memref<160x300xbf16, #tpu.memory_space<vmem>>, %arg5: memref<1x300xf32, #tpu.memory_space<vmem>>, %arg6: memref<300x128xf32, #tpu.memory_space<vmem>>, %arg7: memref<1x128xf32, #tpu.memory_space<vmem>>, %arg8: memref<1000x1xi32, #tpu.memory_space<vmem>>, %arg9: memref<16x128xf32, #tpu.memory_space<vmem>>) attributes {dimension_semantics = [#tpu.dimension_semantics<arbitrary>], iteration_bounds = array<i64: 10>, scalar_prefetch = 0 : i64, scratch_operands = 0 : i64, tpu.core_type = #tpu.core_type<tc>, window_params = [{transform_indices = @transform_0, window_bounds = array<i64: 1000, 160>}, {transform_indices = @transform_1, window_bounds = array<i64: 1000, 160>}, {pipeline_mode = #tpu.pipeline_mode<synchronous>, transform_indices = @transform_2, window_bounds = array<i64: 160, 300>}, {pipeline_mode = #tpu.pipeline_mode<synchronous>, transform_indices = @transform_3, window_bounds = array<i64: 160, 300>}, {pipeline_mode = #tpu.pipeline_mode<synchronous>, transform_indices = @transform_4, window_bounds = array<i64: 1, 300>}, {pipeline_mode = #tpu.pipeline_mode<synchronous>, transform_indices = @transform_5, window_bounds = array<i64: 300, 128>}, {pipeline_mode = #tpu.pipeline_mode<synchronous>, transform_indices = @transform_6, window_bounds = array<i64: 1, 128>}, {transform_indices = @transform_7, window_bounds = array<i64: 1000, 1>}, {pipeline_mode = #tpu.pipeline_mode<synchronous>, transform_indices = @transform_8, window_bounds = array<i64: 16, 128>}]} {
    %get3A = arith.constant 0 : index
    %get3A_0 = arith.constant 0 : index
    %get3A_1 = vector.load %arg1[%get3A, %get3A_0] : memref<1000x160xbf16, #tpu.memory_space<vmem>>, vector<1000x160xbf16>
    %get3A_2 = arith.constant 0 : index
    %get3A_3 = arith.constant 0 : index
    %get3A_4 = vector.load %arg3[%get3A_2, %get3A_3] : memref<160x300xbf16, #tpu.memory_space<vmem>>, vector<160x300xbf16>
    %dot_general3A = arith.constant dense<0.000000e+00> : vector<1000x300xf32>
    %dot_general3A_5 = tpu.matmul %get3A_1, %get3A_4, %dot_general3A {dimension_numbers = #tpu.dot_dimension_numbers<[1], [0], [0], [1], [0, 0, 1, 1], [], []>, transpose_lhs_hint = false} : vector<1000x160xbf16>, vector<160x300xbf16>, vector<1000x300xf32> -> vector<1000x300xf32>
    %get3A_6 = arith.constant 0 : index
    %get3A_7 = arith.constant 0 : index
    %get3A_8 = vector.load %arg2[%get3A_6, %get3A_7] : memref<1000x160xbf16, #tpu.memory_space<vmem>>, vector<1000x160xbf16>
    %get3A_9 = arith.constant 0 : index
    %get3A_10 = arith.constant 0 : index
    %get3A_11 = vector.load %arg4[%get3A_9, %get3A_10] : memref<160x300xbf16, #tpu.memory_space<vmem>>, vector<160x300xbf16>
    %dot_general3A_12 = arith.constant dense<0.000000e+00> : vector<1000x300xf32>
    %dot_general3A_13 = tpu.matmul %get3A_8, %get3A_11, %dot_general3A_12 {dimension_numbers = #tpu.dot_dimension_numbers<[1], [0], [0], [1], [0, 0, 1, 1], [], []>, transpose_lhs_hint = false} : vector<1000x160xbf16>, vector<160x300xbf16>, vector<1000x300xf32> -> vector<1000x300xf32>
    %add3A = arith.addf %dot_general3A_5, %dot_general3A_13 : vector<1000x300xf32>
    %get3A_14 = arith.constant 0 : index
    %get3A_15 = arith.constant 0 : index
    %get3A_16 = vector.load %arg5[%get3A_14, %get3A_15] : memref<1x300xf32, #tpu.memory_space<vmem>>, vector<1x300xf32>
    %add3A_17 = vector.broadcast %get3A_16 : vector<1x300xf32> to vector<1000x300xf32>
    %add3A_18 = arith.addf %add3A, %add3A_17 : vector<1000x300xf32>
    %max3A = arith.constant 0.000000e+00 : f32
    %max3A_19 = vector.broadcast %max3A : f32 to vector<1000x300xf32>
    %max3A_20 = arith.maximumf %add3A_18, %max3A_19 : vector<1000x300xf32>
    %get3A_21 = arith.constant 0 : index
    %get3A_22 = arith.constant 0 : index
    %get3A_23 = vector.load %arg6[%get3A_21, %get3A_22] : memref<300x128xf32, #tpu.memory_space<vmem>>, vector<300x128xf32>
    %dot_general3A_24 = arith.constant dense<0.000000e+00> : vector<1000x128xf32>
    %dot_general3A_25 = tpu.matmul %max3A_20, %get3A_23, %dot_general3A_24 {dimension_numbers = #tpu.dot_dimension_numbers<[1], [0], [0], [1], [0, 0, 1, 1], [], []>, transpose_lhs_hint = false} : vector<1000x300xf32>, vector<300x128xf32>, vector<1000x128xf32> -> vector<1000x128xf32>
    %get3A_26 = arith.constant 0 : index
    %get3A_27 = arith.constant 0 : index
    %get3A_28 = vector.load %arg7[%get3A_26, %get3A_27] : memref<1x128xf32, #tpu.memory_space<vmem>>, vector<1x128xf32>
    %add3A_29 = vector.broadcast %get3A_28 : vector<1x128xf32> to vector<1000x128xf32>
    %add3A_30 = arith.addf %dot_general3A_25, %add3A_29 : vector<1000x128xf32>
    %iota3A = tpu.iota {dimensions = array<i32: 1>} : vector<1000x16xi32>
    %get3A_31 = arith.constant 0 : index
    %get3A_32 = arith.constant 0 : index
    %get3A_33 = vector.load %arg8[%get3A_31, %get3A_32] : memref<1000x1xi32, #tpu.memory_space<vmem>>, vector<1000x1xi32>
    %eq3A = vector.broadcast %get3A_33 : vector<1000x1xi32> to vector<1000x16xi32>
    %eq3A_34 = arith.cmpi eq, %eq3A, %iota3A : vector<1000x16xi32>
    %convert_element_type3A = arith.extui %eq3A_34 : vector<1000x16xi1> to vector<1000x16xi32>
    %convert_element_type3A_35 = arith.sitofp %convert_element_type3A : vector<1000x16xi32> to vector<1000x16xf32>
    %dot_general3A_36 = arith.constant dense<0.000000e+00> : vector<16x128xf32>
    %dot_general3A_37 = tpu.matmul %convert_element_type3A_35, %add3A_30, %dot_general3A_36 {dimension_numbers = #tpu.dot_dimension_numbers<[0], [0], [1], [1], [0, 1, 1, 1], [], []>, transpose_lhs_hint = false} : vector<1000x16xf32>, vector<1000x128xf32>, vector<16x128xf32> -> vector<16x128xf32>
    %eq3A_38 = arith.constant 0 : i32
    %eq3A_39 = arith.cmpi eq, %arg0, %eq3A_38 : i32
    %convert_element_type3A_40 = arith.extui %eq3A_39 : i1 to i32
    %cond3A = arith.constant 0 : i32
    %cond3A_41 = arith.cmpi ne, %convert_element_type3A_40, %cond3A : i32
    scf.if %cond3A_41 {
      %broadcast_in_dim3A = arith.constant 0.000000e+00 : f32
      %broadcast_in_dim3A_48 = vector.broadcast %broadcast_in_dim3A : f32 to vector<16x128xf32>
      %swap3A_49 = arith.constant 0 : index
      %swap3A_50 = arith.constant 0 : index
      %swap3A_51 = vector.load %arg9[%swap3A_49, %swap3A_50] : memref<16x128xf32, #tpu.memory_space<vmem>>, vector<16x128xf32>
      tpu.vector_store %arg9[%swap3A_49, %swap3A_50], %broadcast_in_dim3A_48 {strides = array<i32>} : memref<16x128xf32, #tpu.memory_space<vmem>>, vector<16x128xf32>,
    } else {
    }
    %get3A_42 = arith.constant 0 : index
    %get3A_43 = arith.constant 0 : index
    %get3A_44 = vector.load %arg9[%get3A_42, %get3A_43] : memref<16x128xf32, #tpu.memory_space<vmem>>, vector<16x128xf32>
    %add3A_45 = arith.addf %get3A_44, %dot_general3A_37 : vector<16x128xf32>
    %swap3A = arith.constant 0 : index
    %swap3A_46 = arith.constant 0 : index
    %swap3A_47 = vector.load %arg9[%swap3A, %swap3A_46] : memref<16x128xf32, #tpu.memory_space<vmem>>, vector<16x128xf32>
    tpu.vector_store %arg9[%swap3A, %swap3A_46], %add3A_45 {strides = array<i32>} : memref<16x128xf32, #tpu.memory_space<vmem>>, vector<16x128xf32>,
    return
  }
  func.func @transform_0(%arg0: i32) -> (i32, i32) {
    %c0_i32 = arith.constant 0 : i32
    %c0_i32_0 = arith.constant 0 : i32
    return %arg0, %c0_i32 : i32, i32
  }
  func.func @transform_1(%arg0: i32) -> (i32, i32) {
    %c0_i32 = arith.constant 0 : i32
    %c0_i32_0 = arith.constant 0 : i32
    return %arg0, %c0_i32 : i32, i32
  }
  func.func @transform_2(%arg0: i32) -> (i32, i32) {
    %c0_i32 = arith.constant 0 : i32
    %c0_i32_0 = arith.constant 0 : i32
    %c0_i32_1 = arith.constant 0 : i32
    return %c0_i32, %c0_i32_0 : i32, i32
  }
  func.func @transform_3(%arg0: i32) -> (i32, i32) {
    %c0_i32 = arith.constant 0 : i32
    %c0_i32_0 = arith.constant 0 : i32
    %c0_i32_1 = arith.constant 0 : i32
    return %c0_i32, %c0_i32_0 : i32, i32
  }
  func.func @transform_4(%arg0: i32) -> (i32, i32) {
    %c0_i32 = arith.constant 0 : i32
    %c0_i32_0 = arith.constant 0 : i32
    %c0_i32_1 = arith.constant 0 : i32
    return %c0_i32, %c0_i32_0 : i32, i32
  }
  func.func @transform_5(%arg0: i32) -> (i32, i32) {
    %c0_i32 = arith.constant 0 : i32
    %c0_i32_0 = arith.constant 0 : i32
    %c0_i32_1 = arith.constant 0 : i32
    return %c0_i32, %c0_i32_0 : i32, i32
  }
  func.func @transform_6(%arg0: i32) -> (i32, i32) {
    %c0_i32 = arith.constant 0 : i32
    %c0_i32_0 = arith.constant 0 : i32
    %c0_i32_1 = arith.constant 0 : i32
    return %c0_i32, %c0_i32_0 : i32, i32
  }
  func.func @transform_7(%arg0: i32) -> (i32, i32) {
    %c0_i32 = arith.constant 0 : i32
    %c0_i32_0 = arith.constant 0 : i32
    return %arg0, %c0_i32 : i32, i32
  }
  func.func @transform_8(%arg0: i32) -> (i32, i32) {
    %c0_i32 = arith.constant 0 : i32
    %c0_i32_0 = arith.constant 0 : i32
    %c0_i32_1 = arith.constant 0 : i32
    return %c0_i32, %c0_i32_0 : i32, i32
  }
}

</mosaic_0001>

<sc_bundles>
// kernel: kernel.12.cloned.1.call-start
scs
__scs_entry_jumppad:
0x0: {  	(pc) =	sbr.rel $0x88, $3  }
0x1: {  	(tag) =	ssettag $0x0;
	lr =	simm.s32 $0x1  }
0x2: {  	[smem:$0x3F8E] =	sst lr;
	_ =	strace $0xD0000000  }
0x3: {  	_ = 	snop  }
0x4: {  	_ = 	snop  }
0x5: {  	_ = 	snop  }
0x6: {  	_ = 	snop  }
0x7: {  	_ = 	snop  }
__scs_overlays_trampoline_lowered:
0x8: {  	[smem:$0x3F9D] =	sst s0  }
0x9: {  	[smem:$0x3F9E] =	sst s1  }
0xa: {  	[smem:$0x3F9F] =	sst s2  }
0xb: {  	[smem:$0x3FA0] =	sst s3  }
0xc: {  	[smem:$0x3FA1] =	sst s4  }
0xd: {  	[smem:$0x3FA2] =	sst s5  }
0xe: {  	[smem:$0x3FA3] =	sst s6  }
0xf: {  	[smem:$0x3FA4] =	sst s7  }
0x10: {  	[smem:$0x3FA5] =	sst s8  }
0x11: {  	[smem:$0x3FA6] =	sst s9;
	s0 =	simm.s32 @!p0 $0x0  }
0x12: {  	s1 =	sld [smem:$0x3F8C];
	s0 =	simm.s32 @p0 $0x1  }
0x13: {  	[smem:$0x3FA7] =	sst s0;
	s0 =	simm.s32 @!p1 $0x0  }
0x14: {  	s2 =	sld [smem:$0x3F8B];
	s0 =	simm.s32 @p1 $0x1  }
0x15: {  	[smem:$0x3FA8] =	sst s0;
	s0 =	simm.s32 @!p2 $0x0  }
0x16: {  	s3 =	sld [smem:$0x3FDB];
	s0 =	simm.s32 @p2 $0x1  }
0x17: {  	s4 =	simm.s32 $0x1BF5;
	[smem:$0x3FAA] =	sst s0  }
0x18: {  	s0 =	sld [smem:$0x3F8D];
	_ =	swait.ge [sflag:s4], $0x0  }
0x19: {  	s7 =	sld [smem:$0x3F8E]  }
0x1a: {  	s8 =	sadd.s32 $0xFFFFE003, lr  }
0x1b: {  	s9 =	sadd.s32 $0xFFFFFEF7, lr;
	s5 =	simm.s32 $0xFFFFFFFF;
	p2 =	slt.u32 s8, $0xFFFFF086  }
0x1c: {  	p1 =	slt.u32 s9, $0xF7A;
	s5 =	simm.s32 @!p2 $0x0  }
0x1d: {  	s5 =	simm.s32 @p1 $0x1;
	p0 =	seq.s32 s7, s2  }
0x1e: {  	s7 =	smul.u32 @!p0 $0xF7A, s2;
	p2 =	seq.s32 @!p0 s5, $0x0  }
0x1f: {  	s9 =	smul.u32 $0xF7A, s1;
	s8 =	simm.s32 @!p0 $0x1BF5;
	p2 =	por !p2, p0  }
0x20: {  	[sflag:s8] =	ssyncset.s32 @!p0 $0xFFFFF086;
	s6 =	sadd.s32 @!p0 s3, s7;
	s7 =	simm.s32 @!p0 $0x108  }
0x21: {  	s3 =	sadd.s32 s3, s9;
	s6 =	sadd.s32 @!p0 $0x88, s6;
	s7 =	simm.s32 @p2 $0x1082  }
0x22: {  	[simem:s7], [sflag:s8] =	dma.local @!p0 [hbm:s6], $0xF7A  }
0x23: {  	s9 =	sor.u32 $0xD0000000, s2;
	s6 =	simm.s32 $0x108;
	_ =	swait.ge @!p0 [sflag:s8], $0x0  }
0x24: {  	s3 =	sadd.s32 $0x88, s3;
	s6 =	simm.s32 @!p1 $0x1082;
	[sflag:s4] =	ssyncset.s32 $0xFFFFF086  }
0x25: {  	[simem:s6], [sflag:s4] =	dma.local [hbm:s3], $0xF7A  }
0x26: {  	[smem:$0x3F8E] =	sst s1;
	(tag) =	ssettag s2;
	_ =	strace s9  }
0x27: {  	s1 =	sld [smem:$0x3F9E]  }
0x28: {  	s2 =	sld [smem:$0x3F9F]  }
0x29: {  	s4 =	sld [smem:$0x3FA1]  }
0x2a: {  	p0 =	seq.s32 s5, $0x0;
	s5 =	sld [smem:$0x3FA2]  }
0x2b: {  	s6 =	sld [smem:$0x3FA3]  }
0x2c: {  	s7 =	sld [smem:$0x3FA4]  }
0x2d: {  	s3 =	simm.s32 $0x108;
	s8 =	sld [smem:$0x3FA5]  }
0x2e: {  	s3 =	simm.s32 @!p0 $0x1082;
	s9 =	sld [smem:$0x3FA6]  }
0x2f: {  	lr =	sadd.s32 s0, s3;
	s0 =	sld [smem:$0x3F9D]  }
0x30: {  	s3 =	sld [smem:$0x3FA0]  }
0x31: {  	[smem:$0x3FA9] =	sst s10  }
0x32: {  	s10 =	sld [smem:$0x3FA7];
	_ =	sdelay $0x3  }
0x33: {  	p0 =	seq.s32 s10, $0x1;
	s10 =	sld [smem:$0x3FA9];
	_ =	sdelay $0x3  }
0x34: {  	[smem:$0x3FA9] =	sst s10  }
0x35: {  	s10 =	sld [smem:$0x3FA8];
	_ =	sdelay $0x3  }
0x36: {  	p1 =	seq.s32 s10, $0x1;
	s10 =	sld [smem:$0x3FA9];
	_ =	sdelay $0x3  }
0x37: {  	[smem:$0x3FA9] =	sst s10  }
0x38: {  	s10 =	sld [smem:$0x3FAA]  }
0x39: {  	_ = 	snop;
	(pc) =	sbr.ind lr, $3  }
0x3a: {  	_ = 	snop  }
0x3b: {  	_ = 	snop  }
0x3c: {  	p2 =	seq.s32 s10, $0x1;
	s10 =	sld [smem:$0x3FA9]  }
0x3d: {  	_ =	shalt  }
0x3e: {  	_ =	shalt  }
0x3f: {  	_ =	shalt  }
0x40: {  	_ =	shalt  }
0x41: {  	_ =	shalt  }
0x42: {  	_ =	shalt  }
0x43: {  	_ =	shalt  }
0x44: {  	_ =	shalt  }
0x45: {  	_ =	shalt  }
0x46: {  	_ =	shalt  }
0x47: {  	_ =	shalt  }
0x48: {  	_ =	shalt  }
0x49: {  	_ =	shalt  }
0x4a: {  	_ =	shalt  }
0x4b: {  	_ =	shalt  }
0x4c: {  	_ =	shalt  }
0x4d: {  	_ =	shalt  }
0x4e: {  	_ =	shalt  }
0x4f: {  	_ =	shalt  }
0x50: {  	_ =	shalt  }
0x51: {  	_ =	shalt  }
0x52: {  	_ =	shalt  }
0x53: {  	_ =	shalt  }
0x54: {  	_ =	shalt  }
0x55: {  	_ =	shalt  }
0x56: {  	_ =	shalt  }
0x57: {  	_ =	shalt  }
0x58: {  	_ =	shalt  }
0x59: {  	_ =	shalt  }
0x5a: {  	_ =	shalt  }
0x5b: {  	_ =	shalt  }
0x5c: {  	_ =	shalt  }
0x5d: {  	_ =	shalt  }
0x5e: {  	_ =	shalt  }
0x5f: {  	_ =	shalt  }
0x60: {  	_ =	shalt  }
0x61: {  	_ =	shalt  }
0x62: {  	_ =	shalt  }
0x63: {  	_ =	shalt  }
0x64: {  	_ =	shalt  }
0x65: {  	_ =	shalt  }
0x66: {  	_ =	shalt  }
0x67: {  	_ =	shalt  }
0x68: {  	_ =	shalt  }
0x69: {  	_ =	shalt  }
0x6a: {  	_ =	shalt  }
0x6b: {  	_ =	shalt  }
0x6c: {  	_ =	shalt  }
0x6d: {  	_ =	shalt  }
0x6e: {  	_ =	shalt  }
0x6f: {  	_ =	shalt  }
0x70: {  	_ =	shalt  }
0x71: {  	_ =	shalt  }
0x72: {  	_ =	shalt  }
0x73: {  	_ =	shalt  }
0x74: {  	_ =	shalt  }
0x75: {  	_ =	shalt  }
0x76: {  	_ =	shalt  }
0x77: {  	_ =	shalt  }
0x78: {  	_ =	shalt  }
0x79: {  	_ =	shalt  }
0x7a: {  	_ =	shalt  }
0x7b: {  	_ =	shalt  }
0x7c: {  	_ =	shalt  }
0x7d: {  	_ =	shalt  }
0x7e: {  	_ =	shalt  }
0x7f: {  	_ =	shalt  }
0x80: {  	_ =	shalt  }
0x81: {  	_ =	shalt  }
0x82: {  	_ =	shalt  }
0x83: {  	_ =	shalt  }
0x84: {  	_ =	shalt  }
0x85: {  	_ =	shalt  }
0x86: {  	_ =	shalt  }
0x87: {  	_ =	shalt  }
.Lfunc_end0:
.L_simem_size_0:
called_computation.1_lowered:
.L_overlay_start_0:
0x88: {  	s2 =	sld [smem:$0x3FD9]  }
0x89: {  	s3 =	sld [smem:$0x3FFE];
	_ =	sdelay $0x1  }
0x8a: {  	s1 =	srdreg.scid  }
0x8b: {  	s0 =	sand.u32 $0x1, s1  }
0x8c: {  	s16 =	sshll.u32 s0, $0xA;
	s2 =	sadd.s32 s3, s2  }
0x8d: {  	s2 =	sadd.s32 s2, s16  }
0x8e: {  	[smem:$0x3FB5] =	sst s2  }
0x8f: {  	_ = 	snop  }
0x90: {  	(tm) =	ssettm $0x1  }
0x91: {  	s17 =	sld [smem:$0x3FFB];
	_ =	sdelay $0x3  }
0x92: {  	_ =	strace s17  }
0x93: {  	s2 =	sld [smem:$0x3FFC];
	_ =	sdelay $0x3  }
0x94: {  	_ =	strace s2  }
0x95: {  	s2 =	sld [smem:$0x3FFD];
	_ =	sdelay $0x3  }
0x96: {  	_ =	strace s2  }
0x97: {  	_ =	strace $0x8FFFFFFF  }
0x98: {  	s18 =	sld [smem:$0x3FDB];
	_ =	sdelay $0x1  }
0x99: {  	s19 =	simm.s32 $_scs_section_size  }
0x9a: {  	s4 =	simm.s32 $_size__tile_overlayer_lowered;
	s5 =	simm.s32 $_tile_overlayer_lowered  }
0x9b: {  	s22 =	simm.s32 $0x1BFF;
	s21 =	sshll.u32 s5, $0x1;
	s2 =	sadd.s32 s19, s18  }
0x9c: {  	s6 =	simm.s32 $0x0;
	s20 =	sshll.u32 s4, $0x1;
	s4 =	sadd.s32 s21, s2  }
0x9d: {  	[timem:s6], [sflag:s22] =	dma.local [hbm:s4], s20  }
0x9e: {  	_ =	swait.ge [sflag:s22], s20  }
0x9f: {  	s3 =	ssub.s32 $0x0, s20;
	[sflag:s22] =	ssyncset.done $0x0  }
0xa0: {  	[sflag:s22] =	ssyncadd.s32 s3;
	_ =	sdelay $0x1  }
0xa1: {  	s23 =	simm.s32 $0x1B8B  }
0xa2: {  	_ =	swait.ge [sflag:s23], $0x1  }
0xa3: {  	[sflag:s23] =	ssyncset.done $0x0  }
0xa4: {  	s25 =	simm.s32 $0x1B8E;
	s24 =	sld [smem:$0x3FFE];
	[sflag:s23] =	ssyncadd.s32 $0xFFFFFFFF  }
0xa5: {  	s26 =	simm.s32 $execute0_lowered;
	[smem:$0x3FD2] =	sst s25  }
0xa6: {  	s4 =	sshll.u32 s26, $0x1;
	_ =	strace $0x80000049;
	[dreg:$0x1] =	wrdreg $0xFFFFFFFF  }
0xa7: {  	s28 =	simm.s32 $_size_execute0_lowered;
	s2 =	sadd.s32 s2, s4;
	[dreg:$0x0] =	wrdreg $0x0  }
0xa8: {  	s4 =	sshll.u32 s28, $0x1;
	[dreg:$0x2] =	wrdreg s2  }
0xa9: {  	[dreg:$0x3] =	wrdreg s4  }
0xaa: {  	[dreg:$0x4] =	wrdreg $0xC0  }
0xab: {  	_ =	task [dreg:s6], $0x5FFFF  }
0xac: {  	[dreg:$0x1] =	wrdreg $0xFFFFFFFF  }
0xad: {  	[dreg:$0x0] =	wrdreg $0x60  }
0xae: {  	[dreg:$0x2] =	wrdreg s24  }
0xaf: {  	[dreg:$0x3] =	wrdreg $0xEC400  }
0xb0: {  	[dreg:$0x4] =	wrdreg $0x9  }
0xb1: {  	_ =	task.clear_ibuf [dreg:s6], $0x5FFFF;
	_ =	strace $0x90000049  }
0xb2: {  	s29 =	simm.s32 $0x9;
	_ =	strace $0x8000004B  }
0xb3: {  	_ =	swait.ge [sflag:s29], $0x1  }
0xb4: {  	[sflag:s29] =	ssyncadd.s32 $0xFFFFFFFF  }
0xb5: {  	_ =	strace $0x9000004B  }
0xb6: {  	_ =	sfence  }
0xb7: {  	s30 =	sld [smem:$0x0];
	_ =	sdelay $0x2  }
0xb8: {  	s31 =	sshll.u32 s1, $0xD;
	s1 =	sshrl.u32 s1, $0x2  }
0xb9: {  	s3 =	sand.u32 $0x4000, s31;
	s1 =	sadd.s32 s1, s30  }
0xba: {  	s0 =	sor.u32 s3, s0;
	s1 =	sshll.u32 s1, $0x11  }
0xbb: {  	s0 =	sor.u32 s1, s0  }
0xbc: {  	s0 =	sadd.s32 $0x8F2B, s0  }
0xbd: {  	[sflag:s0] =	ssyncadd.remote.s32 $0x1  }
0xbe: {  	_ =	sfence.sel $0xFFFF  }
0xbf: {  	[dreg:$0x0] =	wrdreg $0xFFFFFFFF;
	(pc) =	sbr.abs _section_cstart, $3  }
0xc0: {  	[dreg:$0x1] =	wrdreg $0xFFFFFFFF  }
0xc1: {  	_ =	task.clear_ibuf [dreg:s6], $0x2FFFF;
	_ =	strace $0x9FFFFFFF  }
0xc2: {  	(tm) =	ssettm $0x7FFFFFFF  }
0xc3: {  	_ =	shalt  }
tec
execute0_lowered:
.L_overlay_start_1:
0x0: {  	(tag) =	ssettag $0x1  }
0x1: {  	s0 =	rddreg [dreg:$0x0]  }
0x2: {  	s2 =	rddreg [dreg:$0x1];
	s9 =	stileid.u32;
	s3 =	simm.s32 $0x0  }
0x3: {  	s6 =	srdreg.scid;
	s15 =	simm.s32 $0x5;
	s17 =	simm.s32 $0x7D  }
0x4: {  	s18 =	simm.s32 $0x5000;
	s20 =	simm.s32 $0x7710;
	s21 =	simm.s32 $0x100  }
0x5: {  	s22 =	simm.s32 $0x9E20;
	s23 =	simm.s32 $0x1;
	s24 =	simm.s32 $0xC530  }
0x6: {  	s28 =	simm.s32 $0x4;
	s29 =	simm.s32 $0x2780;
	s30 =	simm.s32 $0x4E00  }
0x7: {  	s31 =	simm.s32 $0x4E80;
	s1 =	smul.u32 $0x500, s9;
	[smem:$0x7FF] =	sst s3  }
0x8: {  	s4 =	sadd.s32 $0x3EE00, s0;
	s5 =	sadd.s32 $0x1C600, s0;
	s7 =	sand.u32 $0x1, s6  }
0x9: {  	s6 =	sadd.s32 $0x3E00, s0;
	s12 =	smul.u32 $0x186A0, s9;
	s10 =	sadd.s32 $0x59000, s0  }
0xa: {  	s9 =	sshll.u32 s9, $0x6;
	_ =	strace $0x8000004A;
	s8 =	ssub.s32 $0x2, s7  }
0xb: {  	[dreg:$0x3] =	wrdreg s10;
	s9 =	sor.u32 $0x1C05, s9;
	p0 =	sne.s32 s7, $0x0  }
0xc: {  	s7 =	simm.s32 $0x0;
	s1 =	sadd.s32 s1, s0;
	s0 =	sadd.s32 $0x40800, s0  }
.Ltmp0:
0xd: {  	s25 =	sshrl.u32 s8, $0x1;
	s26 =	sshrl.u32 s12, $0x1;
	(pc) =	sbr.rel .LBB2_1-.Ltmp0, $4  }
0xe: {  	s12 =	sshrl.u32 s12, $0x4;
	[dreg:$0x4] =	wrdreg s0;
	s0 =	ssub.s32 s8, s25  }
0xf: {  	s8 =	sadd.s32 s26, s2;
	s10 =	sadd.s32 $0x39E00, s1;
	s11 =	sadd.s32 $0x34E00, s1  }
0x10: {  	s25 =	simm.s32 $0x2;
	s26 =	simm.s32 $0x3;
	s1 =	simm.s32 $0x4F80  }
0x11: {  	s13 =	smax.u32 s0, $0x1;
	s14 =	sshrl.u32 s8, $0x3;
	s0 =	simm.s32 $0x4F00  }
.LBB2_7:
0x12: {  	[sflag:s15] =	ssyncadd.s32 $0xFFFFD8F0  }
0x13: {  	_ =	swait.ge [sflag:s23], $0x2710  }
0x14: {  	[sflag:s23] =	ssyncset.done $0x0  }
0x15: {  	s8 =	rddreg [dreg:$0x4];
	[sflag:s23] =	ssyncadd.s32 $0xFFFFD8F0  }
0x16: {  	[tilespmem:s24], [sflag:$0x4] =	stream.indirect.gather [hbm4b:s6+s17], $0x50, s29, s17, $0xb8;
	[tilespmem:$0x1AF90] =	vst v63  }
.LBB2_8:
0x17: {  	[spmem:s2] =	stream.indirect.scatter.add.bf16 [tilespmem:s18], [sflag:$0x5], $0x50, s30, s17, $0xb8;
	[tilespmem:$0x1AF90] =	vst v63  }
0x18: {  	_ =	swait.ge [sflag:s15], $0x2710  }
0x19: {  	[sflag:s15] =	ssyncset.done $0x0  }
0x1a: {  	[sflag:s15] =	ssyncadd.s32 $0xFFFFD8F0  }
0x1b: {  	_ =	swait.ge [sflag:s25], $0x2710  }
0x1c: {  	[sflag:s25] =	ssyncset.done $0x0  }
0x1d: {  	[sflag:s25] =	ssyncadd.s32 $0xFFFFD8F0  }
0x1e: {  	[spmem:s2] =	stream.indirect.scatter.add.bf16 [tilespmem:s20], [sflag:$0x5], $0x50, s31, s17, $0xb8;
	[tilespmem:$0x1AF90] =	vst v63  }
0x1f: {  	_ =	swait.ge [sflag:s15], $0x2710  }
0x20: {  	[sflag:s15] =	ssyncset.done $0x0  }
0x21: {  	[sflag:s15] =	ssyncadd.s32 $0xFFFFD8F0  }
0x22: {  	_ =	swait.ge [sflag:s26], $0x2710  }
0x23: {  	[sflag:s26] =	ssyncset.done $0x0  }
0x24: {  	[sflag:s26] =	ssyncadd.s32 $0xFFFFD8F0  }
0x25: {  	[spmem:s2] =	stream.indirect.scatter.add.bf16 [tilespmem:s22], [sflag:$0x5], $0x50, s0, s17, $0xb8;
	[tilespmem:$0x1AF90] =	vst v63  }
0x26: {  	_ =	swait.ge [sflag:s15], $0x2710  }
0x27: {  	[sflag:s15] =	ssyncset.done $0x0  }
0x28: {  	[sflag:s15] =	ssyncadd.s32 $0xFFFFD8F0  }
0x29: {  	_ =	swait.ge [sflag:s28], $0x2710  }
0x2a: {  	[sflag:s28] =	ssyncset.done $0x0  }
0x2b: {  	[sflag:s28] =	ssyncadd.s32 $0xFFFFD8F0  }
0x2c: {  	[spmem:s2] =	stream.indirect.scatter.add.bf16 [tilespmem:s24], [sflag:$0x5], $0x50, s1, s17, $0xb8;
	[tilespmem:$0x1AF90] =	vst v63  }
0x2d: {  	_ =	swait.ge [sflag:s15], $0x2710  }
0x2e: {  	s7 =	sadd.s32 $0x1, s7;
	[sflag:s15] =	ssyncset.done $0x0  }
0x2f: {  	p1 =	sne.s32 s7, s13;
	[sflag:s15] =	ssyncadd.s32 $0xFFFFD8F0  }
.Ltmp1:
0x30: {  	s8 =	sadd.s32 s8, s12;
	[bflag:$0x0] =	sbarrier.arrive $0xFFFF;
	(pc) =	sbr.rel @!p1 .LBB2_9-.Ltmp1, $4  }
0x31: {  	[hbm:s8], [sflag:s9] =	dma.local [spmem:s14], $0x186A  }
0x32: {  	_ =	swait.ge [sflag:s15], $0x186A  }
0x33: {  	[sflag:s15] =	ssyncset.done $0x0  }
0x34: {  	[sflag:s15] =	ssyncadd.s32 $0xFFFFE796  }
.LBB2_1:
0x35: {  	[spmem:s14], [sflag:s9] =	dma.local [hbm:s4], $0x186A  }
0x36: {  	_ =	swait.ge [sflag:s15], $0x186A  }
0x37: {  	[sflag:s15] =	ssyncset.done $0x0  }
0x38: {  	[sflag:s15] =	ssyncadd.s32 $0xFFFFE796  }
0x39: {  	[bflag:$0x0] =	sbarrier.arrive $0xFFFF  }
0x3a: {  	[tilespmem:s3], [sflag:$0x5] =	stream.linear.gather [hbm4b:s10+s3], $0x2800, $0x38;
	[tilespmem:$0x1AF90] =	vst v63  }
0x3b: {  	_ =	swait.ge [sflag:s15], $0x2800  }
0x3c: {  	[sflag:s15] =	ssyncset.done $0x0  }
.Ltmp2:
0x3d: {  	s8 =	simm.s32 $0x2800;
	[sflag:s15] =	ssyncadd.s32 $0xFFFFD800;
	(pc) =	sbr.rel @p0 .LBB2_5-.Ltmp2, $4  }
0x3e: {  	[tilespmem:s8], [sflag:$0x5] =	stream.linear.gather [hbm4b:s11+s3], $0x2800, $0x38;
	[tilespmem:$0x1AF90] =	vst v63  }
0x3f: {  	_ =	swait.ge [sflag:s15], $0x2800  }
0x40: {  	[sflag:s15] =	ssyncset.done $0x0  }
0x41: {  	s8 =	simm.s32 $0x0;
	[sflag:s15] =	ssyncadd.s32 $0xFFFFD800  }
0x42: {  	[tilespmem:s18], [sflag:$0x1] =	stream.indirect.gather [hbm4b:s5+s17], $0x50, s8, s17, $0xb8;
	[tilespmem:$0x1AF90] =	vst v63  }
0x43: {  	s19 =	simm.s32 $0x80  }
0x44: {  	[tilespmem:s20], [sflag:$0x2] =	stream.indirect.gather [hbm4b:s5+s17], $0x50, s19, s17, $0xb8;
	[tilespmem:$0x1AF90] =	vst v63  }
0x45: {  	_ = 	snop  }
0x46: {  	[tilespmem:s22], [sflag:$0x3] =	stream.indirect.gather [hbm4b:s5+s17], $0x50, s21, s17, $0xb8;
	[tilespmem:$0x1AF90] =	vst v63  }
0x47: {  	_ =	swait.ge [sflag:s23], $0x2710  }
0x48: {  	[sflag:s23] =	ssyncset.done $0x0  }
0x49: {  	s16 =	simm.s32 $0x180;
	[sflag:s23] =	ssyncadd.s32 $0xFFFFD8F0  }
0x4a: {  	[tilespmem:s24], [sflag:$0x4] =	stream.indirect.gather [hbm4b:s5+s17], $0x50, s16, s17, $0xb8;
	[tilespmem:$0x1AF90] =	vst v63  }
0x4b: {  	s19 =	simm.s32 $0x2800  }
0x4c: {  	[spmem:s2] =	stream.indirect.scatter.add.bf16 [tilespmem:s18], [sflag:$0x5], $0x50, s19, s17, $0xb8;
	[tilespmem:$0x1AF90] =	vst v63  }
0x4d: {  	_ =	swait.ge [sflag:s15], $0x2710  }
0x4e: {  	[sflag:s15] =	ssyncset.done $0x0  }
0x4f: {  	[sflag:s15] =	ssyncadd.s32 $0xFFFFD8F0  }
0x50: {  	_ =	swait.ge [sflag:s25], $0x2710  }
0x51: {  	[sflag:s25] =	ssyncset.done $0x0  }
0x52: {  	s16 =	simm.s32 $0x200;
	[sflag:s25] =	ssyncadd.s32 $0xFFFFD8F0  }
0x53: {  	[tilespmem:s18], [sflag:$0x1] =	stream.indirect.gather [hbm4b:s5+s17], $0x50, s16, s17, $0xb8;
	[tilespmem:$0x1AF90] =	vst v63  }
0x54: {  	s19 =	simm.s32 $0x2880  }
0x55: {  	[spmem:s2] =	stream.indirect.scatter.add.bf16 [tilespmem:s20], [sflag:$0x5], $0x50, s19, s17, $0xb8;
	[tilespmem:$0x1AF90] =	vst v63  }
0x56: {  	_ =	swait.ge [sflag:s15], $0x2710  }
0x57: {  	[sflag:s15] =	ssyncset.done $0x0  }
0x58: {  	[sflag:s15] =	ssyncadd.s32 $0xFFFFD8F0  }
0x59: {  	_ =	swait.ge [sflag:s26], $0x2710  }
0x5a: {  	[sflag:s26] =	ssyncset.done $0x0  }
0x5b: {  	s16 =	simm.s32 $0x280;
	[sflag:s26] =	ssyncadd.s32 $0xFFFFD8F0  }
0x5c: {  	[tilespmem:s20], [sflag:$0x2] =	stream.indirect.gather [hbm4b:s5+s17], $0x50, s16, s17, $0xb8;
	[tilespmem:$0x1AF90] =	vst v63  }
0x5d: {  	s19 =	simm.s32 $0x2900  }
0x5e: {  	[spmem:s2] =	stream.indirect.scatter.add.bf16 [tilespmem:s22], [sflag:$0x5], $0x50, s19, s17, $0xb8;
	[tilespmem:$0x1AF90] =	vst v63  }
0x5f: {  	_ =	swait.ge [sflag:s15], $0x2710  }
0x60: {  	[sflag:s15] =	ssyncset.done $0x0  }
0x61: {  	[sflag:s15] =	ssyncadd.s32 $0xFFFFD8F0  }
0x62: {  	_ =	swait.ge [sflag:s28], $0x2710  }
0x63: {  	[sflag:s28] =	ssyncset.done $0x0  }
0x64: {  	s16 =	simm.s32 $0x300;
	[sflag:s28] =	ssyncadd.s32 $0xFFFFD8F0  }
0x65: {  	[tilespmem:s22], [sflag:$0x3] =	stream.indirect.gather [hbm4b:s5+s17], $0x50, s16, s17, $0xb8;
	[tilespmem:$0x1AF90] =	vst v63  }
0x66: {  	s19 =	simm.s32 $0x2980  }
0x67: {  	[spmem:s2] =	stream.indirect.scatter.add.bf16 [tilespmem:s24], [sflag:$0x5], $0x50, s19, s17, $0xb8;
	[tilespmem:$0x1AF90] =	vst v63  }
0x68: {  	_ =	swait.ge [sflag:s15], $0x2710  }
0x69: {  	s16 =	simm.s32 $0x800;
	[sflag:s15] =	ssyncset.done $0x0  }
.LBB2_3:
0x6a: {  	p1 =	sne.s32 s16, $0x9000  }
0x6b: {  	[sflag:s15] =	ssyncadd.s32 $0xFFFFD8F0;
	s8 =	smov.u32 s16;
	s16 =	sadd.s32 $0x800, s16  }
0x6c: {  	_ = 	snop  }
0x6d: {  	_ =	swait.ge [sflag:s23], $0x2710  }
0x6e: {  	s8 =	sshra.s32 s8, $0x2;
	[sflag:s23] =	ssyncset.done $0x0  }
0x6f: {  	s19 =	sadd.s32 $0x180, s8;
	[sflag:s23] =	ssyncadd.s32 $0xFFFFD8F0  }
0x70: {  	[tilespmem:s24], [sflag:$0x4] =	stream.indirect.gather [hbm4b:s5+s17], $0x50, s19, s17, $0xb8;
	[tilespmem:$0x1AF90] =	vst v63  }
0x71: {  	s19 =	sadd.s32 $0x2800, s8  }
0x72: {  	[spmem:s2] =	stream.indirect.scatter.add.bf16 [tilespmem:s18], [sflag:$0x5], $0x50, s19, s17, $0xb8;
	[tilespmem:$0x1AF90] =	vst v63  }
0x73: {  	_ =	swait.ge [sflag:s15], $0x2710  }
0x74: {  	[sflag:s15] =	ssyncset.done $0x0  }
0x75: {  	[sflag:s15] =	ssyncadd.s32 $0xFFFFD8F0  }
0x76: {  	_ =	swait.ge [sflag:s25], $0x2710  }
0x77: {  	[sflag:s25] =	ssyncset.done $0x0  }
0x78: {  	s19 =	sadd.s32 $0x200, s8;
	[sflag:s25] =	ssyncadd.s32 $0xFFFFD8F0  }
0x79: {  	[tilespmem:s18], [sflag:$0x1] =	stream.indirect.gather [hbm4b:s5+s17], $0x50, s19, s17, $0xb8;
	[tilespmem:$0x1AF90] =	vst v63  }
0x7a: {  	s19 =	sadd.s32 $0x2880, s8  }
0x7b: {  	[spmem:s2] =	stream.indirect.scatter.add.bf16 [tilespmem:s20], [sflag:$0x5], $0x50, s19, s17, $0xb8;
	[tilespmem:$0x1AF90] =	vst v63  }
0x7c: {  	_ =	swait.ge [sflag:s15], $0x2710  }
0x7d: {  	[sflag:s15] =	ssyncset.done $0x0  }
0x7e: {  	[sflag:s15] =	ssyncadd.s32 $0xFFFFD8F0  }
0x7f: {  	_ =	swait.ge [sflag:s26], $0x2710  }
0x80: {  	[sflag:s26] =	ssyncset.done $0x0  }
0x81: {  	s19 =	sadd.s32 $0x280, s8;
	[sflag:s26] =	ssyncadd.s32 $0xFFFFD8F0  }
0x82: {  	[tilespmem:s20], [sflag:$0x2] =	stream.indirect.gather [hbm4b:s5+s17], $0x50, s19, s17, $0xb8;
	[tilespmem:$0x1AF90] =	vst v63  }
0x83: {  	s19 =	sadd.s32 $0x2900, s8  }
0x84: {  	[spmem:s2] =	stream.indirect.scatter.add.bf16 [tilespmem:s22], [sflag:$0x5], $0x50, s19, s17, $0xb8;
	[tilespmem:$0x1AF90] =	vst v63  }
0x85: {  	_ =	swait.ge [sflag:s15], $0x2710  }
0x86: {  	[sflag:s15] =	ssyncset.done $0x0  }
0x87: {  	[sflag:s15] =	ssyncadd.s32 $0xFFFFD8F0  }
0x88: {  	_ =	swait.ge [sflag:s28], $0x2710  }
0x89: {  	[sflag:s28] =	ssyncset.done $0x0  }
0x8a: {  	s19 =	sadd.s32 $0x300, s8;
	[sflag:s28] =	ssyncadd.s32 $0xFFFFD8F0  }
0x8b: {  	[tilespmem:s22], [sflag:$0x3] =	stream.indirect.gather [hbm4b:s5+s17], $0x50, s19, s17, $0xb8;
	[tilespmem:$0x1AF90] =	vst v63  }
.Ltmp3:
0x8c: {  	_ = 	snop;
	(pc) =	sbr.rel @p1 .LBB2_3-.Ltmp3, $4  }
0x8d: {  	s8 =	sadd.s32 $0x2980, s8  }
0x8e: {  	[spmem:s2] =	stream.indirect.scatter.add.bf16 [tilespmem:s24], [sflag:$0x5], $0x50, s8, s17, $0xb8;
	[tilespmem:$0x1AF90] =	vst v63  }
0x8f: {  	_ =	swait.ge [sflag:s15], $0x2710  }
0x90: {  	[sflag:s15] =	ssyncset.done $0x0  }
.Ltmp4:
0x91: {  	[sflag:s15] =	ssyncadd.s32 $0xFFFFD8F0;
	(pc) =	sbr.rel .LBB2_8-.Ltmp4, $4  }
0x92: {  	_ =	swait.ge [sflag:s23], $0x2710  }
0x93: {  	[sflag:s23] =	ssyncset.done $0x0  }
0x94: {  	s8 =	rddreg [dreg:$0x3];
	[sflag:s23] =	ssyncadd.s32 $0xFFFFD8F0  }
0x95: {  	[tilespmem:s24], [sflag:$0x4] =	stream.indirect.gather [hbm4b:s5+s17], $0x50, s29, s17, $0xb8;
	[tilespmem:$0x1AF90] =	vst v63  }
.LBB2_5:
0x96: {  	[tilespmem:s18], [sflag:$0x1] =	stream.indirect.gather [hbm4b:s6+s17], $0x50, s8, s17, $0xb8;
	[tilespmem:$0x1AF90] =	vst v63  }
0x97: {  	s19 =	simm.s32 $0x80  }
0x98: {  	[tilespmem:s20], [sflag:$0x2] =	stream.indirect.gather [hbm4b:s6+s17], $0x50, s19, s17, $0xb8;
	[tilespmem:$0x1AF90] =	vst v63  }
0x99: {  	_ = 	snop  }
0x9a: {  	[tilespmem:s22], [sflag:$0x3] =	stream.indirect.gather [hbm4b:s6+s17], $0x50, s21, s17, $0xb8;
	[tilespmem:$0x1AF90] =	vst v63  }
0x9b: {  	_ =	swait.ge [sflag:s23], $0x2710  }
0x9c: {  	[sflag:s23] =	ssyncset.done $0x0  }
0x9d: {  	s16 =	simm.s32 $0x180;
	[sflag:s23] =	ssyncadd.s32 $0xFFFFD8F0  }
0x9e: {  	[tilespmem:s24], [sflag:$0x4] =	stream.indirect.gather [hbm4b:s6+s17], $0x50, s16, s17, $0xb8;
	[tilespmem:$0x1AF90] =	vst v63  }
0x9f: {  	s19 =	simm.s32 $0x2800  }
0xa0: {  	[spmem:s2] =	stream.indirect.scatter.add.bf16 [tilespmem:s18], [sflag:$0x5], $0x50, s19, s17, $0xb8;
	[tilespmem:$0x1AF90] =	vst v63  }
0xa1: {  	_ =	swait.ge [sflag:s15], $0x2710  }
0xa2: {  	[sflag:s15] =	ssyncset.done $0x0  }
0xa3: {  	[sflag:s15] =	ssyncadd.s32 $0xFFFFD8F0  }
0xa4: {  	_ =	swait.ge [sflag:s25], $0x2710  }
0xa5: {  	[sflag:s25] =	ssyncset.done $0x0  }
0xa6: {  	s16 =	simm.s32 $0x200;
	[sflag:s25] =	ssyncadd.s32 $0xFFFFD8F0  }
0xa7: {  	[tilespmem:s18], [sflag:$0x1] =	stream.indirect.gather [hbm4b:s6+s17], $0x50, s16, s17, $0xb8;
	[tilespmem:$0x1AF90] =	vst v63  }
0xa8: {  	s19 =	simm.s32 $0x2880  }
0xa9: {  	[spmem:s2] =	stream.indirect.scatter.add.bf16 [tilespmem:s20], [sflag:$0x5], $0x50, s19, s17, $0xb8;
	[tilespmem:$0x1AF90] =	vst v63  }
0xaa: {  	_ =	swait.ge [sflag:s15], $0x2710  }
0xab: {  	[sflag:s15] =	ssyncset.done $0x0  }
0xac: {  	[sflag:s15] =	ssyncadd.s32 $0xFFFFD8F0  }
0xad: {  	_ =	swait.ge [sflag:s26], $0x2710  }
0xae: {  	[sflag:s26] =	ssyncset.done $0x0  }
0xaf: {  	s16 =	simm.s32 $0x280;
	[sflag:s26] =	ssyncadd.s32 $0xFFFFD8F0  }
0xb0: {  	[tilespmem:s20], [sflag:$0x2] =	stream.indirect.gather [hbm4b:s6+s17], $0x50, s16, s17, $0xb8;
	[tilespmem:$0x1AF90] =	vst v63  }
0xb1: {  	s19 =	simm.s32 $0x2900  }
0xb2: {  	[spmem:s2] =	stream.indirect.scatter.add.bf16 [tilespmem:s22], [sflag:$0x5], $0x50, s19, s17, $0xb8;
	[tilespmem:$0x1AF90] =	vst v63  }
0xb3: {  	_ =	swait.ge [sflag:s15], $0x2710  }
0xb4: {  	[sflag:s15] =	ssyncset.done $0x0  }
0xb5: {  	[sflag:s15] =	ssyncadd.s32 $0xFFFFD8F0  }
0xb6: {  	_ =	swait.ge [sflag:s28], $0x2710  }
0xb7: {  	[sflag:s28] =	ssyncset.done $0x0  }
0xb8: {  	s16 =	simm.s32 $0x300;
	[sflag:s28] =	ssyncadd.s32 $0xFFFFD8F0  }
0xb9: {  	[tilespmem:s22], [sflag:$0x3] =	stream.indirect.gather [hbm4b:s6+s17], $0x50, s16, s17, $0xb8;
	[tilespmem:$0x1AF90] =	vst v63  }
0xba: {  	s19 =	simm.s32 $0x2980  }
0xbb: {  	[spmem:s2] =	stream.indirect.scatter.add.bf16 [tilespmem:s24], [sflag:$0x5], $0x50, s19, s17, $0xb8;
	[tilespmem:$0x1AF90] =	vst v63  }
0xbc: {  	_ =	swait.ge [sflag:s15], $0x2710  }
0xbd: {  	s16 =	simm.s32 $0x800;
	[sflag:s15] =	ssyncset.done $0x0  }
.LBB2_6:
0xbe: {  	p1 =	sne.s32 s16, $0x9000  }
0xbf: {  	[sflag:s15] =	ssyncadd.s32 $0xFFFFD8F0;
	s8 =	smov.u32 s16;
	s16 =	sadd.s32 $0x800, s16  }
0xc0: {  	_ = 	snop  }
0xc1: {  	_ =	swait.ge [sflag:s23], $0x2710  }
0xc2: {  	s8 =	sshra.s32 s8, $0x2;
	[sflag:s23] =	ssyncset.done $0x0  }
0xc3: {  	s19 =	sadd.s32 $0x180, s8;
	[sflag:s23] =	ssyncadd.s32 $0xFFFFD8F0  }
0xc4: {  	[tilespmem:s24], [sflag:$0x4] =	stream.indirect.gather [hbm4b:s6+s17], $0x50, s19, s17, $0xb8;
	[tilespmem:$0x1AF90] =	vst v63  }
0xc5: {  	s19 =	sadd.s32 $0x2800, s8  }
0xc6: {  	[spmem:s2] =	stream.indirect.scatter.add.bf16 [tilespmem:s18], [sflag:$0x5], $0x50, s19, s17, $0xb8;
	[tilespmem:$0x1AF90] =	vst v63  }
0xc7: {  	_ =	swait.ge [sflag:s15], $0x2710  }
0xc8: {  	[sflag:s15] =	ssyncset.done $0x0  }
0xc9: {  	[sflag:s15] =	ssyncadd.s32 $0xFFFFD8F0  }
0xca: {  	_ =	swait.ge [sflag:s25], $0x2710  }
0xcb: {  	[sflag:s25] =	ssyncset.done $0x0  }
0xcc: {  	s19 =	sadd.s32 $0x200, s8;
	[sflag:s25] =	ssyncadd.s32 $0xFFFFD8F0  }
0xcd: {  	[tilespmem:s18], [sflag:$0x1] =	stream.indirect.gather [hbm4b:s6+s17], $0x50, s19, s17, $0xb8;
	[tilespmem:$0x1AF90] =	vst v63  }
0xce: {  	s19 =	sadd.s32 $0x2880, s8  }
0xcf: {  	[spmem:s2] =	stream.indirect.scatter.add.bf16 [tilespmem:s20], [sflag:$0x5], $0x50, s19, s17, $0xb8;
	[tilespmem:$0x1AF90] =	vst v63  }
0xd0: {  	_ =	swait.ge [sflag:s15], $0x2710  }
0xd1: {  	[sflag:s15] =	ssyncset.done $0x0  }
0xd2: {  	[sflag:s15] =	ssyncadd.s32 $0xFFFFD8F0  }
0xd3: {  	_ =	swait.ge [sflag:s26], $0x2710  }
0xd4: {  	[sflag:s26] =	ssyncset.done $0x0  }
0xd5: {  	s19 =	sadd.s32 $0x280, s8;
	[sflag:s26] =	ssyncadd.s32 $0xFFFFD8F0  }
0xd6: {  	[tilespmem:s20], [sflag:$0x2] =	stream.indirect.gather [hbm4b:s6+s17], $0x50, s19, s17, $0xb8;
	[tilespmem:$0x1AF90] =	vst v63  }
0xd7: {  	s19 =	sadd.s32 $0x2900, s8  }
0xd8: {  	[spmem:s2] =	stream.indirect.scatter.add.bf16 [tilespmem:s22], [sflag:$0x5], $0x50, s19, s17, $0xb8;
	[tilespmem:$0x1AF90] =	vst v63  }
0xd9: {  	_ =	swait.ge [sflag:s15], $0x2710  }
0xda: {  	[sflag:s15] =	ssyncset.done $0x0  }
0xdb: {  	[sflag:s15] =	ssyncadd.s32 $0xFFFFD8F0  }
0xdc: {  	_ =	swait.ge [sflag:s28], $0x2710  }
0xdd: {  	[sflag:s28] =	ssyncset.done $0x0  }
0xde: {  	s19 =	sadd.s32 $0x300, s8;
	[sflag:s28] =	ssyncadd.s32 $0xFFFFD8F0  }
0xdf: {  	[tilespmem:s22], [sflag:$0x3] =	stream.indirect.gather [hbm4b:s6+s17], $0x50, s19, s17, $0xb8;
	[tilespmem:$0x1AF90] =	vst v63  }
.Ltmp5:
0xe0: {  	_ = 	snop;
	(pc) =	sbr.rel @p1 .LBB2_6-.Ltmp5, $4  }
0xe1: {  	s8 =	sadd.s32 $0x2980, s8  }
0xe2: {  	[spmem:s2] =	stream.indirect.scatter.add.bf16 [tilespmem:s24], [sflag:$0x5], $0x50, s8, s17, $0xb8;
	[tilespmem:$0x1AF90] =	vst v63  }
0xe3: {  	_ =	swait.ge [sflag:s15], $0x2710  }
0xe4: {  	[sflag:s15] =	ssyncset.done $0x0  }
.Ltmp6:
0xe5: {  	_ = 	snop;
	(pc) =	sbr.rel .LBB2_7-.Ltmp6, $1  }
0xe6: {  	_ =	sdelay $0x3  }
.LBB2_9:
0xe7: {  	_ =	sfence.sel $0x180000  }
0xe8: {  	[bflag:$0x0] =	sbarrier.arrive $0xFFFF  }
0xe9: {  	_ =	strace $0x9000004A  }
0xea: {  	s0 =	stileid.u32;
	[bflag:$0x2] =	sbarrier.arrive $0xFFFF  }
0xeb: {  	p0 =	sne.s32 s0, $0x0;
	s0 =	rddreg [dreg:$0x2]  }
0xec: {  	s0 =	sadd.s32 @!p0 $0x100000, s0  }
0xed: {  	[sflag:s0] =	ssyncadd.tile.s32 @!p0 $0x1;
	_ =	shalt  }
.Lfunc_end2:
_tile_overlayer_lowered:
.L_overlay_start_2:
0xee: {  	(tag) =	ssettag $0x2  }
0xef: {  	s0 =	rddreg [dreg:$0x0];
	s2 =	stileid.u32  }
0xf0: {  	s1 =	rddreg [dreg:$0x1];
	p0 =	sne.s32 s2, $0x0  }
0xf1: {  	s3 =	rddreg [dreg:$0x2];
	[bflag:$0x3] =	sbarrier.arrive $0xFFFF;
	s2 =	simm.s32 @!p0 $0x1C05  }
0xf2: {  	[timem:s3], [sflag:s2] =	dma.local @!p0 [hbm:s0], s1  }
0xf3: {  	s0 =	simm.s32 @!p0 $0x5  }
0xf4: {  	_ =	swait.ge @!p0 [sflag:s0], s1  }
0xf5: {  	s1 =	ssub.s32 @!p0 $0x0, s1;
	[sflag:s0] =	ssyncset.done @!p0 $0x0  }
0xf6: {  	[sflag:s0] =	ssyncadd.s32 @!p0 s1  }
0xf7: {  	[bflag:$0x3] =	sbarrier.arrive $0xFFFF  }
0xf8: {  	_ =	shalt  }

// kernel: kernel.15.cloned.1.call-start
scs
__scs_entry_jumppad:
0x0: {  	(pc) =	sbr.rel $0x88, $3  }
0x1: {  	(tag) =	ssettag $0x0;
	lr =	simm.s32 $0x1  }
0x2: {  	[smem:$0x3F8E] =	sst lr;
	_ =	strace $0xD0000000  }
0x3: {  	_ = 	snop  }
0x4: {  	_ = 	snop  }
0x5: {  	_ = 	snop  }
0x6: {  	_ = 	snop  }
0x7: {  	_ = 	snop  }
__scs_overlays_trampoline_lowered:
0x8: {  	[smem:$0x3F9D] =	sst s0  }
0x9: {  	[smem:$0x3F9E] =	sst s1  }
0xa: {  	[smem:$0x3F9F] =	sst s2  }
0xb: {  	[smem:$0x3FA0] =	sst s3  }
0xc: {  	[smem:$0x3FA1] =	sst s4  }
0xd: {  	[smem:$0x3FA2] =	sst s5  }
0xe: {  	[smem:$0x3FA3] =	sst s6  }
0xf: {  	[smem:$0x3FA4] =	sst s7  }
0x10: {  	[smem:$0x3FA5] =	sst s8  }
0x11: {  	[smem:$0x3FA6] =	sst s9;
	s0 =	simm.s32 @!p0 $0x0  }
0x12: {  	s1 =	sld [smem:$0x3F8C];
	s0 =	simm.s32 @p0 $0x1  }
0x13: {  	[smem:$0x3FA7] =	sst s0;
	s0 =	simm.s32 @!p1 $0x0  }
0x14: {  	s2 =	sld [smem:$0x3F8B];
	s0 =	simm.s32 @p1 $0x1  }
0x15: {  	[smem:$0x3FA8] =	sst s0;
	s0 =	simm.s32 @!p2 $0x0  }
0x16: {  	s3 =	sld [smem:$0x3FDB];
	s0 =	simm.s32 @p2 $0x1  }
0x17: {  	s4 =	simm.s32 $0x1BF5;
	[smem:$0x3FAA] =	sst s0  }
0x18: {  	s0 =	sld [smem:$0x3F8D];
	_ =	swait.ge [sflag:s4], $0x0  }
0x19: {  	s7 =	sld [smem:$0x3F8E]  }
0x1a: {  	s8 =	sadd.s32 $0xFFFFE003, lr  }
0x1b: {  	s9 =	sadd.s32 $0xFFFFFEF7, lr;
	s5 =	simm.s32 $0xFFFFFFFF;
	p2 =	slt.u32 s8, $0xFFFFF086  }
0x1c: {  	p1 =	slt.u32 s9, $0xF7A;
	s5 =	simm.s32 @!p2 $0x0  }
0x1d: {  	s5 =	simm.s32 @p1 $0x1;
	p0 =	seq.s32 s7, s2  }
0x1e: {  	s7 =	smul.u32 @!p0 $0xF7A, s2;
	p2 =	seq.s32 @!p0 s5, $0x0  }
0x1f: {  	s9 =	smul.u32 $0xF7A, s1;
	s8 =	simm.s32 @!p0 $0x1BF5;
	p2 =	por !p2, p0  }
0x20: {  	[sflag:s8] =	ssyncset.s32 @!p0 $0xFFFFF086;
	s6 =	sadd.s32 @!p0 s3, s7;
	s7 =	simm.s32 @!p0 $0x108  }
0x21: {  	s3 =	sadd.s32 s3, s9;
	s6 =	sadd.s32 @!p0 $0x88, s6;
	s7 =	simm.s32 @p2 $0x1082  }
0x22: {  	[simem:s7], [sflag:s8] =	dma.local @!p0 [hbm:s6], $0xF7A  }
0x23: {  	s9 =	sor.u32 $0xD0000000, s2;
	s6 =	simm.s32 $0x108;
	_ =	swait.ge @!p0 [sflag:s8], $0x0  }
0x24: {  	s3 =	sadd.s32 $0x88, s3;
	s6 =	simm.s32 @!p1 $0x1082;
	[sflag:s4] =	ssyncset.s32 $0xFFFFF086  }
0x25: {  	[simem:s6], [sflag:s4] =	dma.local [hbm:s3], $0xF7A  }
0x26: {  	[smem:$0x3F8E] =	sst s1;
	(tag) =	ssettag s2;
	_ =	strace s9  }
0x27: {  	s1 =	sld [smem:$0x3F9E]  }
0x28: {  	s2 =	sld [smem:$0x3F9F]  }
0x29: {  	s4 =	sld [smem:$0x3FA1]  }
0x2a: {  	p0 =	seq.s32 s5, $0x0;
	s5 =	sld [smem:$0x3FA2]  }
0x2b: {  	s6 =	sld [smem:$0x3FA3]  }
0x2c: {  	s7 =	sld [smem:$0x3FA4]  }
0x2d: {  	s3 =	simm.s32 $0x108;
	s8 =	sld [smem:$0x3FA5]  }
0x2e: {  	s3 =	simm.s32 @!p0 $0x1082;
	s9 =	sld [smem:$0x3FA6]  }
0x2f: {  	lr =	sadd.s32 s0, s3;
	s0 =	sld [smem:$0x3F9D]  }
0x30: {  	s3 =	sld [smem:$0x3FA0]  }
0x31: {  	[smem:$0x3FA9] =	sst s10  }
0x32: {  	s10 =	sld [smem:$0x3FA7];
	_ =	sdelay $0x3  }
0x33: {  	p0 =	seq.s32 s10, $0x1;
	s10 =	sld [smem:$0x3FA9];
	_ =	sdelay $0x3  }
0x34: {  	[smem:$0x3FA9] =	sst s10  }
0x35: {  	s10 =	sld [smem:$0x3FA8];
	_ =	sdelay $0x3  }
0x36: {  	p1 =	seq.s32 s10, $0x1;
	s10 =	sld [smem:$0x3FA9];
	_ =	sdelay $0x3  }
0x37: {  	[smem:$0x3FA9] =	sst s10  }
0x38: {  	s10 =	sld [smem:$0x3FAA]  }
0x39: {  	_ = 	snop;
	(pc) =	sbr.ind lr, $3  }
0x3a: {  	_ = 	snop  }
0x3b: {  	_ = 	snop  }
0x3c: {  	p2 =	seq.s32 s10, $0x1;
	s10 =	sld [smem:$0x3FA9]  }
0x3d: {  	_ =	shalt  }
0x3e: {  	_ =	shalt  }
0x3f: {  	_ =	shalt  }
0x40: {  	_ =	shalt  }
0x41: {  	_ =	shalt  }
0x42: {  	_ =	shalt  }
0x43: {  	_ =	shalt  }
0x44: {  	_ =	shalt  }
0x45: {  	_ =	shalt  }
0x46: {  	_ =	shalt  }
0x47: {  	_ =	shalt  }
0x48: {  	_ =	shalt  }
0x49: {  	_ =	shalt  }
0x4a: {  	_ =	shalt  }
0x4b: {  	_ =	shalt  }
0x4c: {  	_ =	shalt  }
0x4d: {  	_ =	shalt  }
0x4e: {  	_ =	shalt  }
0x4f: {  	_ =	shalt  }
0x50: {  	_ =	shalt  }
0x51: {  	_ =	shalt  }
0x52: {  	_ =	shalt  }
0x53: {  	_ =	shalt  }
0x54: {  	_ =	shalt  }
0x55: {  	_ =	shalt  }
0x56: {  	_ =	shalt  }
0x57: {  	_ =	shalt  }
0x58: {  	_ =	shalt  }
0x59: {  	_ =	shalt  }
0x5a: {  	_ =	shalt  }
0x5b: {  	_ =	shalt  }
0x5c: {  	_ =	shalt  }
0x5d: {  	_ =	shalt  }
0x5e: {  	_ =	shalt  }
0x5f: {  	_ =	shalt  }
0x60: {  	_ =	shalt  }
0x61: {  	_ =	shalt  }
0x62: {  	_ =	shalt  }
0x63: {  	_ =	shalt  }
0x64: {  	_ =	shalt  }
0x65: {  	_ =	shalt  }
0x66: {  	_ =	shalt  }
0x67: {  	_ =	shalt  }
0x68: {  	_ =	shalt  }
0x69: {  	_ =	shalt  }
0x6a: {  	_ =	shalt  }
0x6b: {  	_ =	shalt  }
0x6c: {  	_ =	shalt  }
0x6d: {  	_ =	shalt  }
0x6e: {  	_ =	shalt  }
0x6f: {  	_ =	shalt  }
0x70: {  	_ =	shalt  }
0x71: {  	_ =	shalt  }
0x72: {  	_ =	shalt  }
0x73: {  	_ =	shalt  }
0x74: {  	_ =	shalt  }
0x75: {  	_ =	shalt  }
0x76: {  	_ =	shalt  }
0x77: {  	_ =	shalt  }
0x78: {  	_ =	shalt  }
0x79: {  	_ =	shalt  }
0x7a: {  	_ =	shalt  }
0x7b: {  	_ =	shalt  }
0x7c: {  	_ =	shalt  }
0x7d: {  	_ =	shalt  }
0x7e: {  	_ =	shalt  }
0x7f: {  	_ =	shalt  }
0x80: {  	_ =	shalt  }
0x81: {  	_ =	shalt  }
0x82: {  	_ =	shalt  }
0x83: {  	_ =	shalt  }
0x84: {  	_ =	shalt  }
0x85: {  	_ =	shalt  }
0x86: {  	_ =	shalt  }
0x87: {  	_ =	shalt  }
.Lfunc_end0:
.L_simem_size_0:
called_computation.2_lowered:
.L_overlay_start_0:
0x88: {  	s2 =	sld [smem:$0x3FD9]  }
0x89: {  	s3 =	sld [smem:$0x3FFE];
	_ =	sdelay $0x1  }
0x8a: {  	s1 =	srdreg.scid  }
0x8b: {  	s0 =	sand.u32 $0x1, s1  }
0x8c: {  	s16 =	sshll.u32 s0, $0xA;
	s2 =	sadd.s32 s3, s2  }
0x8d: {  	s2 =	sadd.s32 s2, s16  }
0x8e: {  	[smem:$0x3FB5] =	sst s2  }
0x8f: {  	_ = 	snop  }
0x90: {  	(tm) =	ssettm $0x1  }
0x91: {  	s17 =	sld [smem:$0x3FFB];
	_ =	sdelay $0x3  }
0x92: {  	_ =	strace s17  }
0x93: {  	s2 =	sld [smem:$0x3FFC];
	_ =	sdelay $0x3  }
0x94: {  	_ =	strace s2  }
0x95: {  	s2 =	sld [smem:$0x3FFD];
	_ =	sdelay $0x3  }
0x96: {  	_ =	strace s2  }
0x97: {  	_ =	strace $0x8FFFFFFF  }
0x98: {  	s18 =	sld [smem:$0x3FDB];
	_ =	sdelay $0x1  }
0x99: {  	s19 =	simm.s32 $_scs_section_size  }
0x9a: {  	s4 =	simm.s32 $_size__tile_overlayer_lowered;
	s5 =	simm.s32 $_tile_overlayer_lowered  }
0x9b: {  	s22 =	simm.s32 $0x1BFF;
	s21 =	sshll.u32 s5, $0x1;
	s2 =	sadd.s32 s19, s18  }
0x9c: {  	s6 =	simm.s32 $0x0;
	s20 =	sshll.u32 s4, $0x1;
	s4 =	sadd.s32 s21, s2  }
0x9d: {  	[timem:s6], [sflag:s22] =	dma.local [hbm:s4], s20  }
0x9e: {  	_ =	swait.ge [sflag:s22], s20  }
0x9f: {  	s3 =	ssub.s32 $0x0, s20;
	[sflag:s22] =	ssyncset.done $0x0  }
0xa0: {  	[sflag:s22] =	ssyncadd.s32 s3;
	_ =	sdelay $0x1  }
0xa1: {  	s23 =	simm.s32 $0x1B8B  }
0xa2: {  	_ =	swait.ge [sflag:s23], $0x1  }
0xa3: {  	[sflag:s23] =	ssyncset.done $0x0  }
0xa4: {  	s25 =	simm.s32 $0x1B8E;
	s24 =	sld [smem:$0x3FFE];
	[sflag:s23] =	ssyncadd.s32 $0xFFFFFFFF  }
0xa5: {  	s26 =	simm.s32 $execute0_lowered;
	[smem:$0x3FD2] =	sst s25  }
0xa6: {  	s4 =	sshll.u32 s26, $0x1;
	_ =	strace $0x8000004C;
	[dreg:$0x1] =	wrdreg $0xFFFFFFFF  }
0xa7: {  	s28 =	simm.s32 $_size_execute0_lowered;
	s2 =	sadd.s32 s2, s4;
	[dreg:$0x0] =	wrdreg $0x0  }
0xa8: {  	s4 =	sshll.u32 s28, $0x1;
	[dreg:$0x2] =	wrdreg s2  }
0xa9: {  	[dreg:$0x3] =	wrdreg s4  }
0xaa: {  	[dreg:$0x4] =	wrdreg $0xC0  }
0xab: {  	_ =	task [dreg:s6], $0x5FFFF  }
0xac: {  	[dreg:$0x1] =	wrdreg $0xFFFFFFFF  }
0xad: {  	[dreg:$0x0] =	wrdreg $0x60  }
0xae: {  	[dreg:$0x2] =	wrdreg s24  }
0xaf: {  	[dreg:$0x3] =	wrdreg $0xEC400  }
0xb0: {  	[dreg:$0x4] =	wrdreg $0x9  }
0xb1: {  	_ =	task.clear_ibuf [dreg:s6], $0x5FFFF;
	_ =	strace $0x9000004C  }
0xb2: {  	s29 =	simm.s32 $0x9;
	_ =	strace $0x8000004E  }
0xb3: {  	_ =	swait.ge [sflag:s29], $0x1  }
0xb4: {  	[sflag:s29] =	ssyncadd.s32 $0xFFFFFFFF  }
0xb5: {  	_ =	strace $0x9000004E  }
0xb6: {  	_ =	sfence  }
0xb7: {  	s30 =	sld [smem:$0x0];
	_ =	sdelay $0x2  }
0xb8: {  	s31 =	sshll.u32 s1, $0xD;
	s1 =	sshrl.u32 s1, $0x2  }
0xb9: {  	s3 =	sand.u32 $0x4000, s31;
	s1 =	sadd.s32 s1, s30  }
0xba: {  	s0 =	sor.u32 s3, s0;
	s1 =	sshll.u32 s1, $0x11  }
0xbb: {  	s0 =	sor.u32 s1, s0  }
0xbc: {  	s0 =	sadd.s32 $0x8F2B, s0  }
0xbd: {  	[sflag:s0] =	ssyncadd.remote.s32 $0x1  }
0xbe: {  	_ =	sfence.sel $0xFFFF  }
0xbf: {  	[dreg:$0x0] =	wrdreg $0xFFFFFFFF;
	(pc) =	sbr.abs _section_cstart, $3  }
0xc0: {  	[dreg:$0x1] =	wrdreg $0xFFFFFFFF  }
0xc1: {  	_ =	task.clear_ibuf [dreg:s6], $0x2FFFF;
	_ =	strace $0x9FFFFFFF  }
0xc2: {  	(tm) =	ssettm $0x7FFFFFFF  }
0xc3: {  	_ =	shalt  }
tec
execute0_lowered:
.L_overlay_start_1:
0x0: {  	(tag) =	ssettag $0x1  }
0x1: {  	s0 =	rddreg [dreg:$0x0]  }
0x2: {  	s2 =	rddreg [dreg:$0x1];
	s9 =	stileid.u32;
	s3 =	simm.s32 $0x0  }
0x3: {  	s6 =	srdreg.scid;
	s15 =	simm.s32 $0x5;
	s17 =	simm.s32 $0x7D  }
0x4: {  	s18 =	simm.s32 $0x5000;
	s20 =	simm.s32 $0x7710;
	s21 =	simm.s32 $0x100  }
0x5: {  	s22 =	simm.s32 $0x9E20;
	s23 =	simm.s32 $0x1;
	s24 =	simm.s32 $0xC530  }
0x6: {  	s28 =	simm.s32 $0x4;
	s29 =	simm.s32 $0x2780;
	s30 =	simm.s32 $0x4E00  }
0x7: {  	s31 =	simm.s32 $0x4E80;
	s1 =	smul.u32 $0x500, s9;
	[smem:$0x7FF] =	sst s3  }
0x8: {  	s4 =	sadd.s32 $0x3EE00, s0;
	s5 =	sadd.s32 $0x1C600, s0;
	s7 =	sand.u32 $0x1, s6  }
0x9: {  	s6 =	sadd.s32 $0x3E00, s0;
	s12 =	smul.u32 $0x186A0, s9;
	s10 =	sadd.s32 $0x59000, s0  }
0xa: {  	s9 =	sshll.u32 s9, $0x6;
	_ =	strace $0x8000004D;
	s8 =	ssub.s32 $0x2, s7  }
0xb: {  	[dreg:$0x3] =	wrdreg s10;
	s9 =	sor.u32 $0x1C05, s9;
	p0 =	sne.s32 s7, $0x0  }
0xc: {  	s7 =	simm.s32 $0x0;
	s1 =	sadd.s32 s1, s0;
	s0 =	sadd.s32 $0x40800, s0  }
.Ltmp0:
0xd: {  	s25 =	sshrl.u32 s8, $0x1;
	s26 =	sshrl.u32 s12, $0x1;
	(pc) =	sbr.rel .LBB2_1-.Ltmp0, $4  }
0xe: {  	s12 =	sshrl.u32 s12, $0x4;
	[dreg:$0x4] =	wrdreg s0;
	s0 =	ssub.s32 s8, s25  }
0xf: {  	s8 =	sadd.s32 s26, s2;
	s10 =	sadd.s32 $0x39E00, s1;
	s11 =	sadd.s32 $0x34E00, s1  }
0x10: {  	s25 =	simm.s32 $0x2;
	s26 =	simm.s32 $0x3;
	s1 =	simm.s32 $0x4F80  }
0x11: {  	s13 =	smax.u32 s0, $0x1;
	s14 =	sshrl.u32 s8, $0x3;
	s0 =	simm.s32 $0x4F00  }
.LBB2_7:
0x12: {  	[sflag:s15] =	ssyncadd.s32 $0xFFFFD8F0  }
0x13: {  	_ =	swait.ge [sflag:s23], $0x2710  }
0x14: {  	[sflag:s23] =	ssyncset.done $0x0  }
0x15: {  	s8 =	rddreg [dreg:$0x4];
	[sflag:s23] =	ssyncadd.s32 $0xFFFFD8F0  }
0x16: {  	[tilespmem:s24], [sflag:$0x4] =	stream.indirect.gather [hbm4b:s6+s17], $0x50, s29, s17, $0xb8;
	[tilespmem:$0x1AF90] =	vst v63  }
.LBB2_8:
0x17: {  	[spmem:s2] =	stream.indirect.scatter.add.bf16 [tilespmem:s18], [sflag:$0x5], $0x50, s30, s17, $0xb8;
	[tilespmem:$0x1AF90] =	vst v63  }
0x18: {  	_ =	swait.ge [sflag:s15], $0x2710  }
0x19: {  	[sflag:s15] =	ssyncset.done $0x0  }
0x1a: {  	[sflag:s15] =	ssyncadd.s32 $0xFFFFD8F0  }
0x1b: {  	_ =	swait.ge [sflag:s25], $0x2710  }
0x1c: {  	[sflag:s25] =	ssyncset.done $0x0  }
0x1d: {  	[sflag:s25] =	ssyncadd.s32 $0xFFFFD8F0  }
0x1e: {  	[spmem:s2] =	stream.indirect.scatter.add.bf16 [tilespmem:s20], [sflag:$0x5], $0x50, s31, s17, $0xb8;
	[tilespmem:$0x1AF90] =	vst v63  }
0x1f: {  	_ =	swait.ge [sflag:s15], $0x2710  }
0x20: {  	[sflag:s15] =	ssyncset.done $0x0  }
0x21: {  	[sflag:s15] =	ssyncadd.s32 $0xFFFFD8F0  }
0x22: {  	_ =	swait.ge [sflag:s26], $0x2710  }
0x23: {  	[sflag:s26] =	ssyncset.done $0x0  }
0x24: {  	[sflag:s26] =	ssyncadd.s32 $0xFFFFD8F0  }
0x25: {  	[spmem:s2] =	stream.indirect.scatter.add.bf16 [tilespmem:s22], [sflag:$0x5], $0x50, s0, s17, $0xb8;
	[tilespmem:$0x1AF90] =	vst v63  }
0x26: {  	_ =	swait.ge [sflag:s15], $0x2710  }
0x27: {  	[sflag:s15] =	ssyncset.done $0x0  }
0x28: {  	[sflag:s15] =	ssyncadd.s32 $0xFFFFD8F0  }
0x29: {  	_ =	swait.ge [sflag:s28], $0x2710  }
0x2a: {  	[sflag:s28] =	ssyncset.done $0x0  }
0x2b: {  	[sflag:s28] =	ssyncadd.s32 $0xFFFFD8F0  }
0x2c: {  	[spmem:s2] =	stream.indirect.scatter.add.bf16 [tilespmem:s24], [sflag:$0x5], $0x50, s1, s17, $0xb8;
	[tilespmem:$0x1AF90] =	vst v63  }
0x2d: {  	_ =	swait.ge [sflag:s15], $0x2710  }
0x2e: {  	s7 =	sadd.s32 $0x1, s7;
	[sflag:s15] =	ssyncset.done $0x0  }
0x2f: {  	p1 =	sne.s32 s7, s13;
	[sflag:s15] =	ssyncadd.s32 $0xFFFFD8F0  }
.Ltmp1:
0x30: {  	s8 =	sadd.s32 s8, s12;
	[bflag:$0x0] =	sbarrier.arrive $0xFFFF;
	(pc) =	sbr.rel @!p1 .LBB2_9-.Ltmp1, $4  }
0x31: {  	[hbm:s8], [sflag:s9] =	dma.local [spmem:s14], $0x186A  }
0x32: {  	_ =	swait.ge [sflag:s15], $0x186A  }
0x33: {  	[sflag:s15] =	ssyncset.done $0x0  }
0x34: {  	[sflag:s15] =	ssyncadd.s32 $0xFFFFE796  }
.LBB2_1:
0x35: {  	[spmem:s14], [sflag:s9] =	dma.local [hbm:s4], $0x186A  }
0x36: {  	_ =	swait.ge [sflag:s15], $0x186A  }
0x37: {  	[sflag:s15] =	ssyncset.done $0x0  }
0x38: {  	[sflag:s15] =	ssyncadd.s32 $0xFFFFE796  }
0x39: {  	[bflag:$0x0] =	sbarrier.arrive $0xFFFF  }
0x3a: {  	[tilespmem:s3], [sflag:$0x5] =	stream.linear.gather [hbm4b:s10+s3], $0x2800, $0x38;
	[tilespmem:$0x1AF90] =	vst v63  }
0x3b: {  	_ =	swait.ge [sflag:s15], $0x2800  }
0x3c: {  	[sflag:s15] =	ssyncset.done $0x0  }
.Ltmp2:
0x3d: {  	s8 =	simm.s32 $0x2800;
	[sflag:s15] =	ssyncadd.s32 $0xFFFFD800;
	(pc) =	sbr.rel @p0 .LBB2_5-.Ltmp2, $4  }
0x3e: {  	[tilespmem:s8], [sflag:$0x5] =	stream.linear.gather [hbm4b:s11+s3], $0x2800, $0x38;
	[tilespmem:$0x1AF90] =	vst v63  }
0x3f: {  	_ =	swait.ge [sflag:s15], $0x2800  }
0x40: {  	[sflag:s15] =	ssyncset.done $0x0  }
0x41: {  	s8 =	simm.s32 $0x0;
	[sflag:s15] =	ssyncadd.s32 $0xFFFFD800  }
0x42: {  	[tilespmem:s18], [sflag:$0x1] =	stream.indirect.gather [hbm4b:s5+s17], $0x50, s8, s17, $0xb8;
	[tilespmem:$0x1AF90] =	vst v63  }
0x43: {  	s19 =	simm.s32 $0x80  }
0x44: {  	[tilespmem:s20], [sflag:$0x2] =	stream.indirect.gather [hbm4b:s5+s17], $0x50, s19, s17, $0xb8;
	[tilespmem:$0x1AF90] =	vst v63  }
0x45: {  	_ = 	snop  }
0x46: {  	[tilespmem:s22], [sflag:$0x3] =	stream.indirect.gather [hbm4b:s5+s17], $0x50, s21, s17, $0xb8;
	[tilespmem:$0x1AF90] =	vst v63  }
0x47: {  	_ =	swait.ge [sflag:s23], $0x2710  }
0x48: {  	[sflag:s23] =	ssyncset.done $0x0  }
0x49: {  	s16 =	simm.s32 $0x180;
	[sflag:s23] =	ssyncadd.s32 $0xFFFFD8F0  }
0x4a: {  	[tilespmem:s24], [sflag:$0x4] =	stream.indirect.gather [hbm4b:s5+s17], $0x50, s16, s17, $0xb8;
	[tilespmem:$0x1AF90] =	vst v63  }
0x4b: {  	s19 =	simm.s32 $0x2800  }
0x4c: {  	[spmem:s2] =	stream.indirect.scatter.add.bf16 [tilespmem:s18], [sflag:$0x5], $0x50, s19, s17, $0xb8;
	[tilespmem:$0x1AF90] =	vst v63  }
0x4d: {  	_ =	swait.ge [sflag:s15], $0x2710  }
0x4e: {  	[sflag:s15] =	ssyncset.done $0x0  }
0x4f: {  	[sflag:s15] =	ssyncadd.s32 $0xFFFFD8F0  }
0x50: {  	_ =	swait.ge [sflag:s25], $0x2710  }
0x51: {  	[sflag:s25] =	ssyncset.done $0x0  }
0x52: {  	s16 =	simm.s32 $0x200;
	[sflag:s25] =	ssyncadd.s32 $0xFFFFD8F0  }
0x53: {  	[tilespmem:s18], [sflag:$0x1] =	stream.indirect.gather [hbm4b:s5+s17], $0x50, s16, s17, $0xb8;
	[tilespmem:$0x1AF90] =	vst v63  }
0x54: {  	s19 =	simm.s32 $0x2880  }
0x55: {  	[spmem:s2] =	stream.indirect.scatter.add.bf16 [tilespmem:s20], [sflag:$0x5], $0x50, s19, s17, $0xb8;
	[tilespmem:$0x1AF90] =	vst v63  }
0x56: {  	_ =	swait.ge [sflag:s15], $0x2710  }
0x57: {  	[sflag:s15] =	ssyncset.done $0x0  }
0x58: {  	[sflag:s15] =	ssyncadd.s32 $0xFFFFD8F0  }
0x59: {  	_ =	swait.ge [sflag:s26], $0x2710  }
0x5a: {  	[sflag:s26] =	ssyncset.done $0x0  }
0x5b: {  	s16 =	simm.s32 $0x280;
	[sflag:s26] =	ssyncadd.s32 $0xFFFFD8F0  }
0x5c: {  	[tilespmem:s20], [sflag:$0x2] =	stream.indirect.gather [hbm4b:s5+s17], $0x50, s16, s17, $0xb8;
	[tilespmem:$0x1AF90] =	vst v63  }
0x5d: {  	s19 =	simm.s32 $0x2900  }
0x5e: {  	[spmem:s2] =	stream.indirect.scatter.add.bf16 [tilespmem:s22], [sflag:$0x5], $0x50, s19, s17, $0xb8;
	[tilespmem:$0x1AF90] =	vst v63  }
0x5f: {  	_ =	swait.ge [sflag:s15], $0x2710  }
0x60: {  	[sflag:s15] =	ssyncset.done $0x0  }
0x61: {  	[sflag:s15] =	ssyncadd.s32 $0xFFFFD8F0  }
0x62: {  	_ =	swait.ge [sflag:s28], $0x2710  }
0x63: {  	[sflag:s28] =	ssyncset.done $0x0  }
0x64: {  	s16 =	simm.s32 $0x300;
	[sflag:s28] =	ssyncadd.s32 $0xFFFFD8F0  }
0x65: {  	[tilespmem:s22], [sflag:$0x3] =	stream.indirect.gather [hbm4b:s5+s17], $0x50, s16, s17, $0xb8;
	[tilespmem:$0x1AF90] =	vst v63  }
0x66: {  	s19 =	simm.s32 $0x2980  }
0x67: {  	[spmem:s2] =	stream.indirect.scatter.add.bf16 [tilespmem:s24], [sflag:$0x5], $0x50, s19, s17, $0xb8;
	[tilespmem:$0x1AF90] =	vst v63  }
0x68: {  	_ =	swait.ge [sflag:s15], $0x2710  }
0x69: {  	s16 =	simm.s32 $0x800;
	[sflag:s15] =	ssyncset.done $0x0  }
.LBB2_3:
0x6a: {  	p1 =	sne.s32 s16, $0x9000  }
0x6b: {  	[sflag:s15] =	ssyncadd.s32 $0xFFFFD8F0;
	s8 =	smov.u32 s16;
	s16 =	sadd.s32 $0x800, s16  }
0x6c: {  	_ = 	snop  }
0x6d: {  	_ =	swait.ge [sflag:s23], $0x2710  }
0x6e: {  	s8 =	sshra.s32 s8, $0x2;
	[sflag:s23] =	ssyncset.done $0x0  }
0x6f: {  	s19 =	sadd.s32 $0x180, s8;
	[sflag:s23] =	ssyncadd.s32 $0xFFFFD8F0  }
0x70: {  	[tilespmem:s24], [sflag:$0x4] =	stream.indirect.gather [hbm4b:s5+s17], $0x50, s19, s17, $0xb8;
	[tilespmem:$0x1AF90] =	vst v63  }
0x71: {  	s19 =	sadd.s32 $0x2800, s8  }
0x72: {  	[spmem:s2] =	stream.indirect.scatter.add.bf16 [tilespmem:s18], [sflag:$0x5], $0x50, s19, s17, $0xb8;
	[tilespmem:$0x1AF90] =	vst v63  }
0x73: {  	_ =	swait.ge [sflag:s15], $0x2710  }
0x74: {  	[sflag:s15] =	ssyncset.done $0x0  }
0x75: {  	[sflag:s15] =	ssyncadd.s32 $0xFFFFD8F0  }
0x76: {  	_ =	swait.ge [sflag:s25], $0x2710  }
0x77: {  	[sflag:s25] =	ssyncset.done $0x0  }
0x78: {  	s19 =	sadd.s32 $0x200, s8;
	[sflag:s25] =	ssyncadd.s32 $0xFFFFD8F0  }
0x79: {  	[tilespmem:s18], [sflag:$0x1] =	stream.indirect.gather [hbm4b:s5+s17], $0x50, s19, s17, $0xb8;
	[tilespmem:$0x1AF90] =	vst v63  }
0x7a: {  	s19 =	sadd.s32 $0x2880, s8  }
0x7b: {  	[spmem:s2] =	stream.indirect.scatter.add.bf16 [tilespmem:s20], [sflag:$0x5], $0x50, s19, s17, $0xb8;
	[tilespmem:$0x1AF90] =	vst v63  }
0x7c: {  	_ =	swait.ge [sflag:s15], $0x2710  }
0x7d: {  	[sflag:s15] =	ssyncset.done $0x0  }
0x7e: {  	[sflag:s15] =	ssyncadd.s32 $0xFFFFD8F0  }
0x7f: {  	_ =	swait.ge [sflag:s26], $0x2710  }
0x80: {  	[sflag:s26] =	ssyncset.done $0x0  }
0x81: {  	s19 =	sadd.s32 $0x280, s8;
	[sflag:s26] =	ssyncadd.s32 $0xFFFFD8F0  }
0x82: {  	[tilespmem:s20], [sflag:$0x2] =	stream.indirect.gather [hbm4b:s5+s17], $0x50, s19, s17, $0xb8;
	[tilespmem:$0x1AF90] =	vst v63  }
0x83: {  	s19 =	sadd.s32 $0x2900, s8  }
0x84: {  	[spmem:s2] =	stream.indirect.scatter.add.bf16 [tilespmem:s22], [sflag:$0x5], $0x50, s19, s17, $0xb8;
	[tilespmem:$0x1AF90] =	vst v63  }
0x85: {  	_ =	swait.ge [sflag:s15], $0x2710  }
0x86: {  	[sflag:s15] =	ssyncset.done $0x0  }
0x87: {  	[sflag:s15] =	ssyncadd.s32 $0xFFFFD8F0  }
0x88: {  	_ =	swait.ge [sflag:s28], $0x2710  }
0x89: {  	[sflag:s28] =	ssyncset.done $0x0  }
0x8a: {  	s19 =	sadd.s32 $0x300, s8;
	[sflag:s28] =	ssyncadd.s32 $0xFFFFD8F0  }
0x8b: {  	[tilespmem:s22], [sflag:$0x3] =	stream.indirect.gather [hbm4b:s5+s17], $0x50, s19, s17, $0xb8;
	[tilespmem:$0x1AF90] =	vst v63  }
.Ltmp3:
0x8c: {  	_ = 	snop;
	(pc) =	sbr.rel @p1 .LBB2_3-.Ltmp3, $4  }
0x8d: {  	s8 =	sadd.s32 $0x2980, s8  }
0x8e: {  	[spmem:s2] =	stream.indirect.scatter.add.bf16 [tilespmem:s24], [sflag:$0x5], $0x50, s8, s17, $0xb8;
	[tilespmem:$0x1AF90] =	vst v63  }
0x8f: {  	_ =	swait.ge [sflag:s15], $0x2710  }
0x90: {  	[sflag:s15] =	ssyncset.done $0x0  }
.Ltmp4:
0x91: {  	[sflag:s15] =	ssyncadd.s32 $0xFFFFD8F0;
	(pc) =	sbr.rel .LBB2_8-.Ltmp4, $4  }
0x92: {  	_ =	swait.ge [sflag:s23], $0x2710  }
0x93: {  	[sflag:s23] =	ssyncset.done $0x0  }
0x94: {  	s8 =	rddreg [dreg:$0x3];
	[sflag:s23] =	ssyncadd.s32 $0xFFFFD8F0  }
0x95: {  	[tilespmem:s24], [sflag:$0x4] =	stream.indirect.gather [hbm4b:s5+s17], $0x50, s29, s17, $0xb8;
	[tilespmem:$0x1AF90] =	vst v63  }
.LBB2_5:
0x96: {  	[tilespmem:s18], [sflag:$0x1] =	stream.indirect.gather [hbm4b:s6+s17], $0x50, s8, s17, $0xb8;
	[tilespmem:$0x1AF90] =	vst v63  }
0x97: {  	s19 =	simm.s32 $0x80  }
0x98: {  	[tilespmem:s20], [sflag:$0x2] =	stream.indirect.gather [hbm4b:s6+s17], $0x50, s19, s17, $0xb8;
	[tilespmem:$0x1AF90] =	vst v63  }
0x99: {  	_ = 	snop  }
0x9a: {  	[tilespmem:s22], [sflag:$0x3] =	stream.indirect.gather [hbm4b:s6+s17], $0x50, s21, s17, $0xb8;
	[tilespmem:$0x1AF90] =	vst v63  }
0x9b: {  	_ =	swait.ge [sflag:s23], $0x2710  }
0x9c: {  	[sflag:s23] =	ssyncset.done $0x0  }
0x9d: {  	s16 =	simm.s32 $0x180;
	[sflag:s23] =	ssyncadd.s32 $0xFFFFD8F0  }
0x9e: {  	[tilespmem:s24], [sflag:$0x4] =	stream.indirect.gather [hbm4b:s6+s17], $0x50, s16, s17, $0xb8;
	[tilespmem:$0x1AF90] =	vst v63  }
0x9f: {  	s19 =	simm.s32 $0x2800  }
0xa0: {  	[spmem:s2] =	stream.indirect.scatter.add.bf16 [tilespmem:s18], [sflag:$0x5], $0x50, s19, s17, $0xb8;
	[tilespmem:$0x1AF90] =	vst v63  }
0xa1: {  	_ =	swait.ge [sflag:s15], $0x2710  }
0xa2: {  	[sflag:s15] =	ssyncset.done $0x0  }
0xa3: {  	[sflag:s15] =	ssyncadd.s32 $0xFFFFD8F0  }
0xa4: {  	_ =	swait.ge [sflag:s25], $0x2710  }
0xa5: {  	[sflag:s25] =	ssyncset.done $0x0  }
0xa6: {  	s16 =	simm.s32 $0x200;
	[sflag:s25] =	ssyncadd.s32 $0xFFFFD8F0  }
0xa7: {  	[tilespmem:s18], [sflag:$0x1] =	stream.indirect.gather [hbm4b:s6+s17], $0x50, s16, s17, $0xb8;
	[tilespmem:$0x1AF90] =	vst v63  }
0xa8: {  	s19 =	simm.s32 $0x2880  }
0xa9: {  	[spmem:s2] =	stream.indirect.scatter.add.bf16 [tilespmem:s20], [sflag:$0x5], $0x50, s19, s17, $0xb8;
	[tilespmem:$0x1AF90] =	vst v63  }
0xaa: {  	_ =	swait.ge [sflag:s15], $0x2710  }
0xab: {  	[sflag:s15] =	ssyncset.done $0x0  }
0xac: {  	[sflag:s15] =	ssyncadd.s32 $0xFFFFD8F0  }
0xad: {  	_ =	swait.ge [sflag:s26], $0x2710  }
0xae: {  	[sflag:s26] =	ssyncset.done $0x0  }
0xaf: {  	s16 =	simm.s32 $0x280;
	[sflag:s26] =	ssyncadd.s32 $0xFFFFD8F0  }
0xb0: {  	[tilespmem:s20], [sflag:$0x2] =	stream.indirect.gather [hbm4b:s6+s17], $0x50, s16, s17, $0xb8;
	[tilespmem:$0x1AF90] =	vst v63  }
0xb1: {  	s19 =	simm.s32 $0x2900  }
0xb2: {  	[spmem:s2] =	stream.indirect.scatter.add.bf16 [tilespmem:s22], [sflag:$0x5], $0x50, s19, s17, $0xb8;
	[tilespmem:$0x1AF90] =	vst v63  }
0xb3: {  	_ =	swait.ge [sflag:s15], $0x2710  }
0xb4: {  	[sflag:s15] =	ssyncset.done $0x0  }
0xb5: {  	[sflag:s15] =	ssyncadd.s32 $0xFFFFD8F0  }
0xb6: {  	_ =	swait.ge [sflag:s28], $0x2710  }
0xb7: {  	[sflag:s28] =	ssyncset.done $0x0  }
0xb8: {  	s16 =	simm.s32 $0x300;
	[sflag:s28] =	ssyncadd.s32 $0xFFFFD8F0  }
0xb9: {  	[tilespmem:s22], [sflag:$0x3] =	stream.indirect.gather [hbm4b:s6+s17], $0x50, s16, s17, $0xb8;
	[tilespmem:$0x1AF90] =	vst v63  }
0xba: {  	s19 =	simm.s32 $0x2980  }
0xbb: {  	[spmem:s2] =	stream.indirect.scatter.add.bf16 [tilespmem:s24], [sflag:$0x5], $0x50, s19, s17, $0xb8;
	[tilespmem:$0x1AF90] =	vst v63  }
0xbc: {  	_ =	swait.ge [sflag:s15], $0x2710  }
0xbd: {  	s16 =	simm.s32 $0x800;
	[sflag:s15] =	ssyncset.done $0x0  }
.LBB2_6:
0xbe: {  	p1 =	sne.s32 s16, $0x9000  }
0xbf: {  	[sflag:s15] =	ssyncadd.s32 $0xFFFFD8F0;
	s8 =	smov.u32 s16;
	s16 =	sadd.s32 $0x800, s16  }
0xc0: {  	_ = 	snop  }
0xc1: {  	_ =	swait.ge [sflag:s23], $0x2710  }
0xc2: {  	s8 =	sshra.s32 s8, $0x2;
	[sflag:s23] =	ssyncset.done $0x0  }
0xc3: {  	s19 =	sadd.s32 $0x180, s8;
	[sflag:s23] =	ssyncadd.s32 $0xFFFFD8F0  }
0xc4: {  	[tilespmem:s24], [sflag:$0x4] =	stream.indirect.gather [hbm4b:s6+s17], $0x50, s19, s17, $0xb8;
	[tilespmem:$0x1AF90] =	vst v63  }
0xc5: {  	s19 =	sadd.s32 $0x2800, s8  }
0xc6: {  	[spmem:s2] =	stream.indirect.scatter.add.bf16 [tilespmem:s18], [sflag:$0x5], $0x50, s19, s17, $0xb8;
	[tilespmem:$0x1AF90] =	vst v63  }
0xc7: {  	_ =	swait.ge [sflag:s15], $0x2710  }
0xc8: {  	[sflag:s15] =	ssyncset.done $0x0  }
0xc9: {  	[sflag:s15] =	ssyncadd.s32 $0xFFFFD8F0  }
0xca: {  	_ =	swait.ge [sflag:s25], $0x2710  }
0xcb: {  	[sflag:s25] =	ssyncset.done $0x0  }
0xcc: {  	s19 =	sadd.s32 $0x200, s8;
	[sflag:s25] =	ssyncadd.s32 $0xFFFFD8F0  }
0xcd: {  	[tilespmem:s18], [sflag:$0x1] =	stream.indirect.gather [hbm4b:s6+s17], $0x50, s19, s17, $0xb8;
	[tilespmem:$0x1AF90] =	vst v63  }
0xce: {  	s19 =	sadd.s32 $0x2880, s8  }
0xcf: {  	[spmem:s2] =	stream.indirect.scatter.add.bf16 [tilespmem:s20], [sflag:$0x5], $0x50, s19, s17, $0xb8;
	[tilespmem:$0x1AF90] =	vst v63  }
0xd0: {  	_ =	swait.ge [sflag:s15], $0x2710  }
0xd1: {  	[sflag:s15] =	ssyncset.done $0x0  }
0xd2: {  	[sflag:s15] =	ssyncadd.s32 $0xFFFFD8F0  }
0xd3: {  	_ =	swait.ge [sflag:s26], $0x2710  }
0xd4: {  	[sflag:s26] =	ssyncset.done $0x0  }
0xd5: {  	s19 =	sadd.s32 $0x280, s8;
	[sflag:s26] =	ssyncadd.s32 $0xFFFFD8F0  }
0xd6: {  	[tilespmem:s20], [sflag:$0x2] =	stream.indirect.gather [hbm4b:s6+s17], $0x50, s19, s17, $0xb8;
	[tilespmem:$0x1AF90] =	vst v63  }
0xd7: {  	s19 =	sadd.s32 $0x2900, s8  }
0xd8: {  	[spmem:s2] =	stream.indirect.scatter.add.bf16 [tilespmem:s22], [sflag:$0x5], $0x50, s19, s17, $0xb8;
	[tilespmem:$0x1AF90] =	vst v63  }
0xd9: {  	_ =	swait.ge [sflag:s15], $0x2710  }
0xda: {  	[sflag:s15] =	ssyncset.done $0x0  }
0xdb: {  	[sflag:s15] =	ssyncadd.s32 $0xFFFFD8F0  }
0xdc: {  	_ =	swait.ge [sflag:s28], $0x2710  }
0xdd: {  	[sflag:s28] =	ssyncset.done $0x0  }
0xde: {  	s19 =	sadd.s32 $0x300, s8;
	[sflag:s28] =	ssyncadd.s32 $0xFFFFD8F0  }
0xdf: {  	[tilespmem:s22], [sflag:$0x3] =	stream.indirect.gather [hbm4b:s6+s17], $0x50, s19, s17, $0xb8;
	[tilespmem:$0x1AF90] =	vst v63  }
.Ltmp5:
0xe0: {  	_ = 	snop;
	(pc) =	sbr.rel @p1 .LBB2_6-.Ltmp5, $4  }
0xe1: {  	s8 =	sadd.s32 $0x2980, s8  }
0xe2: {  	[spmem:s2] =	stream.indirect.scatter.add.bf16 [tilespmem:s24], [sflag:$0x5], $0x50, s8, s17, $0xb8;
	[tilespmem:$0x1AF90] =	vst v63  }
0xe3: {  	_ =	swait.ge [sflag:s15], $0x2710  }
0xe4: {  	[sflag:s15] =	ssyncset.done $0x0  }
.Ltmp6:
0xe5: {  	_ = 	snop;
	(pc) =	sbr.rel .LBB2_7-.Ltmp6, $1  }
0xe6: {  	_ =	sdelay $0x3  }
.LBB2_9:
0xe7: {  	_ =	sfence.sel $0x180000  }
0xe8: {  	[bflag:$0x0] =	sbarrier.arrive $0xFFFF  }
0xe9: {  	_ =	strace $0x9000004D  }
0xea: {  	s0 =	stileid.u32;
	[bflag:$0x2] =	sbarrier.arrive $0xFFFF  }
0xeb: {  	p0 =	sne.s32 s0, $0x0;
	s0 =	rddreg [dreg:$0x2]  }
0xec: {  	s0 =	sadd.s32 @!p0 $0x100000, s0  }
0xed: {  	[sflag:s0] =	ssyncadd.tile.s32 @!p0 $0x1;
	_ =	shalt  }
.Lfunc_end2:
_tile_overlayer_lowered:
.L_overlay_start_2:
0xee: {  	(tag) =	ssettag $0x2  }
0xef: {  	s0 =	rddreg [dreg:$0x0];
	s2 =	stileid.u32  }
0xf0: {  	s1 =	rddreg [dreg:$0x1];
	p0 =	sne.s32 s2, $0x0  }
0xf1: {  	s3 =	rddreg [dreg:$0x2];
	[bflag:$0x3] =	sbarrier.arrive $0xFFFF;
	s2 =	simm.s32 @!p0 $0x1C05  }
0xf2: {  	[timem:s3], [sflag:s2] =	dma.local @!p0 [hbm:s0], s1  }
0xf3: {  	s0 =	simm.s32 @!p0 $0x5  }
0xf4: {  	_ =	swait.ge @!p0 [sflag:s0], s1  }
0xf5: {  	s1 =	ssub.s32 @!p0 $0x0, s1;
	[sflag:s0] =	ssyncset.done @!p0 $0x0  }
0xf6: {  	[sflag:s0] =	ssyncadd.s32 @!p0 s1  }
0xf7: {  	[bflag:$0x3] =	sbarrier.arrive $0xFFFF  }
0xf8: {  	_ =	shalt  }

// kernel: kernel.9.cloned.1.call-start
scs
__scs_entry_jumppad:
0x0: {  	(pc) =	sbr.rel $0x88, $3  }
0x1: {  	(tag) =	ssettag $0x0;
	lr =	simm.s32 $0x1  }
0x2: {  	[smem:$0x3F8E] =	sst lr;
	_ =	strace $0xD0000000  }
0x3: {  	_ = 	snop  }
0x4: {  	_ = 	snop  }
0x5: {  	_ = 	snop  }
0x6: {  	_ = 	snop  }
0x7: {  	_ = 	snop  }
__scs_overlays_trampoline_lowered:
0x8: {  	[smem:$0x3F9D] =	sst s0  }
0x9: {  	[smem:$0x3F9E] =	sst s1  }
0xa: {  	[smem:$0x3F9F] =	sst s2  }
0xb: {  	[smem:$0x3FA0] =	sst s3  }
0xc: {  	[smem:$0x3FA1] =	sst s4  }
0xd: {  	[smem:$0x3FA2] =	sst s5  }
0xe: {  	[smem:$0x3FA3] =	sst s6  }
0xf: {  	[smem:$0x3FA4] =	sst s7  }
0x10: {  	[smem:$0x3FA5] =	sst s8  }
0x11: {  	[smem:$0x3FA6] =	sst s9;
	s0 =	simm.s32 @!p0 $0x0  }
0x12: {  	s1 =	sld [smem:$0x3F8C];
	s0 =	simm.s32 @p0 $0x1  }
0x13: {  	[smem:$0x3FA7] =	sst s0;
	s0 =	simm.s32 @!p1 $0x0  }
0x14: {  	s2 =	sld [smem:$0x3F8B];
	s0 =	simm.s32 @p1 $0x1  }
0x15: {  	[smem:$0x3FA8] =	sst s0;
	s0 =	simm.s32 @!p2 $0x0  }
0x16: {  	s3 =	sld [smem:$0x3FDB];
	s0 =	simm.s32 @p2 $0x1  }
0x17: {  	s4 =	simm.s32 $0x1BF5;
	[smem:$0x3FAA] =	sst s0  }
0x18: {  	s0 =	sld [smem:$0x3F8D];
	_ =	swait.ge [sflag:s4], $0x0  }
0x19: {  	s7 =	sld [smem:$0x3F8E]  }
0x1a: {  	s8 =	sadd.s32 $0xFFFFE003, lr  }
0x1b: {  	s9 =	sadd.s32 $0xFFFFFEF7, lr;
	s5 =	simm.s32 $0xFFFFFFFF;
	p2 =	slt.u32 s8, $0xFFFFF086  }
0x1c: {  	p1 =	slt.u32 s9, $0xF7A;
	s5 =	simm.s32 @!p2 $0x0  }
0x1d: {  	s5 =	simm.s32 @p1 $0x1;
	p0 =	seq.s32 s7, s2  }
0x1e: {  	s7 =	smul.u32 @!p0 $0xF7A, s2;
	p2 =	seq.s32 @!p0 s5, $0x0  }
0x1f: {  	s9 =	smul.u32 $0xF7A, s1;
	s8 =	simm.s32 @!p0 $0x1BF5;
	p2 =	por !p2, p0  }
0x20: {  	[sflag:s8] =	ssyncset.s32 @!p0 $0xFFFFF086;
	s6 =	sadd.s32 @!p0 s3, s7;
	s7 =	simm.s32 @!p0 $0x108  }
0x21: {  	s3 =	sadd.s32 s3, s9;
	s6 =	sadd.s32 @!p0 $0x88, s6;
	s7 =	simm.s32 @p2 $0x1082  }
0x22: {  	[simem:s7], [sflag:s8] =	dma.local @!p0 [hbm:s6], $0xF7A  }
0x23: {  	s9 =	sor.u32 $0xD0000000, s2;
	s6 =	simm.s32 $0x108;
	_ =	swait.ge @!p0 [sflag:s8], $0x0  }
0x24: {  	s3 =	sadd.s32 $0x88, s3;
	s6 =	simm.s32 @!p1 $0x1082;
	[sflag:s4] =	ssyncset.s32 $0xFFFFF086  }
0x25: {  	[simem:s6], [sflag:s4] =	dma.local [hbm:s3], $0xF7A  }
0x26: {  	[smem:$0x3F8E] =	sst s1;
	(tag) =	ssettag s2;
	_ =	strace s9  }
0x27: {  	s1 =	sld [smem:$0x3F9E]  }
0x28: {  	s2 =	sld [smem:$0x3F9F]  }
0x29: {  	s4 =	sld [smem:$0x3FA1]  }
0x2a: {  	p0 =	seq.s32 s5, $0x0;
	s5 =	sld [smem:$0x3FA2]  }
0x2b: {  	s6 =	sld [smem:$0x3FA3]  }
0x2c: {  	s7 =	sld [smem:$0x3FA4]  }
0x2d: {  	s3 =	simm.s32 $0x108;
	s8 =	sld [smem:$0x3FA5]  }
0x2e: {  	s3 =	simm.s32 @!p0 $0x1082;
	s9 =	sld [smem:$0x3FA6]  }
0x2f: {  	lr =	sadd.s32 s0, s3;
	s0 =	sld [smem:$0x3F9D]  }
0x30: {  	s3 =	sld [smem:$0x3FA0]  }
0x31: {  	[smem:$0x3FA9] =	sst s10  }
0x32: {  	s10 =	sld [smem:$0x3FA7];
	_ =	sdelay $0x3  }
0x33: {  	p0 =	seq.s32 s10, $0x1;
	s10 =	sld [smem:$0x3FA9];
	_ =	sdelay $0x3  }
0x34: {  	[smem:$0x3FA9] =	sst s10  }
0x35: {  	s10 =	sld [smem:$0x3FA8];
	_ =	sdelay $0x3  }
0x36: {  	p1 =	seq.s32 s10, $0x1;
	s10 =	sld [smem:$0x3FA9];
	_ =	sdelay $0x3  }
0x37: {  	[smem:$0x3FA9] =	sst s10  }
0x38: {  	s10 =	sld [smem:$0x3FAA]  }
0x39: {  	_ = 	snop;
	(pc) =	sbr.ind lr, $3  }
0x3a: {  	_ = 	snop  }
0x3b: {  	_ = 	snop  }
0x3c: {  	p2 =	seq.s32 s10, $0x1;
	s10 =	sld [smem:$0x3FA9]  }
0x3d: {  	_ =	shalt  }
0x3e: {  	_ =	shalt  }
0x3f: {  	_ =	shalt  }
0x40: {  	_ =	shalt  }
0x41: {  	_ =	shalt  }
0x42: {  	_ =	shalt  }
0x43: {  	_ =	shalt  }
0x44: {  	_ =	shalt  }
0x45: {  	_ =	shalt  }
0x46: {  	_ =	shalt  }
0x47: {  	_ =	shalt  }
0x48: {  	_ =	shalt  }
0x49: {  	_ =	shalt  }
0x4a: {  	_ =	shalt  }
0x4b: {  	_ =	shalt  }
0x4c: {  	_ =	shalt  }
0x4d: {  	_ =	shalt  }
0x4e: {  	_ =	shalt  }
0x4f: {  	_ =	shalt  }
0x50: {  	_ =	shalt  }
0x51: {  	_ =	shalt  }
0x52: {  	_ =	shalt  }
0x53: {  	_ =	shalt  }
0x54: {  	_ =	shalt  }
0x55: {  	_ =	shalt  }
0x56: {  	_ =	shalt  }
0x57: {  	_ =	shalt  }
0x58: {  	_ =	shalt  }
0x59: {  	_ =	shalt  }
0x5a: {  	_ =	shalt  }
0x5b: {  	_ =	shalt  }
0x5c: {  	_ =	shalt  }
0x5d: {  	_ =	shalt  }
0x5e: {  	_ =	shalt  }
0x5f: {  	_ =	shalt  }
0x60: {  	_ =	shalt  }
0x61: {  	_ =	shalt  }
0x62: {  	_ =	shalt  }
0x63: {  	_ =	shalt  }
0x64: {  	_ =	shalt  }
0x65: {  	_ =	shalt  }
0x66: {  	_ =	shalt  }
0x67: {  	_ =	shalt  }
0x68: {  	_ =	shalt  }
0x69: {  	_ =	shalt  }
0x6a: {  	_ =	shalt  }
0x6b: {  	_ =	shalt  }
0x6c: {  	_ =	shalt  }
0x6d: {  	_ =	shalt  }
0x6e: {  	_ =	shalt  }
0x6f: {  	_ =	shalt  }
0x70: {  	_ =	shalt  }
0x71: {  	_ =	shalt  }
0x72: {  	_ =	shalt  }
0x73: {  	_ =	shalt  }
0x74: {  	_ =	shalt  }
0x75: {  	_ =	shalt  }
0x76: {  	_ =	shalt  }
0x77: {  	_ =	shalt  }
0x78: {  	_ =	shalt  }
0x79: {  	_ =	shalt  }
0x7a: {  	_ =	shalt  }
0x7b: {  	_ =	shalt  }
0x7c: {  	_ =	shalt  }
0x7d: {  	_ =	shalt  }
0x7e: {  	_ =	shalt  }
0x7f: {  	_ =	shalt  }
0x80: {  	_ =	shalt  }
0x81: {  	_ =	shalt  }
0x82: {  	_ =	shalt  }
0x83: {  	_ =	shalt  }
0x84: {  	_ =	shalt  }
0x85: {  	_ =	shalt  }
0x86: {  	_ =	shalt  }
0x87: {  	_ =	shalt  }
.Lfunc_end0:
.L_simem_size_0:
called_computation_lowered:
.L_overlay_start_0:
0x88: {  	s2 =	sld [smem:$0x3FD9]  }
0x89: {  	s3 =	sld [smem:$0x3FFE];
	_ =	sdelay $0x1  }
0x8a: {  	s1 =	srdreg.scid  }
0x8b: {  	s0 =	sand.u32 $0x1, s1  }
0x8c: {  	s16 =	sshll.u32 s0, $0xA;
	s2 =	sadd.s32 s3, s2  }
0x8d: {  	s2 =	sadd.s32 s2, s16  }
0x8e: {  	[smem:$0x3FB5] =	sst s2  }
0x8f: {  	_ = 	snop  }
0x90: {  	(tm) =	ssettm $0x1  }
0x91: {  	s17 =	sld [smem:$0x3FFB];
	_ =	sdelay $0x3  }
0x92: {  	_ =	strace s17  }
0x93: {  	s2 =	sld [smem:$0x3FFC];
	_ =	sdelay $0x3  }
0x94: {  	_ =	strace s2  }
0x95: {  	s2 =	sld [smem:$0x3FFD];
	_ =	sdelay $0x3  }
0x96: {  	_ =	strace s2  }
0x97: {  	_ =	strace $0x8FFFFFFF  }
0x98: {  	s18 =	sld [smem:$0x3FDB];
	_ =	sdelay $0x1  }
0x99: {  	s19 =	simm.s32 $_scs_section_size  }
0x9a: {  	s4 =	simm.s32 $_size__tile_overlayer_lowered;
	s5 =	simm.s32 $_tile_overlayer_lowered  }
0x9b: {  	s22 =	simm.s32 $0x1BFF;
	s21 =	sshll.u32 s5, $0x1;
	s2 =	sadd.s32 s19, s18  }
0x9c: {  	s6 =	simm.s32 $0x0;
	s20 =	sshll.u32 s4, $0x1;
	s4 =	sadd.s32 s21, s2  }
0x9d: {  	[timem:s6], [sflag:s22] =	dma.local [hbm:s4], s20  }
0x9e: {  	_ =	swait.ge [sflag:s22], s20  }
0x9f: {  	s3 =	ssub.s32 $0x0, s20;
	[sflag:s22] =	ssyncset.done $0x0  }
0xa0: {  	[sflag:s22] =	ssyncadd.s32 s3;
	_ =	sdelay $0x1  }
0xa1: {  	s23 =	simm.s32 $0x1B8B  }
0xa2: {  	_ =	swait.ge [sflag:s23], $0x1  }
0xa3: {  	[sflag:s23] =	ssyncset.done $0x0  }
0xa4: {  	s25 =	simm.s32 $0x1B8E;
	s24 =	sld [smem:$0x3FFE];
	[sflag:s23] =	ssyncadd.s32 $0xFFFFFFFF  }
0xa5: {  	s26 =	simm.s32 $execute0_lowered;
	[smem:$0x3FD2] =	sst s25  }
0xa6: {  	s4 =	sshll.u32 s26, $0x1;
	_ =	strace $0x80000046;
	[dreg:$0x1] =	wrdreg $0xFFFFFFFF  }
0xa7: {  	s28 =	simm.s32 $_size_execute0_lowered;
	s2 =	sadd.s32 s2, s4;
	[dreg:$0x0] =	wrdreg $0x0  }
0xa8: {  	s4 =	sshll.u32 s28, $0x1;
	[dreg:$0x2] =	wrdreg s2  }
0xa9: {  	[dreg:$0x3] =	wrdreg s4  }
0xaa: {  	[dreg:$0x4] =	wrdreg $0xC0  }
0xab: {  	_ =	task [dreg:s6], $0x5FFFF  }
0xac: {  	[dreg:$0x1] =	wrdreg $0xFFFFFFFF  }
0xad: {  	[dreg:$0x0] =	wrdreg $0x60  }
0xae: {  	[dreg:$0x2] =	wrdreg s24  }
0xaf: {  	[dreg:$0x3] =	wrdreg $0xEC400  }
0xb0: {  	[dreg:$0x4] =	wrdreg $0x9  }
0xb1: {  	_ =	task.clear_ibuf [dreg:s6], $0x5FFFF;
	_ =	strace $0x90000046  }
0xb2: {  	s29 =	simm.s32 $0x9;
	_ =	strace $0x80000048  }
0xb3: {  	_ =	swait.ge [sflag:s29], $0x1  }
0xb4: {  	[sflag:s29] =	ssyncadd.s32 $0xFFFFFFFF  }
0xb5: {  	_ =	strace $0x90000048  }
0xb6: {  	_ =	sfence  }
0xb7: {  	s30 =	sld [smem:$0x0];
	_ =	sdelay $0x2  }
0xb8: {  	s31 =	sshll.u32 s1, $0xD;
	s1 =	sshrl.u32 s1, $0x2  }
0xb9: {  	s3 =	sand.u32 $0x4000, s31;
	s1 =	sadd.s32 s1, s30  }
0xba: {  	s0 =	sor.u32 s3, s0;
	s1 =	sshll.u32 s1, $0x11  }
0xbb: {  	s0 =	sor.u32 s1, s0  }
0xbc: {  	s0 =	sadd.s32 $0x8F2B, s0  }
0xbd: {  	[sflag:s0] =	ssyncadd.remote.s32 $0x1  }
0xbe: {  	_ =	sfence.sel $0xFFFF  }
0xbf: {  	[dreg:$0x0] =	wrdreg $0xFFFFFFFF;
	(pc) =	sbr.abs _section_cstart, $3  }
0xc0: {  	[dreg:$0x1] =	wrdreg $0xFFFFFFFF  }
0xc1: {  	_ =	task.clear_ibuf [dreg:s6], $0x2FFFF;
	_ =	strace $0x9FFFFFFF  }
0xc2: {  	(tm) =	ssettm $0x7FFFFFFF  }
0xc3: {  	_ =	shalt  }
tec
execute0_lowered:
.L_overlay_start_1:
0x0: {  	(tag) =	ssettag $0x1  }
0x1: {  	s0 =	rddreg [dreg:$0x0]  }
0x2: {  	s2 =	rddreg [dreg:$0x1];
	s9 =	stileid.u32;
	s3 =	simm.s32 $0x0  }
0x3: {  	s6 =	srdreg.scid;
	s15 =	simm.s32 $0x5;
	s17 =	simm.s32 $0x7D  }
0x4: {  	s18 =	simm.s32 $0x5000;
	s20 =	simm.s32 $0x7710;
	s21 =	simm.s32 $0x100  }
0x5: {  	s22 =	simm.s32 $0x9E20;
	s23 =	simm.s32 $0x1;
	s24 =	simm.s32 $0xC530  }
0x6: {  	s28 =	simm.s32 $0x4;
	s29 =	simm.s32 $0x2780;
	s30 =	simm.s32 $0x4E00  }
0x7: {  	s31 =	simm.s32 $0x4E80;
	s1 =	smul.u32 $0x500, s9;
	[smem:$0x7FF] =	sst s3  }
0x8: {  	s4 =	sadd.s32 $0x3EE00, s0;
	s5 =	sadd.s32 $0x1C600, s0;
	s7 =	sand.u32 $0x1, s6  }
0x9: {  	s6 =	sadd.s32 $0x3E00, s0;
	s12 =	smul.u32 $0x186A0, s9;
	s10 =	sadd.s32 $0x59000, s0  }
0xa: {  	s9 =	sshll.u32 s9, $0x6;
	_ =	strace $0x80000047;
	s8 =	ssub.s32 $0x2, s7  }
0xb: {  	[dreg:$0x3] =	wrdreg s10;
	s9 =	sor.u32 $0x1C05, s9;
	p0 =	sne.s32 s7, $0x0  }
0xc: {  	s7 =	simm.s32 $0x0;
	s1 =	sadd.s32 s1, s0;
	s0 =	sadd.s32 $0x40800, s0  }
.Ltmp0:
0xd: {  	s25 =	sshrl.u32 s8, $0x1;
	s26 =	sshrl.u32 s12, $0x1;
	(pc) =	sbr.rel .LBB2_1-.Ltmp0, $4  }
0xe: {  	s12 =	sshrl.u32 s12, $0x4;
	[dreg:$0x4] =	wrdreg s0;
	s0 =	ssub.s32 s8, s25  }
0xf: {  	s8 =	sadd.s32 s26, s2;
	s10 =	sadd.s32 $0x39E00, s1;
	s11 =	sadd.s32 $0x34E00, s1  }
0x10: {  	s25 =	simm.s32 $0x2;
	s26 =	simm.s32 $0x3;
	s1 =	simm.s32 $0x4F80  }
0x11: {  	s13 =	smax.u32 s0, $0x1;
	s14 =	sshrl.u32 s8, $0x3;
	s0 =	simm.s32 $0x4F00  }
.LBB2_7:
0x12: {  	[sflag:s15] =	ssyncadd.s32 $0xFFFFD8F0  }
0x13: {  	_ =	swait.ge [sflag:s23], $0x2710  }
0x14: {  	[sflag:s23] =	ssyncset.done $0x0  }
0x15: {  	s8 =	rddreg [dreg:$0x4];
	[sflag:s23] =	ssyncadd.s32 $0xFFFFD8F0  }
0x16: {  	[tilespmem:s24], [sflag:$0x4] =	stream.indirect.gather [hbm4b:s6+s17], $0x50, s29, s17, $0xb8;
	[tilespmem:$0x1AF90] =	vst v63  }
.LBB2_8:
0x17: {  	[spmem:s2] =	stream.indirect.scatter.add.bf16 [tilespmem:s18], [sflag:$0x5], $0x50, s30, s17, $0xb8;
	[tilespmem:$0x1AF90] =	vst v63  }
0x18: {  	_ =	swait.ge [sflag:s15], $0x2710  }
0x19: {  	[sflag:s15] =	ssyncset.done $0x0  }
0x1a: {  	[sflag:s15] =	ssyncadd.s32 $0xFFFFD8F0  }
0x1b: {  	_ =	swait.ge [sflag:s25], $0x2710  }
0x1c: {  	[sflag:s25] =	ssyncset.done $0x0  }
0x1d: {  	[sflag:s25] =	ssyncadd.s32 $0xFFFFD8F0  }
0x1e: {  	[spmem:s2] =	stream.indirect.scatter.add.bf16 [tilespmem:s20], [sflag:$0x5], $0x50, s31, s17, $0xb8;
	[tilespmem:$0x1AF90] =	vst v63  }
0x1f: {  	_ =	swait.ge [sflag:s15], $0x2710  }
0x20: {  	[sflag:s15] =	ssyncset.done $0x0  }
0x21: {  	[sflag:s15] =	ssyncadd.s32 $0xFFFFD8F0  }
0x22: {  	_ =	swait.ge [sflag:s26], $0x2710  }
0x23: {  	[sflag:s26] =	ssyncset.done $0x0  }
0x24: {  	[sflag:s26] =	ssyncadd.s32 $0xFFFFD8F0  }
0x25: {  	[spmem:s2] =	stream.indirect.scatter.add.bf16 [tilespmem:s22], [sflag:$0x5], $0x50, s0, s17, $0xb8;
	[tilespmem:$0x1AF90] =	vst v63  }
0x26: {  	_ =	swait.ge [sflag:s15], $0x2710  }
0x27: {  	[sflag:s15] =	ssyncset.done $0x0  }
0x28: {  	[sflag:s15] =	ssyncadd.s32 $0xFFFFD8F0  }
0x29: {  	_ =	swait.ge [sflag:s28], $0x2710  }
0x2a: {  	[sflag:s28] =	ssyncset.done $0x0  }
0x2b: {  	[sflag:s28] =	ssyncadd.s32 $0xFFFFD8F0  }
0x2c: {  	[spmem:s2] =	stream.indirect.scatter.add.bf16 [tilespmem:s24], [sflag:$0x5], $0x50, s1, s17, $0xb8;
	[tilespmem:$0x1AF90] =	vst v63  }
0x2d: {  	_ =	swait.ge [sflag:s15], $0x2710  }
0x2e: {  	s7 =	sadd.s32 $0x1, s7;
	[sflag:s15] =	ssyncset.done $0x0  }
0x2f: {  	p1 =	sne.s32 s7, s13;
	[sflag:s15] =	ssyncadd.s32 $0xFFFFD8F0  }
.Ltmp1:
0x30: {  	s8 =	sadd.s32 s8, s12;
	[bflag:$0x0] =	sbarrier.arrive $0xFFFF;
	(pc) =	sbr.rel @!p1 .LBB2_9-.Ltmp1, $4  }
0x31: {  	[hbm:s8], [sflag:s9] =	dma.local [spmem:s14], $0x186A  }
0x32: {  	_ =	swait.ge [sflag:s15], $0x186A  }
0x33: {  	[sflag:s15] =	ssyncset.done $0x0  }
0x34: {  	[sflag:s15] =	ssyncadd.s32 $0xFFFFE796  }
.LBB2_1:
0x35: {  	[spmem:s14], [sflag:s9] =	dma.local [hbm:s4], $0x186A  }
0x36: {  	_ =	swait.ge [sflag:s15], $0x186A  }
0x37: {  	[sflag:s15] =	ssyncset.done $0x0  }
0x38: {  	[sflag:s15] =	ssyncadd.s32 $0xFFFFE796  }
0x39: {  	[bflag:$0x0] =	sbarrier.arrive $0xFFFF  }
0x3a: {  	[tilespmem:s3], [sflag:$0x5] =	stream.linear.gather [hbm4b:s10+s3], $0x2800, $0x38;
	[tilespmem:$0x1AF90] =	vst v63  }
0x3b: {  	_ =	swait.ge [sflag:s15], $0x2800  }
0x3c: {  	[sflag:s15] =	ssyncset.done $0x0  }
.Ltmp2:
0x3d: {  	s8 =	simm.s32 $0x2800;
	[sflag:s15] =	ssyncadd.s32 $0xFFFFD800;
	(pc) =	sbr.rel @p0 .LBB2_5-.Ltmp2, $4  }
0x3e: {  	[tilespmem:s8], [sflag:$0x5] =	stream.linear.gather [hbm4b:s11+s3], $0x2800, $0x38;
	[tilespmem:$0x1AF90] =	vst v63  }
0x3f: {  	_ =	swait.ge [sflag:s15], $0x2800  }
0x40: {  	[sflag:s15] =	ssyncset.done $0x0  }
0x41: {  	s8 =	simm.s32 $0x0;
	[sflag:s15] =	ssyncadd.s32 $0xFFFFD800  }
0x42: {  	[tilespmem:s18], [sflag:$0x1] =	stream.indirect.gather [hbm4b:s5+s17], $0x50, s8, s17, $0xb8;
	[tilespmem:$0x1AF90] =	vst v63  }
0x43: {  	s19 =	simm.s32 $0x80  }
0x44: {  	[tilespmem:s20], [sflag:$0x2] =	stream.indirect.gather [hbm4b:s5+s17], $0x50, s19, s17, $0xb8;
	[tilespmem:$0x1AF90] =	vst v63  }
0x45: {  	_ = 	snop  }
0x46: {  	[tilespmem:s22], [sflag:$0x3] =	stream.indirect.gather [hbm4b:s5+s17], $0x50, s21, s17, $0xb8;
	[tilespmem:$0x1AF90] =	vst v63  }
0x47: {  	_ =	swait.ge [sflag:s23], $0x2710  }
0x48: {  	[sflag:s23] =	ssyncset.done $0x0  }
0x49: {  	s16 =	simm.s32 $0x180;
	[sflag:s23] =	ssyncadd.s32 $0xFFFFD8F0  }
0x4a: {  	[tilespmem:s24], [sflag:$0x4] =	stream.indirect.gather [hbm4b:s5+s17], $0x50, s16, s17, $0xb8;
	[tilespmem:$0x1AF90] =	vst v63  }
0x4b: {  	s19 =	simm.s32 $0x2800  }
0x4c: {  	[spmem:s2] =	stream.indirect.scatter.add.bf16 [tilespmem:s18], [sflag:$0x5], $0x50, s19, s17, $0xb8;
	[tilespmem:$0x1AF90] =	vst v63  }
0x4d: {  	_ =	swait.ge [sflag:s15], $0x2710  }
0x4e: {  	[sflag:s15] =	ssyncset.done $0x0  }
0x4f: {  	[sflag:s15] =	ssyncadd.s32 $0xFFFFD8F0  }
0x50: {  	_ =	swait.ge [sflag:s25], $0x2710  }
0x51: {  	[sflag:s25] =	ssyncset.done $0x0  }
0x52: {  	s16 =	simm.s32 $0x200;
	[sflag:s25] =	ssyncadd.s32 $0xFFFFD8F0  }
0x53: {  	[tilespmem:s18], [sflag:$0x1] =	stream.indirect.gather [hbm4b:s5+s17], $0x50, s16, s17, $0xb8;
	[tilespmem:$0x1AF90] =	vst v63  }
0x54: {  	s19 =	simm.s32 $0x2880  }
0x55: {  	[spmem:s2] =	stream.indirect.scatter.add.bf16 [tilespmem:s20], [sflag:$0x5], $0x50, s19, s17, $0xb8;
	[tilespmem:$0x1AF90] =	vst v63  }
0x56: {  	_ =	swait.ge [sflag:s15], $0x2710  }
0x57: {  	[sflag:s15] =	ssyncset.done $0x0  }
0x58: {  	[sflag:s15] =	ssyncadd.s32 $0xFFFFD8F0  }
0x59: {  	_ =	swait.ge [sflag:s26], $0x2710  }
0x5a: {  	[sflag:s26] =	ssyncset.done $0x0  }
0x5b: {  	s16 =	simm.s32 $0x280;
	[sflag:s26] =	ssyncadd.s32 $0xFFFFD8F0  }
0x5c: {  	[tilespmem:s20], [sflag:$0x2] =	stream.indirect.gather [hbm4b:s5+s17], $0x50, s16, s17, $0xb8;
	[tilespmem:$0x1AF90] =	vst v63  }
0x5d: {  	s19 =	simm.s32 $0x2900  }
0x5e: {  	[spmem:s2] =	stream.indirect.scatter.add.bf16 [tilespmem:s22], [sflag:$0x5], $0x50, s19, s17, $0xb8;
	[tilespmem:$0x1AF90] =	vst v63  }
0x5f: {  	_ =	swait.ge [sflag:s15], $0x2710  }
0x60: {  	[sflag:s15] =	ssyncset.done $0x0  }
0x61: {  	[sflag:s15] =	ssyncadd.s32 $0xFFFFD8F0  }
0x62: {  	_ =	swait.ge [sflag:s28], $0x2710  }
0x63: {  	[sflag:s28] =	ssyncset.done $0x0  }
0x64: {  	s16 =	simm.s32 $0x300;
	[sflag:s28] =	ssyncadd.s32 $0xFFFFD8F0  }
0x65: {  	[tilespmem:s22], [sflag:$0x3] =	stream.indirect.gather [hbm4b:s5+s17], $0x50, s16, s17, $0xb8;
	[tilespmem:$0x1AF90] =	vst v63  }
0x66: {  	s19 =	simm.s32 $0x2980  }
0x67: {  	[spmem:s2] =	stream.indirect.scatter.add.bf16 [tilespmem:s24], [sflag:$0x5], $0x50, s19, s17, $0xb8;
	[tilespmem:$0x1AF90] =	vst v63  }
0x68: {  	_ =	swait.ge [sflag:s15], $0x2710  }
0x69: {  	s16 =	simm.s32 $0x800;
	[sflag:s15] =	ssyncset.done $0x0  }
.LBB2_3:
0x6a: {  	p1 =	sne.s32 s16, $0x9000  }
0x6b: {  	[sflag:s15] =	ssyncadd.s32 $0xFFFFD8F0;
	s8 =	smov.u32 s16;
	s16 =	sadd.s32 $0x800, s16  }
0x6c: {  	_ = 	snop  }
0x6d: {  	_ =	swait.ge [sflag:s23], $0x2710  }
0x6e: {  	s8 =	sshra.s32 s8, $0x2;
	[sflag:s23] =	ssyncset.done $0x0  }
0x6f: {  	s19 =	sadd.s32 $0x180, s8;
	[sflag:s23] =	ssyncadd.s32 $0xFFFFD8F0  }
0x70: {  	[tilespmem:s24], [sflag:$0x4] =	stream.indirect.gather [hbm4b:s5+s17], $0x50, s19, s17, $0xb8;
	[tilespmem:$0x1AF90] =	vst v63  }
0x71: {  	s19 =	sadd.s32 $0x2800, s8  }
0x72: {  	[spmem:s2] =	stream.indirect.scatter.add.bf16 [tilespmem:s18], [sflag:$0x5], $0x50, s19, s17, $0xb8;
	[tilespmem:$0x1AF90] =	vst v63  }
0x73: {  	_ =	swait.ge [sflag:s15], $0x2710  }
0x74: {  	[sflag:s15] =	ssyncset.done $0x0  }
0x75: {  	[sflag:s15] =	ssyncadd.s32 $0xFFFFD8F0  }
0x76: {  	_ =	swait.ge [sflag:s25], $0x2710  }
0x77: {  	[sflag:s25] =	ssyncset.done $0x0  }
0x78: {  	s19 =	sadd.s32 $0x200, s8;
	[sflag:s25] =	ssyncadd.s32 $0xFFFFD8F0  }
0x79: {  	[tilespmem:s18], [sflag:$0x1] =	stream.indirect.gather [hbm4b:s5+s17], $0x50, s19, s17, $0xb8;
	[tilespmem:$0x1AF90] =	vst v63  }
0x7a: {  	s19 =	sadd.s32 $0x2880, s8  }
0x7b: {  	[spmem:s2] =	stream.indirect.scatter.add.bf16 [tilespmem:s20], [sflag:$0x5], $0x50, s19, s17, $0xb8;
	[tilespmem:$0x1AF90] =	vst v63  }
0x7c: {  	_ =	swait.ge [sflag:s15], $0x2710  }
0x7d: {  	[sflag:s15] =	ssyncset.done $0x0  }
0x7e: {  	[sflag:s15] =	ssyncadd.s32 $0xFFFFD8F0  }
0x7f: {  	_ =	swait.ge [sflag:s26], $0x2710  }
0x80: {  	[sflag:s26] =	ssyncset.done $0x0  }
0x81: {  	s19 =	sadd.s32 $0x280, s8;
	[sflag:s26] =	ssyncadd.s32 $0xFFFFD8F0  }
0x82: {  	[tilespmem:s20], [sflag:$0x2] =	stream.indirect.gather [hbm4b:s5+s17], $0x50, s19, s17, $0xb8;
	[tilespmem:$0x1AF90] =	vst v63  }
0x83: {  	s19 =	sadd.s32 $0x2900, s8  }
0x84: {  	[spmem:s2] =	stream.indirect.scatter.add.bf16 [tilespmem:s22], [sflag:$0x5], $0x50, s19, s17, $0xb8;
	[tilespmem:$0x1AF90] =	vst v63  }
0x85: {  	_ =	swait.ge [sflag:s15], $0x2710  }
0x86: {  	[sflag:s15] =	ssyncset.done $0x0  }
0x87: {  	[sflag:s15] =	ssyncadd.s32 $0xFFFFD8F0  }
0x88: {  	_ =	swait.ge [sflag:s28], $0x2710  }
0x89: {  	[sflag:s28] =	ssyncset.done $0x0  }
0x8a: {  	s19 =	sadd.s32 $0x300, s8;
	[sflag:s28] =	ssyncadd.s32 $0xFFFFD8F0  }
0x8b: {  	[tilespmem:s22], [sflag:$0x3] =	stream.indirect.gather [hbm4b:s5+s17], $0x50, s19, s17, $0xb8;
	[tilespmem:$0x1AF90] =	vst v63  }
.Ltmp3:
0x8c: {  	_ = 	snop;
	(pc) =	sbr.rel @p1 .LBB2_3-.Ltmp3, $4  }
0x8d: {  	s8 =	sadd.s32 $0x2980, s8  }
0x8e: {  	[spmem:s2] =	stream.indirect.scatter.add.bf16 [tilespmem:s24], [sflag:$0x5], $0x50, s8, s17, $0xb8;
	[tilespmem:$0x1AF90] =	vst v63  }
0x8f: {  	_ =	swait.ge [sflag:s15], $0x2710  }
0x90: {  	[sflag:s15] =	ssyncset.done $0x0  }
.Ltmp4:
0x91: {  	[sflag:s15] =	ssyncadd.s32 $0xFFFFD8F0;
	(pc) =	sbr.rel .LBB2_8-.Ltmp4, $4  }
0x92: {  	_ =	swait.ge [sflag:s23], $0x2710  }
0x93: {  	[sflag:s23] =	ssyncset.done $0x0  }
0x94: {  	s8 =	rddreg [dreg:$0x3];
	[sflag:s23] =	ssyncadd.s32 $0xFFFFD8F0  }
0x95: {  	[tilespmem:s24], [sflag:$0x4] =	stream.indirect.gather [hbm4b:s5+s17], $0x50, s29, s17, $0xb8;
	[tilespmem:$0x1AF90] =	vst v63  }
.LBB2_5:
0x96: {  	[tilespmem:s18], [sflag:$0x1] =	stream.indirect.gather [hbm4b:s6+s17], $0x50, s8, s17, $0xb8;
	[tilespmem:$0x1AF90] =	vst v63  }
0x97: {  	s19 =	simm.s32 $0x80  }
0x98: {  	[tilespmem:s20], [sflag:$0x2] =	stream.indirect.gather [hbm4b:s6+s17], $0x50, s19, s17, $0xb8;
	[tilespmem:$0x1AF90] =	vst v63  }
0x99: {  	_ = 	snop  }
0x9a: {  	[tilespmem:s22], [sflag:$0x3] =	stream.indirect.gather [hbm4b:s6+s17], $0x50, s21, s17, $0xb8;
	[tilespmem:$0x1AF90] =	vst v63  }
0x9b: {  	_ =	swait.ge [sflag:s23], $0x2710  }
0x9c: {  	[sflag:s23] =	ssyncset.done $0x0  }
0x9d: {  	s16 =	simm.s32 $0x180;
	[sflag:s23] =	ssyncadd.s32 $0xFFFFD8F0  }
0x9e: {  	[tilespmem:s24], [sflag:$0x4] =	stream.indirect.gather [hbm4b:s6+s17], $0x50, s16, s17, $0xb8;
	[tilespmem:$0x1AF90] =	vst v63  }
0x9f: {  	s19 =	simm.s32 $0x2800  }
0xa0: {  	[spmem:s2] =	stream.indirect.scatter.add.bf16 [tilespmem:s18], [sflag:$0x5], $0x50, s19, s17, $0xb8;
	[tilespmem:$0x1AF90] =	vst v63  }
0xa1: {  	_ =	swait.ge [sflag:s15], $0x2710  }
0xa2: {  	[sflag:s15] =	ssyncset.done $0x0  }
0xa3: {  	[sflag:s15] =	ssyncadd.s32 $0xFFFFD8F0  }
0xa4: {  	_ =	swait.ge [sflag:s25], $0x2710  }
0xa5: {  	[sflag:s25] =	ssyncset.done $0x0  }
0xa6: {  	s16 =	simm.s32 $0x200;
	[sflag:s25] =	ssyncadd.s32 $0xFFFFD8F0  }
0xa7: {  	[tilespmem:s18], [sflag:$0x1] =	stream.indirect.gather [hbm4b:s6+s17], $0x50, s16, s17, $0xb8;
	[tilespmem:$0x1AF90] =	vst v63  }
0xa8: {  	s19 =	simm.s32 $0x2880  }
0xa9: {  	[spmem:s2] =	stream.indirect.scatter.add.bf16 [tilespmem:s20], [sflag:$0x5], $0x50, s19, s17, $0xb8;
	[tilespmem:$0x1AF90] =	vst v63  }
0xaa: {  	_ =	swait.ge [sflag:s15], $0x2710  }
0xab: {  	[sflag:s15] =	ssyncset.done $0x0  }
0xac: {  	[sflag:s15] =	ssyncadd.s32 $0xFFFFD8F0  }
0xad: {  	_ =	swait.ge [sflag:s26], $0x2710  }
0xae: {  	[sflag:s26] =	ssyncset.done $0x0  }
0xaf: {  	s16 =	simm.s32 $0x280;
	[sflag:s26] =	ssyncadd.s32 $0xFFFFD8F0  }
0xb0: {  	[tilespmem:s20], [sflag:$0x2] =	stream.indirect.gather [hbm4b:s6+s17], $0x50, s16, s17, $0xb8;
	[tilespmem:$0x1AF90] =	vst v63  }
0xb1: {  	s19 =	simm.s32 $0x2900  }
0xb2: {  	[spmem:s2] =	stream.indirect.scatter.add.bf16 [tilespmem:s22], [sflag:$0x5], $0x50, s19, s17, $0xb8;
	[tilespmem:$0x1AF90] =	vst v63  }
0xb3: {  	_ =	swait.ge [sflag:s15], $0x2710  }
0xb4: {  	[sflag:s15] =	ssyncset.done $0x0  }
0xb5: {  	[sflag:s15] =	ssyncadd.s32 $0xFFFFD8F0  }
0xb6: {  	_ =	swait.ge [sflag:s28], $0x2710  }
0xb7: {  	[sflag:s28] =	ssyncset.done $0x0  }
0xb8: {  	s16 =	simm.s32 $0x300;
	[sflag:s28] =	ssyncadd.s32 $0xFFFFD8F0  }
0xb9: {  	[tilespmem:s22], [sflag:$0x3] =	stream.indirect.gather [hbm4b:s6+s17], $0x50, s16, s17, $0xb8;
	[tilespmem:$0x1AF90] =	vst v63  }
0xba: {  	s19 =	simm.s32 $0x2980  }
0xbb: {  	[spmem:s2] =	stream.indirect.scatter.add.bf16 [tilespmem:s24], [sflag:$0x5], $0x50, s19, s17, $0xb8;
	[tilespmem:$0x1AF90] =	vst v63  }
0xbc: {  	_ =	swait.ge [sflag:s15], $0x2710  }
0xbd: {  	s16 =	simm.s32 $0x800;
	[sflag:s15] =	ssyncset.done $0x0  }
.LBB2_6:
0xbe: {  	p1 =	sne.s32 s16, $0x9000  }
0xbf: {  	[sflag:s15] =	ssyncadd.s32 $0xFFFFD8F0;
	s8 =	smov.u32 s16;
	s16 =	sadd.s32 $0x800, s16  }
0xc0: {  	_ = 	snop  }
0xc1: {  	_ =	swait.ge [sflag:s23], $0x2710  }
0xc2: {  	s8 =	sshra.s32 s8, $0x2;
	[sflag:s23] =	ssyncset.done $0x0  }
0xc3: {  	s19 =	sadd.s32 $0x180, s8;
	[sflag:s23] =	ssyncadd.s32 $0xFFFFD8F0  }
0xc4: {  	[tilespmem:s24], [sflag:$0x4] =	stream.indirect.gather [hbm4b:s6+s17], $0x50, s19, s17, $0xb8;
	[tilespmem:$0x1AF90] =	vst v63  }
0xc5: {  	s19 =	sadd.s32 $0x2800, s8  }
0xc6: {  	[spmem:s2] =	stream.indirect.scatter.add.bf16 [tilespmem:s18], [sflag:$0x5], $0x50, s19, s17, $0xb8;
	[tilespmem:$0x1AF90] =	vst v63  }
0xc7: {  	_ =	swait.ge [sflag:s15], $0x2710  }
0xc8: {  	[sflag:s15] =	ssyncset.done $0x0  }
0xc9: {  	[sflag:s15] =	ssyncadd.s32 $0xFFFFD8F0  }
0xca: {  	_ =	swait.ge [sflag:s25], $0x2710  }
0xcb: {  	[sflag:s25] =	ssyncset.done $0x0  }
0xcc: {  	s19 =	sadd.s32 $0x200, s8;
	[sflag:s25] =	ssyncadd.s32 $0xFFFFD8F0  }
0xcd: {  	[tilespmem:s18], [sflag:$0x1] =	stream.indirect.gather [hbm4b:s6+s17], $0x50, s19, s17, $0xb8;
	[tilespmem:$0x1AF90] =	vst v63  }
0xce: {  	s19 =	sadd.s32 $0x2880, s8  }
0xcf: {  	[spmem:s2] =	stream.indirect.scatter.add.bf16 [tilespmem:s20], [sflag:$0x5], $0x50, s19, s17, $0xb8;
	[tilespmem:$0x1AF90] =	vst v63  }
0xd0: {  	_ =	swait.ge [sflag:s15], $0x2710  }
0xd1: {  	[sflag:s15] =	ssyncset.done $0x0  }
0xd2: {  	[sflag:s15] =	ssyncadd.s32 $0xFFFFD8F0  }
0xd3: {  	_ =	swait.ge [sflag:s26], $0x2710  }
0xd4: {  	[sflag:s26] =	ssyncset.done $0x0  }
0xd5: {  	s19 =	sadd.s32 $0x280, s8;
	[sflag:s26] =	ssyncadd.s32 $0xFFFFD8F0  }
0xd6: {  	[tilespmem:s20], [sflag:$0x2] =	stream.indirect.gather [hbm4b:s6+s17], $0x50, s19, s17, $0xb8;
	[tilespmem:$0x1AF90] =	vst v63  }
0xd7: {  	s19 =	sadd.s32 $0x2900, s8  }
0xd8: {  	[spmem:s2] =	stream.indirect.scatter.add.bf16 [tilespmem:s22], [sflag:$0x5], $0x50, s19, s17, $0xb8;
	[tilespmem:$0x1AF90] =	vst v63  }
0xd9: {  	_ =	swait.ge [sflag:s15], $0x2710  }
0xda: {  	[sflag:s15] =	ssyncset.done $0x0  }
0xdb: {  	[sflag:s15] =	ssyncadd.s32 $0xFFFFD8F0  }
0xdc: {  	_ =	swait.ge [sflag:s28], $0x2710  }
0xdd: {  	[sflag:s28] =	ssyncset.done $0x0  }
0xde: {  	s19 =	sadd.s32 $0x300, s8;
	[sflag:s28] =	ssyncadd.s32 $0xFFFFD8F0  }
0xdf: {  	[tilespmem:s22], [sflag:$0x3] =	stream.indirect.gather [hbm4b:s6+s17], $0x50, s19, s17, $0xb8;
	[tilespmem:$0x1AF90] =	vst v63  }
.Ltmp5:
0xe0: {  	_ = 	snop;
	(pc) =	sbr.rel @p1 .LBB2_6-.Ltmp5, $4  }
0xe1: {  	s8 =	sadd.s32 $0x2980, s8  }
0xe2: {  	[spmem:s2] =	stream.indirect.scatter.add.bf16 [tilespmem:s24], [sflag:$0x5], $0x50, s8, s17, $0xb8;
	[tilespmem:$0x1AF90] =	vst v63  }
0xe3: {  	_ =	swait.ge [sflag:s15], $0x2710  }
0xe4: {  	[sflag:s15] =	ssyncset.done $0x0  }
.Ltmp6:
0xe5: {  	_ = 	snop;
	(pc) =	sbr.rel .LBB2_7-.Ltmp6, $1  }
0xe6: {  	_ =	sdelay $0x3  }
.LBB2_9:
0xe7: {  	_ =	sfence.sel $0x180000  }
0xe8: {  	[bflag:$0x0] =	sbarrier.arrive $0xFFFF  }
0xe9: {  	_ =	strace $0x90000047  }
0xea: {  	s0 =	stileid.u32;
	[bflag:$0x2] =	sbarrier.arrive $0xFFFF  }
0xeb: {  	p0 =	sne.s32 s0, $0x0;
	s0 =	rddreg [dreg:$0x2]  }
0xec: {  	s0 =	sadd.s32 @!p0 $0x100000, s0  }
0xed: {  	[sflag:s0] =	ssyncadd.tile.s32 @!p0 $0x1;
	_ =	shalt  }
.Lfunc_end2:
_tile_overlayer_lowered:
.L_overlay_start_2:
0xee: {  	(tag) =	ssettag $0x2  }
0xef: {  	s0 =	rddreg [dreg:$0x0];
	s2 =	stileid.u32  }
0xf0: {  	s1 =	rddreg [dreg:$0x1];
	p0 =	sne.s32 s2, $0x0  }
0xf1: {  	s3 =	rddreg [dreg:$0x2];
	[bflag:$0x3] =	sbarrier.arrive $0xFFFF;
	s2 =	simm.s32 @!p0 $0x1C05  }
0xf2: {  	[timem:s3], [sflag:s2] =	dma.local @!p0 [hbm:s0], s1  }
0xf3: {  	s0 =	simm.s32 @!p0 $0x5  }
0xf4: {  	_ =	swait.ge @!p0 [sflag:s0], s1  }
0xf5: {  	s1 =	ssub.s32 @!p0 $0x0, s1;
	[sflag:s0] =	ssyncset.done @!p0 $0x0  }
0xf6: {  	[sflag:s0] =	ssyncadd.s32 @!p0 s1  }
0xf7: {  	[bflag:$0x3] =	sbarrier.arrive $0xFFFF  }
0xf8: {  	_ =	shalt  }

</sc_bundles>
